<compile_context>
chip_gen: v7x
topology: tpu7x:2x2x1
jax: 0.10.2.dev20260603
libtpu: 0.0.44.dev20260713+nightly
codegen_flags: <defaults>
</compile_context>

<pallas_src>
import jax
import jax.numpy as jnp
from jax import lax
from jax.experimental import pallas as pl
from jax.experimental.pallas import tpu as pltpu
from jax.experimental.pallas import tpu_sc as plsc

N_NODES = 1000
EP = 12288
NW = 32
EPW = EP // NW
NPAD = 1024
LPL = EP // 16

_PI = 3.141592653589793
_HALF_PI = 1.5707963267948966


def _atan_poly(a):
    z = a * a
    p = jnp.float32(-0.0117212)
    p = p * z + jnp.float32(0.05265332)
    p = p * z + jnp.float32(-0.11643287)
    p = p * z + jnp.float32(0.19354346)
    p = p * z + jnp.float32(-0.33262347)
    p = p * z + jnp.float32(0.99997726)
    return a * p


def _atan2_pos(y, x):
    ax = jnp.abs(x)
    mn = jnp.minimum(y, ax)
    mx = jnp.maximum(y, ax)
    a = jnp.where(mx > 0.0, mn / mx, 0.0)
    r = _atan_poly(a)
    r = jnp.where(y > ax, _HALF_PI - r, r)
    r = jnp.where(x < 0.0, _PI - r, r)
    return r


def _sqrt_nn(x):
    i = plsc.bitcast(x, jnp.int32)
    i = jnp.int32(0x5F3759DF) - lax.shift_right_logical(i, 1)
    y = plsc.bitcast(i, jnp.float32)
    for _ in range(3):
        y = y * (jnp.float32(1.5) - jnp.float32(0.5) * x * y * y)
    return jnp.where(x > 0.0, x * y, 0.0)


def _sc_body(recv_hbm, send_hbm, ex_hbm, ey_hbm, ez_hbm, vx_hbm, vy_hbm, vz_hbm,
             azk_hbm, azb_hbm, ck_hbm,
             az_hbm,
             recv_s, ex_s, ey_s, ez_s, sidx_s, cnt_s, tot_s, off_s,
             send_s, vx_s, vy_s, vz_s, t_s, p_s, d_s, az_s,
             azk_s, azb_s, ck_s, dsem):
    cid = lax.axis_index("c")
    sid = lax.axis_index("s")
    wid = sid * 2 + cid
    base = wid * EPW

    lanes = jnp.arange(16, dtype=jnp.int32)
    ones_i = jnp.ones((16,), jnp.int32)

    cps = [
        pltpu.async_copy(azk_hbm, azk_s, dsem),
        pltpu.async_copy(azb_hbm, azb_s, dsem),
        pltpu.async_copy(ck_hbm, ck_s, dsem),
        pltpu.async_copy(recv_hbm, recv_s, dsem),
        pltpu.async_copy(ex_hbm, ex_s, dsem),
        pltpu.async_copy(ey_hbm, ey_s, dsem),
        pltpu.async_copy(ez_hbm, ez_s, dsem),
        pltpu.async_copy(send_hbm.at[pl.ds(base, EPW)], send_s, dsem),
        pltpu.async_copy(vx_hbm.at[pl.ds(base, EPW)], vx_s, dsem),
        pltpu.async_copy(vy_hbm.at[pl.ds(base, EPW)], vy_s, dsem),
        pltpu.async_copy(vz_hbm.at[pl.ds(base, EPW)], vz_s, dsem),
    ]
    for cp in cps:
        cp.wait()

    def wgt_body(m, carry):
        wph, wth, ba = carry
        ak0 = azk_s[pl.ds(m * 16, 16)]
        ak1 = azk_s[pl.ds(64 + m * 16, 16)]
        ab = azb_s[pl.ds(m * 16, 16)]
        for u in range(16):
            wa_k = ck_s[pl.ds((64 + m * 16 + u) * 16, 16)]
            wph = wph + ak0[u] * wa_k
            wth = wth + ak1[u] * wa_k
            ba = ba + ab[u] * wa_k
        return (wph, wth, ba)
    zf = jnp.zeros((16,), jnp.float32)
    wph_v, wth_v, ba_v = lax.fori_loop(0, 4, wgt_body, (zf, zf, zf))

    def zero_body(i, _):
        z = jnp.zeros((16,), jnp.int32)
        for u in range(8):
            cnt_s[pl.ds(i * 128 + u * 16, 16)] = z
        return 0
    lax.fori_loop(0, (16 * NPAD) // 128, zero_body, 0)

    def count_body(k, _):
        for u in range(6):
            eidx = lanes * LPL + (k * 6 + u)
            rv = plsc.load_gather(recv_s, [eidx])
            plsc.addupdate_scatter(cnt_s, [lanes * NPAD + rv], ones_i)
        return 0
    lax.fori_loop(0, LPL // 6, count_body, 0)

    def pfx_outer(m, _):
        run = jnp.zeros((16,), jnp.int32)
        for l in range(16):
            o = l * NPAD + m * 16
            cl = cnt_s[pl.ds(o, 16)]
            cnt_s[pl.ds(o, 16)] = run
            run = run + cl
        tot_s[pl.ds(m * 16, 16)] = run
        return 0
    lax.fori_loop(0, NPAD // 16, pfx_outer, 0)

    def off_body(m, carry):
        t = tot_s[pl.ds(m * 16, 16)]
        cs = plsc.cumsum(t)
        off_s[pl.ds(m * 16, 16)] = cs - t + carry
        return carry + jnp.sum(t)
    lax.fori_loop(0, NPAD // 16, off_body, jnp.int32(0))

    def place_body(k, _):
        for u in range(6):
            eidx = lanes * LPL + (k * 6 + u)
            rv = plsc.load_gather(recv_s, [eidx])
            cidx = lanes * NPAD + rv
            pos = plsc.load_gather(off_s, [rv]) + plsc.load_gather(cnt_s, [cidx])
            plsc.store_scatter(sidx_s, [pos], eidx)
            plsc.addupdate_scatter(cnt_s, [cidx], ones_i)
        return 0
    lax.fori_loop(0, LPL // 6, place_body, 0)

    def group_body(g, _):
        gbase = base + g * 16
        sv = send_s[pl.ds(g * 16, 16)]
        pxv = ex_s[pl.ds(gbase, 16)]
        pyv = ey_s[pl.ds(gbase, 16)]
        pzv = ez_s[pl.ds(gbase, 16)]
        vxv = vx_s[pl.ds(g * 16, 16)]
        vyv = vy_s[pl.ds(g * 16, 16)]
        vzv = vz_s[pl.ds(g * 16, 16)]
        ov = plsc.load_gather(off_s, [sv])
        dnv = plsc.load_gather(tot_s, [sv])
        nmax = jnp.max(dnv)

        def pair_body(k, accs):
            at, ap = accs
            idx = jnp.minimum(ov + k, EP - 1)
            jv = plsc.load_gather(sidx_s, [idx])
            jv = jnp.where(dnv > k, jv, EP - 1)
            exv = plsc.load_gather(ex_s, [jv])
            eyv = plsc.load_gather(ey_s, [jv])
            ezv = plsc.load_gather(ez_s, [jv])
            d = pxv * exv + pyv * eyv + pzv * ezv
            cx = pyv * ezv - pzv * eyv
            cy = pzv * exv - pxv * ezv
            cz = pxv * eyv - pyv * exv
            c = _sqrt_nn(cx * cx + cy * cy + cz * cz)
            th = _atan2_pos(c, d)
            wv = vxv * exv + vyv * eyv + vzv * ezv
            ph = _atan2_pos(c * jnp.abs(d), wv * d)
            return (at + th, ap + ph)

        z = jnp.zeros((16,), jnp.float32)
        at, ap = lax.fori_loop(0, nmax, pair_body, (z, z))
        t_s[pl.ds(g * 16, 16)] = at
        p_s[pl.ds(g * 16, 16)] = ap
        d_s[pl.ds(g * 16, 16)] = dnv.astype(jnp.float32)
        return 0
    lax.fori_loop(0, EPW // 16, group_body, 0)

    def row_body(g, _):
        tv = t_s[pl.ds(g * 16, 16)]
        pv = p_s[pl.ds(g * 16, 16)]
        dv = d_s[pl.ds(g * 16, 16)]
        for u in range(16):
            row = tv[u] * wth_v + pv[u] * wph_v + dv[u] * ba_v
            az_s[pl.ds((g * 16 + u) * 16, 16)] = row
        return 0
    lax.fori_loop(0, EPW // 16, row_body, 0)

    pltpu.sync_copy(az_s, az_hbm.at[pl.ds(base * 16, EPW * 16)])


def _tc_seg_body(bond_ref, recvc_ref, sendc_ref, ck_ref, cg_ref):
    f32 = jnp.float32
    wb = ck_ref[0:64, :]
    niota_row = lax.broadcasted_iota(jnp.int32, (1, NPAD), 1)

    def segsum(ch, acc):
        sl = pl.ds(ch * 600, 600)
        rc = recvc_ref[sl, :]
        oh = (rc == niota_row).astype(f32)
        bw = jnp.dot(bond_ref[sl, :], wb,
                     preferred_element_type=f32)
        return acc + lax.dot_general(oh, bw, (((0,), (0,)), ((), ())),
                                     preferred_element_type=f32)
    seg = lax.fori_loop(0, 20, segsum, jnp.zeros((NPAD, 16), f32))

    def outt(t, _):
        sl = pl.ds(t * 1000, 1000)
        sc = sendc_ref[sl, :]
        oh = (sc == niota_row).astype(f32)
        cg_ref[sl, :] = jnp.dot(oh, seg, preferred_element_type=f32)
        return 0
    lax.fori_loop(0, 12, outt, 0)


def _tc_add_body(cg_ref, az_ref, cb_ref, out_ref):
    out_ref[...] = cg_ref[...] + az_ref[0:12000, :] + cb_ref[...]


@jax.jit
def kernel(bond_features, local_env, pair_indices, az_kernel, az_bias, concat_kernel, concat_bias):
    E = bond_features.shape[0]
    pad = EP - E
    recv = jnp.pad(pair_indices[:, 1], (0, pad), constant_values=N_NODES)
    send = jnp.pad(pair_indices[:, 0], (0, pad), constant_values=N_NODES + 1)
    exa = jnp.pad(local_env[:, 0], (0, pad))
    eya = jnp.pad(local_env[:, 1], (0, pad))
    eza = jnp.pad(local_env[:, 2], (0, pad))
    vxa = jnp.pad(local_env[:, 3], (0, pad))
    vya = jnp.pad(local_env[:, 4], (0, pad))
    vza = jnp.pad(local_env[:, 5], (0, pad))

    sc_fn = pl.kernel(
        _sc_body,
        out_type=jax.ShapeDtypeStruct((EP * 16,), jnp.float32),
        mesh=plsc.VectorSubcoreMesh(core_axis_name="c", subcore_axis_name="s",
                                    num_cores=2, num_subcores=16),
        compiler_params=pltpu.CompilerParams(needs_layout_passes=False),
        scratch_types=[
            pltpu.VMEM((EP,), jnp.int32),
            pltpu.VMEM((EP,), jnp.float32),
            pltpu.VMEM((EP,), jnp.float32),
            pltpu.VMEM((EP,), jnp.float32),
            pltpu.VMEM((EP,), jnp.int32),
            pltpu.VMEM((16 * NPAD,), jnp.int32),
            pltpu.VMEM((NPAD,), jnp.int32),
            pltpu.VMEM((NPAD,), jnp.int32),
            pltpu.VMEM((EPW,), jnp.int32),
            pltpu.VMEM((EPW,), jnp.float32),
            pltpu.VMEM((EPW,), jnp.float32),
            pltpu.VMEM((EPW,), jnp.float32),
            pltpu.VMEM((EPW,), jnp.float32),
            pltpu.VMEM((EPW,), jnp.float32),
            pltpu.VMEM((EPW,), jnp.float32),
            pltpu.VMEM((EPW * 16,), jnp.float32),
            pltpu.VMEM((128,), jnp.float32),
            pltpu.VMEM((64,), jnp.float32),
            pltpu.VMEM((2048,), jnp.float32),
            pltpu.SemaphoreType.DMA,
        ],
    )
    az = sc_fn(recv, send, exa, eya, eza, vxa, vya, vza,
               az_kernel.reshape(-1), az_bias, concat_kernel.reshape(-1))

    cg = pl.pallas_call(
        _tc_seg_body,
        out_shape=jax.ShapeDtypeStruct((E, 16), jnp.float32),
    )(bond_features, pair_indices[:, 1:2], pair_indices[:, 0:1], concat_kernel)

    out = pl.pallas_call(
        _tc_add_body,
        out_shape=jax.ShapeDtypeStruct((E, 16), jnp.float32),
    )(cg, az.reshape(EP, 16), concat_bias[None, :])
    return out

# --- scband reference (transcript-rebuilt; emitter-appended) ---
"""Pipeline reference for scband-edge-graph-network-48627619726067 (READ-ONLY COPY).

The authoritative reference and input builder live on the scoring server;
editing this copy changes nothing except your own understanding.
"""

import jax, jax.numpy as jnp
import numpy as np

E = 12000
N = 1000
AZ_UNITS = 64
BOND_DIM = 64
OUT_UNITS = 16


def setup_inputs(seed: int = 0) -> dict:
    key = jax.random.key(seed)
    k1, k2, k3, k4, k5 = jax.random.split(key, 5)
    bond_features = jax.random.normal(k1, (E, BOND_DIM), dtype=jnp.float32)
    local_env = jax.random.normal(k2, (E, 6), dtype=jnp.float32)
    pair_indices = jax.random.randint(k3, (E, 2), 0, N, dtype=jnp.int32)
    az_kernel = jax.random.normal(k4, (2, AZ_UNITS), dtype=jnp.float32) * 0.1
    az_bias = jnp.zeros((AZ_UNITS,), dtype=jnp.float32)
    concat_kernel = jax.random.normal(k5, (BOND_DIM + AZ_UNITS, OUT_UNITS), dtype=jnp.float32) * 0.1
    concat_bias = jnp.zeros((OUT_UNITS,), dtype=jnp.float32)
    return {
        'bond_features': bond_features,
        'local_env': local_env,
        'pair_indices': pair_indices,
        'az_kernel': az_kernel,
        'az_bias': az_bias,
        'concat_kernel': concat_kernel,
        'concat_bias': concat_bias,
    }


def reference(bond_features, local_env, pair_indices, az_kernel, az_bias, concat_kernel, concat_bias):
    # --- AzimuthLayer.spherical_coordiates ---
    le = jnp.reshape(local_env, (-1, 2, 3))
    sends = pair_indices[:, 0]
    recives = pair_indices[:, 1]
    edges_all = le[:, 0]

    def body(carry, x):
        le_i, send_i = x
        polar = le_i[0]
        vertical = le_i[1]
        mask_i = send_i == recives
        inner_product_theta = jnp.sum(polar * edges_all, axis=-1)
        cross_product_theta = jnp.linalg.norm(jnp.cross(jnp.broadcast_to(polar, edges_all.shape), edges_all), axis=-1)
        theta = jnp.arctan2(cross_product_theta, inner_product_theta)
        edges_projected = edges_all * jnp.cos(theta)[:, None]
        inner_product_phi = jnp.sum(vertical * edges_projected, axis=-1)
        cross_product_phi = jnp.linalg.norm(jnp.cross(jnp.broadcast_to(polar, edges_projected.shape), edges_projected), axis=-1)
        phi = jnp.arctan2(cross_product_phi, inner_product_phi)
        phi_theta = jnp.concatenate([phi[:, None], theta[:, None]], axis=-1)
        # --- AzimuthLayer dense ---
        azimuth_features = phi_theta @ az_kernel + az_bias
        # --- ConcatLayer ---
        edges_concat = jnp.concatenate([bond_features, azimuth_features], axis=-1)
        aggregated_row = jnp.sum(jnp.where(mask_i[:, None], edges_concat, jnp.zeros_like(edges_concat)), axis=0)
        return carry, aggregated_row

    _, aggregated = jax.lax.scan(body, None, (le, sends))
    out = aggregated @ concat_kernel + concat_bias
    return out

if __name__ == "__main__":
    import jax
    _d = setup_inputs()
    print(jax.jit(kernel)(*tuple(_d.values())))

</pallas_src>

<mosaic_0001>
#map = affine_map<(d0, d1) -> (0)>
module attributes {stable_mosaic.version = 14 : i64} {
  func.func @_sc_body(%arg0: i32, %arg1: i32, %arg2: memref<12288xi32, #tpu.memory_space<hbm>>, %arg3: memref<12288xi32, #tpu.memory_space<hbm>>, %arg4: memref<12288xf32, #tpu.memory_space<hbm>>, %arg5: memref<12288xf32, #tpu.memory_space<hbm>>, %arg6: memref<12288xf32, #tpu.memory_space<hbm>>, %arg7: memref<12288xf32, #tpu.memory_space<hbm>>, %arg8: memref<12288xf32, #tpu.memory_space<hbm>>, %arg9: memref<12288xf32, #tpu.memory_space<hbm>>, %arg10: memref<128xf32, #tpu.memory_space<hbm>>, %arg11: memref<64xf32, #tpu.memory_space<hbm>>, %arg12: memref<2048xf32, #tpu.memory_space<hbm>>, %arg13: memref<196608xf32, #tpu.memory_space<hbm>>, %arg14: memref<12288xi32, #tpu.memory_space<vmem>>, %arg15: memref<12288xf32, #tpu.memory_space<vmem>>, %arg16: memref<12288xf32, #tpu.memory_space<vmem>>, %arg17: memref<12288xf32, #tpu.memory_space<vmem>>, %arg18: memref<12288xi32, #tpu.memory_space<vmem>>, %arg19: memref<16384xi32, #tpu.memory_space<vmem>>, %arg20: memref<1024xi32, #tpu.memory_space<vmem>>, %arg21: memref<1024xi32, #tpu.memory_space<vmem>>, %arg22: memref<384xi32, #tpu.memory_space<vmem>>, %arg23: memref<384xf32, #tpu.memory_space<vmem>>, %arg24: memref<384xf32, #tpu.memory_space<vmem>>, %arg25: memref<384xf32, #tpu.memory_space<vmem>>, %arg26: memref<384xf32, #tpu.memory_space<vmem>>, %arg27: memref<384xf32, #tpu.memory_space<vmem>>, %arg28: memref<384xf32, #tpu.memory_space<vmem>>, %arg29: memref<6144xf32, #tpu.memory_space<vmem>>, %arg30: memref<128xf32, #tpu.memory_space<vmem>>, %arg31: memref<64xf32, #tpu.memory_space<vmem>>, %arg32: memref<2048xf32, #tpu.memory_space<vmem>>, %arg33: memref<!tpu.dma_semaphore, #tpu.memory_space<semaphore_mem>>) attributes {dimension_semantics = [#tpu.dimension_semantics<core_parallel>, #tpu.dimension_semantics<subcore_parallel>], iteration_bounds = array<i64: 2, 16>, scalar_prefetch = 0 : i64, scratch_operands = 20 : i64, tpu.core_type = #tpu.core_type<sc_vector_subcore>, window_params = [{transform_indices = #map}, {transform_indices = #map}, {transform_indices = #map}, {transform_indices = #map}, {transform_indices = #map}, {transform_indices = #map}, {transform_indices = #map}, {transform_indices = #map}, {transform_indices = #map}, {transform_indices = #map}, {transform_indices = #map}, {transform_indices = #map}]} {
    %mul3A = arith.constant 2 : i32
    %mul3A_0 = arith.muli %arg1, %mul3A : i32
    %add3A = arith.addi %mul3A_0, %arg0 : i32
    %mul3A_1 = arith.constant 384 : i32
    %mul3A_2 = arith.muli %add3A, %mul3A_1 : i32
    %iota3A = tpu.iota {dimensions = array<i32: 0>} : vector<16xi32>
    %broadcast_in_dim3A = arith.constant 1 : i32
    %broadcast_in_dim3A_3 = vector.broadcast %broadcast_in_dim3A : i32 to vector<16xi32>
    tpu.enqueue_dma source(%arg10 : memref<128xf32, #tpu.memory_space<hbm>>) target(%arg30 : memref<128xf32, #tpu.memory_space<vmem>>) target_semaphore(%arg33 : memref<!tpu.dma_semaphore, #tpu.memory_space<semaphore_mem>>)
    tpu.enqueue_dma source(%arg11 : memref<64xf32, #tpu.memory_space<hbm>>) target(%arg31 : memref<64xf32, #tpu.memory_space<vmem>>) target_semaphore(%arg33 : memref<!tpu.dma_semaphore, #tpu.memory_space<semaphore_mem>>)
    tpu.enqueue_dma source(%arg12 : memref<2048xf32, #tpu.memory_space<hbm>>) target(%arg32 : memref<2048xf32, #tpu.memory_space<vmem>>) target_semaphore(%arg33 : memref<!tpu.dma_semaphore, #tpu.memory_space<semaphore_mem>>)
    tpu.enqueue_dma source(%arg2 : memref<12288xi32, #tpu.memory_space<hbm>>) target(%arg14 : memref<12288xi32, #tpu.memory_space<vmem>>) target_semaphore(%arg33 : memref<!tpu.dma_semaphore, #tpu.memory_space<semaphore_mem>>)
    tpu.enqueue_dma source(%arg4 : memref<12288xf32, #tpu.memory_space<hbm>>) target(%arg15 : memref<12288xf32, #tpu.memory_space<vmem>>) target_semaphore(%arg33 : memref<!tpu.dma_semaphore, #tpu.memory_space<semaphore_mem>>)
    tpu.enqueue_dma source(%arg5 : memref<12288xf32, #tpu.memory_space<hbm>>) target(%arg16 : memref<12288xf32, #tpu.memory_space<vmem>>) target_semaphore(%arg33 : memref<!tpu.dma_semaphore, #tpu.memory_space<semaphore_mem>>)
    tpu.enqueue_dma source(%arg6 : memref<12288xf32, #tpu.memory_space<hbm>>) target(%arg17 : memref<12288xf32, #tpu.memory_space<vmem>>) target_semaphore(%arg33 : memref<!tpu.dma_semaphore, #tpu.memory_space<semaphore_mem>>)
    %dma_start3A = tpu.memref_slice %arg3[%mul3A_2] : memref<12288xi32, #tpu.memory_space<hbm>> -> memref<384xi32, #tpu.memory_space<hbm>>
    %dma_start3A_4 = tpu.memref_slice %arg3[%mul3A_2] : memref<12288xi32, #tpu.memory_space<hbm>> -> memref<384xi32, #tpu.memory_space<hbm>>
    tpu.enqueue_dma source(%dma_start3A_4 : memref<384xi32, #tpu.memory_space<hbm>>) target(%arg22 : memref<384xi32, #tpu.memory_space<vmem>>) target_semaphore(%arg33 : memref<!tpu.dma_semaphore, #tpu.memory_space<semaphore_mem>>)
    %dma_start3A_5 = tpu.memref_slice %arg7[%mul3A_2] : memref<12288xf32, #tpu.memory_space<hbm>> -> memref<384xf32, #tpu.memory_space<hbm>>
    %dma_start3A_6 = tpu.memref_slice %arg7[%mul3A_2] : memref<12288xf32, #tpu.memory_space<hbm>> -> memref<384xf32, #tpu.memory_space<hbm>>
    tpu.enqueue_dma source(%dma_start3A_6 : memref<384xf32, #tpu.memory_space<hbm>>) target(%arg23 : memref<384xf32, #tpu.memory_space<vmem>>) target_semaphore(%arg33 : memref<!tpu.dma_semaphore, #tpu.memory_space<semaphore_mem>>)
    %dma_start3A_7 = tpu.memref_slice %arg8[%mul3A_2] : memref<12288xf32, #tpu.memory_space<hbm>> -> memref<384xf32, #tpu.memory_space<hbm>>
    %dma_start3A_8 = tpu.memref_slice %arg8[%mul3A_2] : memref<12288xf32, #tpu.memory_space<hbm>> -> memref<384xf32, #tpu.memory_space<hbm>>
    tpu.enqueue_dma source(%dma_start3A_8 : memref<384xf32, #tpu.memory_space<hbm>>) target(%arg24 : memref<384xf32, #tpu.memory_space<vmem>>) target_semaphore(%arg33 : memref<!tpu.dma_semaphore, #tpu.memory_space<semaphore_mem>>)
    %dma_start3A_9 = tpu.memref_slice %arg9[%mul3A_2] : memref<12288xf32, #tpu.memory_space<hbm>> -> memref<384xf32, #tpu.memory_space<hbm>>
    %dma_start3A_10 = tpu.memref_slice %arg9[%mul3A_2] : memref<12288xf32, #tpu.memory_space<hbm>> -> memref<384xf32, #tpu.memory_space<hbm>>
    tpu.enqueue_dma source(%dma_start3A_10 : memref<384xf32, #tpu.memory_space<hbm>>) target(%arg25 : memref<384xf32, #tpu.memory_space<vmem>>) target_semaphore(%arg33 : memref<!tpu.dma_semaphore, #tpu.memory_space<semaphore_mem>>)
    tpu.wait_dma2 semaphore(%arg33 : memref<!tpu.dma_semaphore, #tpu.memory_space<semaphore_mem>>) src(%arg10 : memref<128xf32, #tpu.memory_space<hbm>>) dst(%arg30 : memref<128xf32, #tpu.memory_space<vmem>>)
    tpu.wait_dma2 semaphore(%arg33 : memref<!tpu.dma_semaphore, #tpu.memory_space<semaphore_mem>>) src(%arg11 : memref<64xf32, #tpu.memory_space<hbm>>) dst(%arg31 : memref<64xf32, #tpu.memory_space<vmem>>)
    tpu.wait_dma2 semaphore(%arg33 : memref<!tpu.dma_semaphore, #tpu.memory_space<semaphore_mem>>) src(%arg12 : memref<2048xf32, #tpu.memory_space<hbm>>) dst(%arg32 : memref<2048xf32, #tpu.memory_space<vmem>>)
    tpu.wait_dma2 semaphore(%arg33 : memref<!tpu.dma_semaphore, #tpu.memory_space<semaphore_mem>>) src(%arg2 : memref<12288xi32, #tpu.memory_space<hbm>>) dst(%arg14 : memref<12288xi32, #tpu.memory_space<vmem>>)
    tpu.wait_dma2 semaphore(%arg33 : memref<!tpu.dma_semaphore, #tpu.memory_space<semaphore_mem>>) src(%arg4 : memref<12288xf32, #tpu.memory_space<hbm>>) dst(%arg15 : memref<12288xf32, #tpu.memory_space<vmem>>)
    tpu.wait_dma2 semaphore(%arg33 : memref<!tpu.dma_semaphore, #tpu.memory_space<semaphore_mem>>) src(%arg5 : memref<12288xf32, #tpu.memory_space<hbm>>) dst(%arg16 : memref<12288xf32, #tpu.memory_space<vmem>>)
    tpu.wait_dma2 semaphore(%arg33 : memref<!tpu.dma_semaphore, #tpu.memory_space<semaphore_mem>>) src(%arg6 : memref<12288xf32, #tpu.memory_space<hbm>>) dst(%arg17 : memref<12288xf32, #tpu.memory_space<vmem>>)
    %dma_wait3A = tpu.memref_slice %arg3[%mul3A_2] : memref<12288xi32, #tpu.memory_space<hbm>> -> memref<384xi32, #tpu.memory_space<hbm>>
    %dma_wait3A_11 = tpu.memref_slice %arg3[%mul3A_2] : memref<12288xi32, #tpu.memory_space<hbm>> -> memref<384xi32, #tpu.memory_space<hbm>>
    tpu.wait_dma2 semaphore(%arg33 : memref<!tpu.dma_semaphore, #tpu.memory_space<semaphore_mem>>) src(%dma_wait3A_11 : memref<384xi32, #tpu.memory_space<hbm>>) dst(%arg22 : memref<384xi32, #tpu.memory_space<vmem>>)
    %dma_wait3A_12 = tpu.memref_slice %arg7[%mul3A_2] : memref<12288xf32, #tpu.memory_space<hbm>> -> memref<384xf32, #tpu.memory_space<hbm>>
    %dma_wait3A_13 = tpu.memref_slice %arg7[%mul3A_2] : memref<12288xf32, #tpu.memory_space<hbm>> -> memref<384xf32, #tpu.memory_space<hbm>>
    tpu.wait_dma2 semaphore(%arg33 : memref<!tpu.dma_semaphore, #tpu.memory_space<semaphore_mem>>) src(%dma_wait3A_13 : memref<384xf32, #tpu.memory_space<hbm>>) dst(%arg23 : memref<384xf32, #tpu.memory_space<vmem>>)
    %dma_wait3A_14 = tpu.memref_slice %arg8[%mul3A_2] : memref<12288xf32, #tpu.memory_space<hbm>> -> memref<384xf32, #tpu.memory_space<hbm>>
    %dma_wait3A_15 = tpu.memref_slice %arg8[%mul3A_2] : memref<12288xf32, #tpu.memory_space<hbm>> -> memref<384xf32, #tpu.memory_space<hbm>>
    tpu.wait_dma2 semaphore(%arg33 : memref<!tpu.dma_semaphore, #tpu.memory_space<semaphore_mem>>) src(%dma_wait3A_15 : memref<384xf32, #tpu.memory_space<hbm>>) dst(%arg24 : memref<384xf32, #tpu.memory_space<vmem>>)
    %dma_wait3A_16 = tpu.memref_slice %arg9[%mul3A_2] : memref<12288xf32, #tpu.memory_space<hbm>> -> memref<384xf32, #tpu.memory_space<hbm>>
    %dma_wait3A_17 = tpu.memref_slice %arg9[%mul3A_2] : memref<12288xf32, #tpu.memory_space<hbm>> -> memref<384xf32, #tpu.memory_space<hbm>>
    tpu.wait_dma2 semaphore(%arg33 : memref<!tpu.dma_semaphore, #tpu.memory_space<semaphore_mem>>) src(%dma_wait3A_17 : memref<384xf32, #tpu.memory_space<hbm>>) dst(%arg25 : memref<384xf32, #tpu.memory_space<vmem>>)
    %broadcast_in_dim3A_18 = arith.constant 0.000000e+00 : f32
    %broadcast_in_dim3A_19 = vector.broadcast %broadcast_in_dim3A_18 : f32 to vector<16xf32>
    %scan3A = arith.constant 0 : i32
    %scan3A_20 = arith.constant 4 : i32
    %scan3A_21 = arith.addi %scan3A, %scan3A_20 : i32
    %scan3A_22 = arith.constant 1 : i32
    %scan3A_23:3 = scf.for %scan3A_76 = %scan3A to %scan3A_21 step %scan3A_22 iter_args(%scan3A_77 = %broadcast_in_dim3A_19, %scan3A_78 = %broadcast_in_dim3A_19, %scan3A_79 = %broadcast_in_dim3A_19) -> (vector<16xf32>, vector<16xf32>, vector<16xf32>)  : i32 {
      %mul3A_80 = arith.constant 16 : i32
      %mul3A_81 = arith.muli %scan3A_76, %mul3A_80 : i32
      %get3A = arith.index_cast %mul3A_81 : i32 to index
      %get3A_82 = tpu.vector_load %arg30[%get3A] {strides = array<i32>} : memref<128xf32, #tpu.memory_space<vmem>>, vector<16xf32>,
      %mul3A_83 = arith.constant 16 : i32
      %mul3A_84 = arith.muli %scan3A_76, %mul3A_83 : i32
      %add3A_85 = arith.constant 64 : i32
      %add3A_86 = arith.addi %add3A_85, %mul3A_84 : i32
      %get3A_87 = arith.index_cast %add3A_86 : i32 to index
      %get3A_88 = tpu.vector_load %arg30[%get3A_87] {strides = array<i32>} : memref<128xf32, #tpu.memory_space<vmem>>, vector<16xf32>,
      %mul3A_89 = arith.constant 16 : i32
      %mul3A_90 = arith.muli %scan3A_76, %mul3A_89 : i32
      %get3A_91 = arith.index_cast %mul3A_90 : i32 to index
      %get3A_92 = tpu.vector_load %arg31[%get3A_91] {strides = array<i32>} : memref<64xf32, #tpu.memory_space<vmem>>, vector<16xf32>,
      %mul3A_93 = arith.constant 16 : i32
      %mul3A_94 = arith.muli %scan3A_76, %mul3A_93 : i32
      %add3A_95 = arith.constant 64 : i32
      %add3A_96 = arith.addi %add3A_95, %mul3A_94 : i32
      %add3A_97 = arith.constant 0 : i32
      %add3A_98 = arith.addi %add3A_96, %add3A_97 : i32
      %mul3A_99 = arith.constant 16 : i32
      %mul3A_100 = arith.muli %add3A_98, %mul3A_99 : i32
      %get3A_101 = arith.index_cast %mul3A_100 : i32 to index
      %get3A_102 = tpu.vector_load %arg32[%get3A_101] {strides = array<i32>} : memref<2048xf32, #tpu.memory_space<vmem>>, vector<16xf32>,
      %slice3A = vector.extract_strided_slice %get3A_82 {offsets = [0], sizes = [1], strides = [1]} : vector<16xf32> to vector<1xf32>
      %squeeze3A = vector.extract %slice3A[0] : f32 from vector<1xf32>
      %mul3A_103 = vector.broadcast %squeeze3A : f32 to vector<16xf32>
      %mul3A_104 = arith.mulf %mul3A_103, %get3A_102 : vector<16xf32>
      %add3A_105 = arith.addf %scan3A_77, %mul3A_104 : vector<16xf32>
      %slice3A_106 = vector.extract_strided_slice %get3A_88 {offsets = [0], sizes = [1], strides = [1]} : vector<16xf32> to vector<1xf32>
      %squeeze3A_107 = vector.extract %slice3A_106[0] : f32 from vector<1xf32>
      %mul3A_108 = vector.broadcast %squeeze3A_107 : f32 to vector<16xf32>
      %mul3A_109 = arith.mulf %mul3A_108, %get3A_102 : vector<16xf32>
      %add3A_110 = arith.addf %scan3A_78, %mul3A_109 : vector<16xf32>
      %slice3A_111 = vector.extract_strided_slice %get3A_92 {offsets = [0], sizes = [1], strides = [1]} : vector<16xf32> to vector<1xf32>
      %squeeze3A_112 = vector.extract %slice3A_111[0] : f32 from vector<1xf32>
      %mul3A_113 = vector.broadcast %squeeze3A_112 : f32 to vector<16xf32>
      %mul3A_114 = arith.mulf %mul3A_113, %get3A_102 : vector<16xf32>
      %add3A_115 = arith.addf %scan3A_79, %mul3A_114 : vector<16xf32>
      %mul3A_116 = arith.constant 16 : i32
      %mul3A_117 = arith.muli %scan3A_76, %mul3A_116 : i32
      %add3A_118 = arith.constant 64 : i32
      %add3A_119 = arith.addi %add3A_118, %mul3A_117 : i32
      %add3A_120 = arith.constant 1 : i32
      %add3A_121 = arith.addi %add3A_119, %add3A_120 : i32
      %mul3A_122 = arith.constant 16 : i32
      %mul3A_123 = arith.muli %add3A_121, %mul3A_122 : i32
      %get3A_124 = arith.index_cast %mul3A_123 : i32 to index
      %get3A_125 = tpu.vector_load %arg32[%get3A_124] {strides = array<i32>} : memref<2048xf32, #tpu.memory_space<vmem>>, vector<16xf32>,
      %slice3A_126 = vector.extract_strided_slice %get3A_82 {offsets = [1], sizes = [1], strides = [1]} : vector<16xf32> to vector<1xf32>
      %squeeze3A_127 = vector.extract %slice3A_126[0] : f32 from vector<1xf32>
      %mul3A_128 = vector.broadcast %squeeze3A_127 : f32 to vector<16xf32>
      %mul3A_129 = arith.mulf %mul3A_128, %get3A_125 : vector<16xf32>
      %add3A_130 = arith.addf %add3A_105, %mul3A_129 : vector<16xf32>
      %slice3A_131 = vector.extract_strided_slice %get3A_88 {offsets = [1], sizes = [1], strides = [1]} : vector<16xf32> to vector<1xf32>
      %squeeze3A_132 = vector.extract %slice3A_131[0] : f32 from vector<1xf32>
      %mul3A_133 = vector.broadcast %squeeze3A_132 : f32 to vector<16xf32>
      %mul3A_134 = arith.mulf %mul3A_133, %get3A_125 : vector<16xf32>
      %add3A_135 = arith.addf %add3A_110, %mul3A_134 : vector<16xf32>
      %slice3A_136 = vector.extract_strided_slice %get3A_92 {offsets = [1], sizes = [1], strides = [1]} : vector<16xf32> to vector<1xf32>
      %squeeze3A_137 = vector.extract %slice3A_136[0] : f32 from vector<1xf32>
      %mul3A_138 = vector.broadcast %squeeze3A_137 : f32 to vector<16xf32>
      %mul3A_139 = arith.mulf %mul3A_138, %get3A_125 : vector<16xf32>
      %add3A_140 = arith.addf %add3A_115, %mul3A_139 : vector<16xf32>
      %mul3A_141 = arith.constant 16 : i32
      %mul3A_142 = arith.muli %scan3A_76, %mul3A_141 : i32
      %add3A_143 = arith.constant 64 : i32
      %add3A_144 = arith.addi %add3A_143, %mul3A_142 : i32
      %add3A_145 = arith.constant 2 : i32
      %add3A_146 = arith.addi %add3A_144, %add3A_145 : i32
      %mul3A_147 = arith.constant 16 : i32
      %mul3A_148 = arith.muli %add3A_146, %mul3A_147 : i32
      %get3A_149 = arith.index_cast %mul3A_148 : i32 to index
      %get3A_150 = tpu.vector_load %arg32[%get3A_149] {strides = array<i32>} : memref<2048xf32, #tpu.memory_space<vmem>>, vector<16xf32>,
      %slice3A_151 = vector.extract_strided_slice %get3A_82 {offsets = [2], sizes = [1], strides = [1]} : vector<16xf32> to vector<1xf32>
      %squeeze3A_152 = vector.extract %slice3A_151[0] : f32 from vector<1xf32>
      %mul3A_153 = vector.broadcast %squeeze3A_152 : f32 to vector<16xf32>
      %mul3A_154 = arith.mulf %mul3A_153, %get3A_150 : vector<16xf32>
      %add3A_155 = arith.addf %add3A_130, %mul3A_154 : vector<16xf32>
      %slice3A_156 = vector.extract_strided_slice %get3A_88 {offsets = [2], sizes = [1], strides = [1]} : vector<16xf32> to vector<1xf32>
      %squeeze3A_157 = vector.extract %slice3A_156[0] : f32 from vector<1xf32>
      %mul3A_158 = vector.broadcast %squeeze3A_157 : f32 to vector<16xf32>
      %mul3A_159 = arith.mulf %mul3A_158, %get3A_150 : vector<16xf32>
      %add3A_160 = arith.addf %add3A_135, %mul3A_159 : vector<16xf32>
      %slice3A_161 = vector.extract_strided_slice %get3A_92 {offsets = [2], sizes = [1], strides = [1]} : vector<16xf32> to vector<1xf32>
      %squeeze3A_162 = vector.extract %slice3A_161[0] : f32 from vector<1xf32>
      %mul3A_163 = vector.broadcast %squeeze3A_162 : f32 to vector<16xf32>
      %mul3A_164 = arith.mulf %mul3A_163, %get3A_150 : vector<16xf32>
      %add3A_165 = arith.addf %add3A_140, %mul3A_164 : vector<16xf32>
      %mul3A_166 = arith.constant 16 : i32
      %mul3A_167 = arith.muli %scan3A_76, %mul3A_166 : i32
      %add3A_168 = arith.constant 64 : i32
      %add3A_169 = arith.addi %add3A_168, %mul3A_167 : i32
      %add3A_170 = arith.constant 3 : i32
      %add3A_171 = arith.addi %add3A_169, %add3A_170 : i32
      %mul3A_172 = arith.constant 16 : i32
      %mul3A_173 = arith.muli %add3A_171, %mul3A_172 : i32
      %get3A_174 = arith.index_cast %mul3A_173 : i32 to index
      %get3A_175 = tpu.vector_load %arg32[%get3A_174] {strides = array<i32>} : memref<2048xf32, #tpu.memory_space<vmem>>, vector<16xf32>,
      %slice3A_176 = vector.extract_strided_slice %get3A_82 {offsets = [3], sizes = [1], strides = [1]} : vector<16xf32> to vector<1xf32>
      %squeeze3A_177 = vector.extract %slice3A_176[0] : f32 from vector<1xf32>
      %mul3A_178 = vector.broadcast %squeeze3A_177 : f32 to vector<16xf32>
      %mul3A_179 = arith.mulf %mul3A_178, %get3A_175 : vector<16xf32>
      %add3A_180 = arith.addf %add3A_155, %mul3A_179 : vector<16xf32>
      %slice3A_181 = vector.extract_strided_slice %get3A_88 {offsets = [3], sizes = [1], strides = [1]} : vector<16xf32> to vector<1xf32>
      %squeeze3A_182 = vector.extract %slice3A_181[0] : f32 from vector<1xf32>
      %mul3A_183 = vector.broadcast %squeeze3A_182 : f32 to vector<16xf32>
      %mul3A_184 = arith.mulf %mul3A_183, %get3A_175 : vector<16xf32>
      %add3A_185 = arith.addf %add3A_160, %mul3A_184 : vector<16xf32>
      %slice3A_186 = vector.extract_strided_slice %get3A_92 {offsets = [3], sizes = [1], strides = [1]} : vector<16xf32> to vector<1xf32>
      %squeeze3A_187 = vector.extract %slice3A_186[0] : f32 from vector<1xf32>
      %mul3A_188 = vector.broadcast %squeeze3A_187 : f32 to vector<16xf32>
      %mul3A_189 = arith.mulf %mul3A_188, %get3A_175 : vector<16xf32>
      %add3A_190 = arith.addf %add3A_165, %mul3A_189 : vector<16xf32>
      %mul3A_191 = arith.constant 16 : i32
      %mul3A_192 = arith.muli %scan3A_76, %mul3A_191 : i32
      %add3A_193 = arith.constant 64 : i32
      %add3A_194 = arith.addi %add3A_193, %mul3A_192 : i32
      %add3A_195 = arith.constant 4 : i32
      %add3A_196 = arith.addi %add3A_194, %add3A_195 : i32
      %mul3A_197 = arith.constant 16 : i32
      %mul3A_198 = arith.muli %add3A_196, %mul3A_197 : i32
      %get3A_199 = arith.index_cast %mul3A_198 : i32 to index
      %get3A_200 = tpu.vector_load %arg32[%get3A_199] {strides = array<i32>} : memref<2048xf32, #tpu.memory_space<vmem>>, vector<16xf32>,
      %slice3A_201 = vector.extract_strided_slice %get3A_82 {offsets = [4], sizes = [1], strides = [1]} : vector<16xf32> to vector<1xf32>
      %squeeze3A_202 = vector.extract %slice3A_201[0] : f32 from vector<1xf32>
      %mul3A_203 = vector.broadcast %squeeze3A_202 : f32 to vector<16xf32>
      %mul3A_204 = arith.mulf %mul3A_203, %get3A_200 : vector<16xf32>
      %add3A_205 = arith.addf %add3A_180, %mul3A_204 : vector<16xf32>
      %slice3A_206 = vector.extract_strided_slice %get3A_88 {offsets = [4], sizes = [1], strides = [1]} : vector<16xf32> to vector<1xf32>
      %squeeze3A_207 = vector.extract %slice3A_206[0] : f32 from vector<1xf32>
      %mul3A_208 = vector.broadcast %squeeze3A_207 : f32 to vector<16xf32>
      %mul3A_209 = arith.mulf %mul3A_208, %get3A_200 : vector<16xf32>
      %add3A_210 = arith.addf %add3A_185, %mul3A_209 : vector<16xf32>
      %slice3A_211 = vector.extract_strided_slice %get3A_92 {offsets = [4], sizes = [1], strides = [1]} : vector<16xf32> to vector<1xf32>
      %squeeze3A_212 = vector.extract %slice3A_211[0] : f32 from vector<1xf32>
      %mul3A_213 = vector.broadcast %squeeze3A_212 : f32 to vector<16xf32>
      %mul3A_214 = arith.mulf %mul3A_213, %get3A_200 : vector<16xf32>
      %add3A_215 = arith.addf %add3A_190, %mul3A_214 : vector<16xf32>
      %mul3A_216 = arith.constant 16 : i32
      %mul3A_217 = arith.muli %scan3A_76, %mul3A_216 : i32
      %add3A_218 = arith.constant 64 : i32
      %add3A_219 = arith.addi %add3A_218, %mul3A_217 : i32
      %add3A_220 = arith.constant 5 : i32
      %add3A_221 = arith.addi %add3A_219, %add3A_220 : i32
      %mul3A_222 = arith.constant 16 : i32
      %mul3A_223 = arith.muli %add3A_221, %mul3A_222 : i32
      %get3A_224 = arith.index_cast %mul3A_223 : i32 to index
      %get3A_225 = tpu.vector_load %arg32[%get3A_224] {strides = array<i32>} : memref<2048xf32, #tpu.memory_space<vmem>>, vector<16xf32>,
      %slice3A_226 = vector.extract_strided_slice %get3A_82 {offsets = [5], sizes = [1], strides = [1]} : vector<16xf32> to vector<1xf32>
      %squeeze3A_227 = vector.extract %slice3A_226[0] : f32 from vector<1xf32>
      %mul3A_228 = vector.broadcast %squeeze3A_227 : f32 to vector<16xf32>
      %mul3A_229 = arith.mulf %mul3A_228, %get3A_225 : vector<16xf32>
      %add3A_230 = arith.addf %add3A_205, %mul3A_229 : vector<16xf32>
      %slice3A_231 = vector.extract_strided_slice %get3A_88 {offsets = [5], sizes = [1], strides = [1]} : vector<16xf32> to vector<1xf32>
      %squeeze3A_232 = vector.extract %slice3A_231[0] : f32 from vector<1xf32>
      %mul3A_233 = vector.broadcast %squeeze3A_232 : f32 to vector<16xf32>
      %mul3A_234 = arith.mulf %mul3A_233, %get3A_225 : vector<16xf32>
      %add3A_235 = arith.addf %add3A_210, %mul3A_234 : vector<16xf32>
      %slice3A_236 = vector.extract_strided_slice %get3A_92 {offsets = [5], sizes = [1], strides = [1]} : vector<16xf32> to vector<1xf32>
      %squeeze3A_237 = vector.extract %slice3A_236[0] : f32 from vector<1xf32>
      %mul3A_238 = vector.broadcast %squeeze3A_237 : f32 to vector<16xf32>
      %mul3A_239 = arith.mulf %mul3A_238, %get3A_225 : vector<16xf32>
      %add3A_240 = arith.addf %add3A_215, %mul3A_239 : vector<16xf32>
      %mul3A_241 = arith.constant 16 : i32
      %mul3A_242 = arith.muli %scan3A_76, %mul3A_241 : i32
      %add3A_243 = arith.constant 64 : i32
      %add3A_244 = arith.addi %add3A_243, %mul3A_242 : i32
      %add3A_245 = arith.constant 6 : i32
      %add3A_246 = arith.addi %add3A_244, %add3A_245 : i32
      %mul3A_247 = arith.constant 16 : i32
      %mul3A_248 = arith.muli %add3A_246, %mul3A_247 : i32
      %get3A_249 = arith.index_cast %mul3A_248 : i32 to index
      %get3A_250 = tpu.vector_load %arg32[%get3A_249] {strides = array<i32>} : memref<2048xf32, #tpu.memory_space<vmem>>, vector<16xf32>,
      %slice3A_251 = vector.extract_strided_slice %get3A_82 {offsets = [6], sizes = [1], strides = [1]} : vector<16xf32> to vector<1xf32>
      %squeeze3A_252 = vector.extract %slice3A_251[0] : f32 from vector<1xf32>
      %mul3A_253 = vector.broadcast %squeeze3A_252 : f32 to vector<16xf32>
      %mul3A_254 = arith.mulf %mul3A_253, %get3A_250 : vector<16xf32>
      %add3A_255 = arith.addf %add3A_230, %mul3A_254 : vector<16xf32>
      %slice3A_256 = vector.extract_strided_slice %get3A_88 {offsets = [6], sizes = [1], strides = [1]} : vector<16xf32> to vector<1xf32>
      %squeeze3A_257 = vector.extract %slice3A_256[0] : f32 from vector<1xf32>
      %mul3A_258 = vector.broadcast %squeeze3A_257 : f32 to vector<16xf32>
      %mul3A_259 = arith.mulf %mul3A_258, %get3A_250 : vector<16xf32>
      %add3A_260 = arith.addf %add3A_235, %mul3A_259 : vector<16xf32>
      %slice3A_261 = vector.extract_strided_slice %get3A_92 {offsets = [6], sizes = [1], strides = [1]} : vector<16xf32> to vector<1xf32>
      %squeeze3A_262 = vector.extract %slice3A_261[0] : f32 from vector<1xf32>
      %mul3A_263 = vector.broadcast %squeeze3A_262 : f32 to vector<16xf32>
      %mul3A_264 = arith.mulf %mul3A_263, %get3A_250 : vector<16xf32>
      %add3A_265 = arith.addf %add3A_240, %mul3A_264 : vector<16xf32>
      %mul3A_266 = arith.constant 16 : i32
      %mul3A_267 = arith.muli %scan3A_76, %mul3A_266 : i32
      %add3A_268 = arith.constant 64 : i32
      %add3A_269 = arith.addi %add3A_268, %mul3A_267 : i32
      %add3A_270 = arith.constant 7 : i32
      %add3A_271 = arith.addi %add3A_269, %add3A_270 : i32
      %mul3A_272 = arith.constant 16 : i32
      %mul3A_273 = arith.muli %add3A_271, %mul3A_272 : i32
      %get3A_274 = arith.index_cast %mul3A_273 : i32 to index
      %get3A_275 = tpu.vector_load %arg32[%get3A_274] {strides = array<i32>} : memref<2048xf32, #tpu.memory_space<vmem>>, vector<16xf32>,
      %slice3A_276 = vector.extract_strided_slice %get3A_82 {offsets = [7], sizes = [1], strides = [1]} : vector<16xf32> to vector<1xf32>
      %squeeze3A_277 = vector.extract %slice3A_276[0] : f32 from vector<1xf32>
      %mul3A_278 = vector.broadcast %squeeze3A_277 : f32 to vector<16xf32>
      %mul3A_279 = arith.mulf %mul3A_278, %get3A_275 : vector<16xf32>
      %add3A_280 = arith.addf %add3A_255, %mul3A_279 : vector<16xf32>
      %slice3A_281 = vector.extract_strided_slice %get3A_88 {offsets = [7], sizes = [1], strides = [1]} : vector<16xf32> to vector<1xf32>
      %squeeze3A_282 = vector.extract %slice3A_281[0] : f32 from vector<1xf32>
      %mul3A_283 = vector.broadcast %squeeze3A_282 : f32 to vector<16xf32>
      %mul3A_284 = arith.mulf %mul3A_283, %get3A_275 : vector<16xf32>
      %add3A_285 = arith.addf %add3A_260, %mul3A_284 : vector<16xf32>
      %slice3A_286 = vector.extract_strided_slice %get3A_92 {offsets = [7], sizes = [1], strides = [1]} : vector<16xf32> to vector<1xf32>
      %squeeze3A_287 = vector.extract %slice3A_286[0] : f32 from vector<1xf32>
      %mul3A_288 = vector.broadcast %squeeze3A_287 : f32 to vector<16xf32>
      %mul3A_289 = arith.mulf %mul3A_288, %get3A_275 : vector<16xf32>
      %add3A_290 = arith.addf %add3A_265, %mul3A_289 : vector<16xf32>
      %mul3A_291 = arith.constant 16 : i32
      %mul3A_292 = arith.muli %scan3A_76, %mul3A_291 : i32
      %add3A_293 = arith.constant 64 : i32
      %add3A_294 = arith.addi %add3A_293, %mul3A_292 : i32
      %add3A_295 = arith.constant 8 : i32
      %add3A_296 = arith.addi %add3A_294, %add3A_295 : i32
      %mul3A_297 = arith.constant 16 : i32
      %mul3A_298 = arith.muli %add3A_296, %mul3A_297 : i32
      %get3A_299 = arith.index_cast %mul3A_298 : i32 to index
      %get3A_300 = tpu.vector_load %arg32[%get3A_299] {strides = array<i32>} : memref<2048xf32, #tpu.memory_space<vmem>>, vector<16xf32>,
      %slice3A_301 = vector.extract_strided_slice %get3A_82 {offsets = [8], sizes = [1], strides = [1]} : vector<16xf32> to vector<1xf32>
      %squeeze3A_302 = vector.extract %slice3A_301[0] : f32 from vector<1xf32>
      %mul3A_303 = vector.broadcast %squeeze3A_302 : f32 to vector<16xf32>
      %mul3A_304 = arith.mulf %mul3A_303, %get3A_300 : vector<16xf32>
      %add3A_305 = arith.addf %add3A_280, %mul3A_304 : vector<16xf32>
      %slice3A_306 = vector.extract_strided_slice %get3A_88 {offsets = [8], sizes = [1], strides = [1]} : vector<16xf32> to vector<1xf32>
      %squeeze3A_307 = vector.extract %slice3A_306[0] : f32 from vector<1xf32>
      %mul3A_308 = vector.broadcast %squeeze3A_307 : f32 to vector<16xf32>
      %mul3A_309 = arith.mulf %mul3A_308, %get3A_300 : vector<16xf32>
      %add3A_310 = arith.addf %add3A_285, %mul3A_309 : vector<16xf32>
      %slice3A_311 = vector.extract_strided_slice %get3A_92 {offsets = [8], sizes = [1], strides = [1]} : vector<16xf32> to vector<1xf32>
      %squeeze3A_312 = vector.extract %slice3A_311[0] : f32 from vector<1xf32>
      %mul3A_313 = vector.broadcast %squeeze3A_312 : f32 to vector<16xf32>
      %mul3A_314 = arith.mulf %mul3A_313, %get3A_300 : vector<16xf32>
      %add3A_315 = arith.addf %add3A_290, %mul3A_314 : vector<16xf32>
      %mul3A_316 = arith.constant 16 : i32
      %mul3A_317 = arith.muli %scan3A_76, %mul3A_316 : i32
      %add3A_318 = arith.constant 64 : i32
      %add3A_319 = arith.addi %add3A_318, %mul3A_317 : i32
      %add3A_320 = arith.constant 9 : i32
      %add3A_321 = arith.addi %add3A_319, %add3A_320 : i32
      %mul3A_322 = arith.constant 16 : i32
      %mul3A_323 = arith.muli %add3A_321, %mul3A_322 : i32
      %get3A_324 = arith.index_cast %mul3A_323 : i32 to index
      %get3A_325 = tpu.vector_load %arg32[%get3A_324] {strides = array<i32>} : memref<2048xf32, #tpu.memory_space<vmem>>, vector<16xf32>,
      %slice3A_326 = vector.extract_strided_slice %get3A_82 {offsets = [9], sizes = [1], strides = [1]} : vector<16xf32> to vector<1xf32>
      %squeeze3A_327 = vector.extract %slice3A_326[0] : f32 from vector<1xf32>
      %mul3A_328 = vector.broadcast %squeeze3A_327 : f32 to vector<16xf32>
      %mul3A_329 = arith.mulf %mul3A_328, %get3A_325 : vector<16xf32>
      %add3A_330 = arith.addf %add3A_305, %mul3A_329 : vector<16xf32>
      %slice3A_331 = vector.extract_strided_slice %get3A_88 {offsets = [9], sizes = [1], strides = [1]} : vector<16xf32> to vector<1xf32>
      %squeeze3A_332 = vector.extract %slice3A_331[0] : f32 from vector<1xf32>
      %mul3A_333 = vector.broadcast %squeeze3A_332 : f32 to vector<16xf32>
      %mul3A_334 = arith.mulf %mul3A_333, %get3A_325 : vector<16xf32>
      %add3A_335 = arith.addf %add3A_310, %mul3A_334 : vector<16xf32>
      %slice3A_336 = vector.extract_strided_slice %get3A_92 {offsets = [9], sizes = [1], strides = [1]} : vector<16xf32> to vector<1xf32>
      %squeeze3A_337 = vector.extract %slice3A_336[0] : f32 from vector<1xf32>
      %mul3A_338 = vector.broadcast %squeeze3A_337 : f32 to vector<16xf32>
      %mul3A_339 = arith.mulf %mul3A_338, %get3A_325 : vector<16xf32>
      %add3A_340 = arith.addf %add3A_315, %mul3A_339 : vector<16xf32>
      %mul3A_341 = arith.constant 16 : i32
      %mul3A_342 = arith.muli %scan3A_76, %mul3A_341 : i32
      %add3A_343 = arith.constant 64 : i32
      %add3A_344 = arith.addi %add3A_343, %mul3A_342 : i32
      %add3A_345 = arith.constant 10 : i32
      %add3A_346 = arith.addi %add3A_344, %add3A_345 : i32
      %mul3A_347 = arith.constant 16 : i32
      %mul3A_348 = arith.muli %add3A_346, %mul3A_347 : i32
      %get3A_349 = arith.index_cast %mul3A_348 : i32 to index
      %get3A_350 = tpu.vector_load %arg32[%get3A_349] {strides = array<i32>} : memref<2048xf32, #tpu.memory_space<vmem>>, vector<16xf32>,
      %slice3A_351 = vector.extract_strided_slice %get3A_82 {offsets = [10], sizes = [1], strides = [1]} : vector<16xf32> to vector<1xf32>
      %squeeze3A_352 = vector.extract %slice3A_351[0] : f32 from vector<1xf32>
      %mul3A_353 = vector.broadcast %squeeze3A_352 : f32 to vector<16xf32>
      %mul3A_354 = arith.mulf %mul3A_353, %get3A_350 : vector<16xf32>
      %add3A_355 = arith.addf %add3A_330, %mul3A_354 : vector<16xf32>
      %slice3A_356 = vector.extract_strided_slice %get3A_88 {offsets = [10], sizes = [1], strides = [1]} : vector<16xf32> to vector<1xf32>
      %squeeze3A_357 = vector.extract %slice3A_356[0] : f32 from vector<1xf32>
      %mul3A_358 = vector.broadcast %squeeze3A_357 : f32 to vector<16xf32>
      %mul3A_359 = arith.mulf %mul3A_358, %get3A_350 : vector<16xf32>
      %add3A_360 = arith.addf %add3A_335, %mul3A_359 : vector<16xf32>
      %slice3A_361 = vector.extract_strided_slice %get3A_92 {offsets = [10], sizes = [1], strides = [1]} : vector<16xf32> to vector<1xf32>
      %squeeze3A_362 = vector.extract %slice3A_361[0] : f32 from vector<1xf32>
      %mul3A_363 = vector.broadcast %squeeze3A_362 : f32 to vector<16xf32>
      %mul3A_364 = arith.mulf %mul3A_363, %get3A_350 : vector<16xf32>
      %add3A_365 = arith.addf %add3A_340, %mul3A_364 : vector<16xf32>
      %mul3A_366 = arith.constant 16 : i32
      %mul3A_367 = arith.muli %scan3A_76, %mul3A_366 : i32
      %add3A_368 = arith.constant 64 : i32
      %add3A_369 = arith.addi %add3A_368, %mul3A_367 : i32
      %add3A_370 = arith.constant 11 : i32
      %add3A_371 = arith.addi %add3A_369, %add3A_370 : i32
      %mul3A_372 = arith.constant 16 : i32
      %mul3A_373 = arith.muli %add3A_371, %mul3A_372 : i32
      %get3A_374 = arith.index_cast %mul3A_373 : i32 to index
      %get3A_375 = tpu.vector_load %arg32[%get3A_374] {strides = array<i32>} : memref<2048xf32, #tpu.memory_space<vmem>>, vector<16xf32>,
      %slice3A_376 = vector.extract_strided_slice %get3A_82 {offsets = [11], sizes = [1], strides = [1]} : vector<16xf32> to vector<1xf32>
      %squeeze3A_377 = vector.extract %slice3A_376[0] : f32 from vector<1xf32>
      %mul3A_378 = vector.broadcast %squeeze3A_377 : f32 to vector<16xf32>
      %mul3A_379 = arith.mulf %mul3A_378, %get3A_375 : vector<16xf32>
      %add3A_380 = arith.addf %add3A_355, %mul3A_379 : vector<16xf32>
      %slice3A_381 = vector.extract_strided_slice %get3A_88 {offsets = [11], sizes = [1], strides = [1]} : vector<16xf32> to vector<1xf32>
      %squeeze3A_382 = vector.extract %slice3A_381[0] : f32 from vector<1xf32>
      %mul3A_383 = vector.broadcast %squeeze3A_382 : f32 to vector<16xf32>
      %mul3A_384 = arith.mulf %mul3A_383, %get3A_375 : vector<16xf32>
      %add3A_385 = arith.addf %add3A_360, %mul3A_384 : vector<16xf32>
      %slice3A_386 = vector.extract_strided_slice %get3A_92 {offsets = [11], sizes = [1], strides = [1]} : vector<16xf32> to vector<1xf32>
      %squeeze3A_387 = vector.extract %slice3A_386[0] : f32 from vector<1xf32>
      %mul3A_388 = vector.broadcast %squeeze3A_387 : f32 to vector<16xf32>
      %mul3A_389 = arith.mulf %mul3A_388, %get3A_375 : vector<16xf32>
      %add3A_390 = arith.addf %add3A_365, %mul3A_389 : vector<16xf32>
      %mul3A_391 = arith.constant 16 : i32
      %mul3A_392 = arith.muli %scan3A_76, %mul3A_391 : i32
      %add3A_393 = arith.constant 64 : i32
      %add3A_394 = arith.addi %add3A_393, %mul3A_392 : i32
      %add3A_395 = arith.constant 12 : i32
      %add3A_396 = arith.addi %add3A_394, %add3A_395 : i32
      %mul3A_397 = arith.constant 16 : i32
      %mul3A_398 = arith.muli %add3A_396, %mul3A_397 : i32
      %get3A_399 = arith.index_cast %mul3A_398 : i32 to index
      %get3A_400 = tpu.vector_load %arg32[%get3A_399] {strides = array<i32>} : memref<2048xf32, #tpu.memory_space<vmem>>, vector<16xf32>,
      %slice3A_401 = vector.extract_strided_slice %get3A_82 {offsets = [12], sizes = [1], strides = [1]} : vector<16xf32> to vector<1xf32>
      %squeeze3A_402 = vector.extract %slice3A_401[0] : f32 from vector<1xf32>
      %mul3A_403 = vector.broadcast %squeeze3A_402 : f32 to vector<16xf32>
      %mul3A_404 = arith.mulf %mul3A_403, %get3A_400 : vector<16xf32>
      %add3A_405 = arith.addf %add3A_380, %mul3A_404 : vector<16xf32>
      %slice3A_406 = vector.extract_strided_slice %get3A_88 {offsets = [12], sizes = [1], strides = [1]} : vector<16xf32> to vector<1xf32>
      %squeeze3A_407 = vector.extract %slice3A_406[0] : f32 from vector<1xf32>
      %mul3A_408 = vector.broadcast %squeeze3A_407 : f32 to vector<16xf32>
      %mul3A_409 = arith.mulf %mul3A_408, %get3A_400 : vector<16xf32>
      %add3A_410 = arith.addf %add3A_385, %mul3A_409 : vector<16xf32>
      %slice3A_411 = vector.extract_strided_slice %get3A_92 {offsets = [12], sizes = [1], strides = [1]} : vector<16xf32> to vector<1xf32>
      %squeeze3A_412 = vector.extract %slice3A_411[0] : f32 from vector<1xf32>
      %mul3A_413 = vector.broadcast %squeeze3A_412 : f32 to vector<16xf32>
      %mul3A_414 = arith.mulf %mul3A_413, %get3A_400 : vector<16xf32>
      %add3A_415 = arith.addf %add3A_390, %mul3A_414 : vector<16xf32>
      %mul3A_416 = arith.constant 16 : i32
      %mul3A_417 = arith.muli %scan3A_76, %mul3A_416 : i32
      %add3A_418 = arith.constant 64 : i32
      %add3A_419 = arith.addi %add3A_418, %mul3A_417 : i32
      %add3A_420 = arith.constant 13 : i32
      %add3A_421 = arith.addi %add3A_419, %add3A_420 : i32
      %mul3A_422 = arith.constant 16 : i32
      %mul3A_423 = arith.muli %add3A_421, %mul3A_422 : i32
      %get3A_424 = arith.index_cast %mul3A_423 : i32 to index
      %get3A_425 = tpu.vector_load %arg32[%get3A_424] {strides = array<i32>} : memref<2048xf32, #tpu.memory_space<vmem>>, vector<16xf32>,
      %slice3A_426 = vector.extract_strided_slice %get3A_82 {offsets = [13], sizes = [1], strides = [1]} : vector<16xf32> to vector<1xf32>
      %squeeze3A_427 = vector.extract %slice3A_426[0] : f32 from vector<1xf32>
      %mul3A_428 = vector.broadcast %squeeze3A_427 : f32 to vector<16xf32>
      %mul3A_429 = arith.mulf %mul3A_428, %get3A_425 : vector<16xf32>
      %add3A_430 = arith.addf %add3A_405, %mul3A_429 : vector<16xf32>
      %slice3A_431 = vector.extract_strided_slice %get3A_88 {offsets = [13], sizes = [1], strides = [1]} : vector<16xf32> to vector<1xf32>
      %squeeze3A_432 = vector.extract %slice3A_431[0] : f32 from vector<1xf32>
      %mul3A_433 = vector.broadcast %squeeze3A_432 : f32 to vector<16xf32>
      %mul3A_434 = arith.mulf %mul3A_433, %get3A_425 : vector<16xf32>
      %add3A_435 = arith.addf %add3A_410, %mul3A_434 : vector<16xf32>
      %slice3A_436 = vector.extract_strided_slice %get3A_92 {offsets = [13], sizes = [1], strides = [1]} : vector<16xf32> to vector<1xf32>
      %squeeze3A_437 = vector.extract %slice3A_436[0] : f32 from vector<1xf32>
      %mul3A_438 = vector.broadcast %squeeze3A_437 : f32 to vector<16xf32>
      %mul3A_439 = arith.mulf %mul3A_438, %get3A_425 : vector<16xf32>
      %add3A_440 = arith.addf %add3A_415, %mul3A_439 : vector<16xf32>
      %mul3A_441 = arith.constant 16 : i32
      %mul3A_442 = arith.muli %scan3A_76, %mul3A_441 : i32
      %add3A_443 = arith.constant 64 : i32
      %add3A_444 = arith.addi %add3A_443, %mul3A_442 : i32
      %add3A_445 = arith.constant 14 : i32
      %add3A_446 = arith.addi %add3A_444, %add3A_445 : i32
      %mul3A_447 = arith.constant 16 : i32
      %mul3A_448 = arith.muli %add3A_446, %mul3A_447 : i32
      %get3A_449 = arith.index_cast %mul3A_448 : i32 to index
      %get3A_450 = tpu.vector_load %arg32[%get3A_449] {strides = array<i32>} : memref<2048xf32, #tpu.memory_space<vmem>>, vector<16xf32>,
      %slice3A_451 = vector.extract_strided_slice %get3A_82 {offsets = [14], sizes = [1], strides = [1]} : vector<16xf32> to vector<1xf32>
      %squeeze3A_452 = vector.extract %slice3A_451[0] : f32 from vector<1xf32>
      %mul3A_453 = vector.broadcast %squeeze3A_452 : f32 to vector<16xf32>
      %mul3A_454 = arith.mulf %mul3A_453, %get3A_450 : vector<16xf32>
      %add3A_455 = arith.addf %add3A_430, %mul3A_454 : vector<16xf32>
      %slice3A_456 = vector.extract_strided_slice %get3A_88 {offsets = [14], sizes = [1], strides = [1]} : vector<16xf32> to vector<1xf32>
      %squeeze3A_457 = vector.extract %slice3A_456[0] : f32 from vector<1xf32>
      %mul3A_458 = vector.broadcast %squeeze3A_457 : f32 to vector<16xf32>
      %mul3A_459 = arith.mulf %mul3A_458, %get3A_450 : vector<16xf32>
      %add3A_460 = arith.addf %add3A_435, %mul3A_459 : vector<16xf32>
      %slice3A_461 = vector.extract_strided_slice %get3A_92 {offsets = [14], sizes = [1], strides = [1]} : vector<16xf32> to vector<1xf32>
      %squeeze3A_462 = vector.extract %slice3A_461[0] : f32 from vector<1xf32>
      %mul3A_463 = vector.broadcast %squeeze3A_462 : f32 to vector<16xf32>
      %mul3A_464 = arith.mulf %mul3A_463, %get3A_450 : vector<16xf32>
      %add3A_465 = arith.addf %add3A_440, %mul3A_464 : vector<16xf32>
      %mul3A_466 = arith.constant 16 : i32
      %mul3A_467 = arith.muli %scan3A_76, %mul3A_466 : i32
      %add3A_468 = arith.constant 64 : i32
      %add3A_469 = arith.addi %add3A_468, %mul3A_467 : i32
      %add3A_470 = arith.constant 15 : i32
      %add3A_471 = arith.addi %add3A_469, %add3A_470 : i32
      %mul3A_472 = arith.constant 16 : i32
      %mul3A_473 = arith.muli %add3A_471, %mul3A_472 : i32
      %get3A_474 = arith.index_cast %mul3A_473 : i32 to index
      %get3A_475 = tpu.vector_load %arg32[%get3A_474] {strides = array<i32>} : memref<2048xf32, #tpu.memory_space<vmem>>, vector<16xf32>,
      %slice3A_476 = vector.extract_strided_slice %get3A_82 {offsets = [15], sizes = [1], strides = [1]} : vector<16xf32> to vector<1xf32>
      %squeeze3A_477 = vector.extract %slice3A_476[0] : f32 from vector<1xf32>
      %mul3A_478 = vector.broadcast %squeeze3A_477 : f32 to vector<16xf32>
      %mul3A_479 = arith.mulf %mul3A_478, %get3A_475 : vector<16xf32>
      %add3A_480 = arith.addf %add3A_455, %mul3A_479 : vector<16xf32>
      %slice3A_481 = vector.extract_strided_slice %get3A_88 {offsets = [15], sizes = [1], strides = [1]} : vector<16xf32> to vector<1xf32>
      %squeeze3A_482 = vector.extract %slice3A_481[0] : f32 from vector<1xf32>
      %mul3A_483 = vector.broadcast %squeeze3A_482 : f32 to vector<16xf32>
      %mul3A_484 = arith.mulf %mul3A_483, %get3A_475 : vector<16xf32>
      %add3A_485 = arith.addf %add3A_460, %mul3A_484 : vector<16xf32>
      %slice3A_486 = vector.extract_strided_slice %get3A_92 {offsets = [15], sizes = [1], strides = [1]} : vector<16xf32> to vector<1xf32>
      %squeeze3A_487 = vector.extract %slice3A_486[0] : f32 from vector<1xf32>
      %mul3A_488 = vector.broadcast %squeeze3A_487 : f32 to vector<16xf32>
      %mul3A_489 = arith.mulf %mul3A_488, %get3A_475 : vector<16xf32>
      %add3A_490 = arith.addf %add3A_465, %mul3A_489 : vector<16xf32>
      scf.yield %add3A_480, %add3A_485, %add3A_490 : vector<16xf32>, vector<16xf32>, vector<16xf32>
    }
    %scan3A_24 = arith.constant 4 : i32
    %scan3A_25 = arith.constant 0 : i32
    %scan3A_26 = arith.constant 0 : i32
    %scan3A_27 = arith.constant 128 : i32
    %scan3A_28 = arith.addi %scan3A_26, %scan3A_27 : i32
    %scan3A_29 = arith.constant 1 : i32
    %scan3A_30 = scf.for %scan3A_76 = %scan3A_26 to %scan3A_28 step %scan3A_29 iter_args(%scan3A_77 = %scan3A_25) -> (i32)  : i32 {
      %broadcast_in_dim3A_78 = arith.constant 0 : i32
      %broadcast_in_dim3A_79 = vector.broadcast %broadcast_in_dim3A_78 : i32 to vector<16xi32>
      %mul3A_80 = arith.constant 128 : i32
      %mul3A_81 = arith.muli %scan3A_76, %mul3A_80 : i32
      %add3A_82 = arith.constant 0 : i32
      %add3A_83 = arith.addi %mul3A_81, %add3A_82 : i32
      %swap3A = arith.index_cast %add3A_83 : i32 to index
      %swap3A_84 = tpu.vector_load %arg19[%swap3A] {strides = array<i32>} : memref<16384xi32, #tpu.memory_space<vmem>>, vector<16xi32>,
      tpu.vector_store %arg19[%swap3A], %broadcast_in_dim3A_79 {strides = array<i32>} : memref<16384xi32, #tpu.memory_space<vmem>>, vector<16xi32>,
      %mul3A_85 = arith.constant 128 : i32
      %mul3A_86 = arith.muli %scan3A_76, %mul3A_85 : i32
      %add3A_87 = arith.constant 16 : i32
      %add3A_88 = arith.addi %mul3A_86, %add3A_87 : i32
      %swap3A_89 = arith.index_cast %add3A_88 : i32 to index
      %swap3A_90 = tpu.vector_load %arg19[%swap3A_89] {strides = array<i32>} : memref<16384xi32, #tpu.memory_space<vmem>>, vector<16xi32>,
      tpu.vector_store %arg19[%swap3A_89], %broadcast_in_dim3A_79 {strides = array<i32>} : memref<16384xi32, #tpu.memory_space<vmem>>, vector<16xi32>,
      %mul3A_91 = arith.constant 128 : i32
      %mul3A_92 = arith.muli %scan3A_76, %mul3A_91 : i32
      %add3A_93 = arith.constant 32 : i32
      %add3A_94 = arith.addi %mul3A_92, %add3A_93 : i32
      %swap3A_95 = arith.index_cast %add3A_94 : i32 to index
      %swap3A_96 = tpu.vector_load %arg19[%swap3A_95] {strides = array<i32>} : memref<16384xi32, #tpu.memory_space<vmem>>, vector<16xi32>,
      tpu.vector_store %arg19[%swap3A_95], %broadcast_in_dim3A_79 {strides = array<i32>} : memref<16384xi32, #tpu.memory_space<vmem>>, vector<16xi32>,
      %mul3A_97 = arith.constant 128 : i32
      %mul3A_98 = arith.muli %scan3A_76, %mul3A_97 : i32
      %add3A_99 = arith.constant 48 : i32
      %add3A_100 = arith.addi %mul3A_98, %add3A_99 : i32
      %swap3A_101 = arith.index_cast %add3A_100 : i32 to index
      %swap3A_102 = tpu.vector_load %arg19[%swap3A_101] {strides = array<i32>} : memref<16384xi32, #tpu.memory_space<vmem>>, vector<16xi32>,
      tpu.vector_store %arg19[%swap3A_101], %broadcast_in_dim3A_79 {strides = array<i32>} : memref<16384xi32, #tpu.memory_space<vmem>>, vector<16xi32>,
      %mul3A_103 = arith.constant 128 : i32
      %mul3A_104 = arith.muli %scan3A_76, %mul3A_103 : i32
      %add3A_105 = arith.constant 64 : i32
      %add3A_106 = arith.addi %mul3A_104, %add3A_105 : i32
      %swap3A_107 = arith.index_cast %add3A_106 : i32 to index
      %swap3A_108 = tpu.vector_load %arg19[%swap3A_107] {strides = array<i32>} : memref<16384xi32, #tpu.memory_space<vmem>>, vector<16xi32>,
      tpu.vector_store %arg19[%swap3A_107], %broadcast_in_dim3A_79 {strides = array<i32>} : memref<16384xi32, #tpu.memory_space<vmem>>, vector<16xi32>,
      %mul3A_109 = arith.constant 128 : i32
      %mul3A_110 = arith.muli %scan3A_76, %mul3A_109 : i32
      %add3A_111 = arith.constant 80 : i32
      %add3A_112 = arith.addi %mul3A_110, %add3A_111 : i32
      %swap3A_113 = arith.index_cast %add3A_112 : i32 to index
      %swap3A_114 = tpu.vector_load %arg19[%swap3A_113] {strides = array<i32>} : memref<16384xi32, #tpu.memory_space<vmem>>, vector<16xi32>,
      tpu.vector_store %arg19[%swap3A_113], %broadcast_in_dim3A_79 {strides = array<i32>} : memref<16384xi32, #tpu.memory_space<vmem>>, vector<16xi32>,
      %mul3A_115 = arith.constant 128 : i32
      %mul3A_116 = arith.muli %scan3A_76, %mul3A_115 : i32
      %add3A_117 = arith.constant 96 : i32
      %add3A_118 = arith.addi %mul3A_116, %add3A_117 : i32
      %swap3A_119 = arith.index_cast %add3A_118 : i32 to index
      %swap3A_120 = tpu.vector_load %arg19[%swap3A_119] {strides = array<i32>} : memref<16384xi32, #tpu.memory_space<vmem>>, vector<16xi32>,
      tpu.vector_store %arg19[%swap3A_119], %broadcast_in_dim3A_79 {strides = array<i32>} : memref<16384xi32, #tpu.memory_space<vmem>>, vector<16xi32>,
      %mul3A_121 = arith.constant 128 : i32
      %mul3A_122 = arith.muli %scan3A_76, %mul3A_121 : i32
      %add3A_123 = arith.constant 112 : i32
      %add3A_124 = arith.addi %mul3A_122, %add3A_123 : i32
      %swap3A_125 = arith.index_cast %add3A_124 : i32 to index
      %swap3A_126 = tpu.vector_load %arg19[%swap3A_125] {strides = array<i32>} : memref<16384xi32, #tpu.memory_space<vmem>>, vector<16xi32>,
      tpu.vector_store %arg19[%swap3A_125], %broadcast_in_dim3A_79 {strides = array<i32>} : memref<16384xi32, #tpu.memory_space<vmem>>, vector<16xi32>,
      %scan3A_127 = arith.constant 0 : i32
      scf.yield %scan3A_127 : i32
    }
    %scan3A_31 = arith.constant 128 : i32
    %scan3A_32 = arith.constant 0 : i32
    %scan3A_33 = arith.constant 0 : i32
    %scan3A_34 = arith.constant 128 : i32
    %scan3A_35 = arith.addi %scan3A_33, %scan3A_34 : i32
    %scan3A_36 = arith.constant 1 : i32
    %scan3A_37 = scf.for %scan3A_76 = %scan3A_33 to %scan3A_35 step %scan3A_36 iter_args(%scan3A_77 = %scan3A_32) -> (i32)  : i32 {
      %mul3A_78 = arith.constant 768 : i32
      %mul3A_79 = vector.broadcast %mul3A_78 : i32 to vector<16xi32>
      %mul3A_80 = arith.muli %iota3A, %mul3A_79 : vector<16xi32>
      %mul3A_81 = arith.constant 6 : i32
      %mul3A_82 = arith.muli %scan3A_76, %mul3A_81 : i32
      %add3A_83 = arith.constant 0 : i32
      %add3A_84 = arith.addi %mul3A_82, %add3A_83 : i32
      %add3A_85 = vector.broadcast %add3A_84 : i32 to vector<16xi32>
      %add3A_86 = arith.addi %mul3A_80, %add3A_85 : vector<16xi32>
      %gather3A = tpu.vector_load_idx %arg14[%add3A_86] : memref<12288xi32, #tpu.memory_space<vmem>>[vector<16xi32>], vector<16xi32>,
      %mul3A_87 = arith.constant 1024 : i32
      %mul3A_88 = vector.broadcast %mul3A_87 : i32 to vector<16xi32>
      %mul3A_89 = arith.muli %iota3A, %mul3A_88 : vector<16xi32>
      %add3A_90 = arith.addi %mul3A_89, %gather3A : vector<16xi32>
      tpu.vector_store_idx %arg19[%add3A_90], %broadcast_in_dim3A_3 {add = true} : memref<16384xi32, #tpu.memory_space<vmem>>[vector<16xi32>], vector<16xi32>,
      %mul3A_91 = arith.constant 768 : i32
      %mul3A_92 = vector.broadcast %mul3A_91 : i32 to vector<16xi32>
      %mul3A_93 = arith.muli %iota3A, %mul3A_92 : vector<16xi32>
      %mul3A_94 = arith.constant 6 : i32
      %mul3A_95 = arith.muli %scan3A_76, %mul3A_94 : i32
      %add3A_96 = arith.constant 1 : i32
      %add3A_97 = arith.addi %mul3A_95, %add3A_96 : i32
      %add3A_98 = vector.broadcast %add3A_97 : i32 to vector<16xi32>
      %add3A_99 = arith.addi %mul3A_93, %add3A_98 : vector<16xi32>
      %gather3A_100 = tpu.vector_load_idx %arg14[%add3A_99] : memref<12288xi32, #tpu.memory_space<vmem>>[vector<16xi32>], vector<16xi32>,
      %mul3A_101 = arith.constant 1024 : i32
      %mul3A_102 = vector.broadcast %mul3A_101 : i32 to vector<16xi32>
      %mul3A_103 = arith.muli %iota3A, %mul3A_102 : vector<16xi32>
      %add3A_104 = arith.addi %mul3A_103, %gather3A_100 : vector<16xi32>
      tpu.vector_store_idx %arg19[%add3A_104], %broadcast_in_dim3A_3 {add = true} : memref<16384xi32, #tpu.memory_space<vmem>>[vector<16xi32>], vector<16xi32>,
      %mul3A_105 = arith.constant 768 : i32
      %mul3A_106 = vector.broadcast %mul3A_105 : i32 to vector<16xi32>
      %mul3A_107 = arith.muli %iota3A, %mul3A_106 : vector<16xi32>
      %mul3A_108 = arith.constant 6 : i32
      %mul3A_109 = arith.muli %scan3A_76, %mul3A_108 : i32
      %add3A_110 = arith.constant 2 : i32
      %add3A_111 = arith.addi %mul3A_109, %add3A_110 : i32
      %add3A_112 = vector.broadcast %add3A_111 : i32 to vector<16xi32>
      %add3A_113 = arith.addi %mul3A_107, %add3A_112 : vector<16xi32>
      %gather3A_114 = tpu.vector_load_idx %arg14[%add3A_113] : memref<12288xi32, #tpu.memory_space<vmem>>[vector<16xi32>], vector<16xi32>,
      %mul3A_115 = arith.constant 1024 : i32
      %mul3A_116 = vector.broadcast %mul3A_115 : i32 to vector<16xi32>
      %mul3A_117 = arith.muli %iota3A, %mul3A_116 : vector<16xi32>
      %add3A_118 = arith.addi %mul3A_117, %gather3A_114 : vector<16xi32>
      tpu.vector_store_idx %arg19[%add3A_118], %broadcast_in_dim3A_3 {add = true} : memref<16384xi32, #tpu.memory_space<vmem>>[vector<16xi32>], vector<16xi32>,
      %mul3A_119 = arith.constant 768 : i32
      %mul3A_120 = vector.broadcast %mul3A_119 : i32 to vector<16xi32>
      %mul3A_121 = arith.muli %iota3A, %mul3A_120 : vector<16xi32>
      %mul3A_122 = arith.constant 6 : i32
      %mul3A_123 = arith.muli %scan3A_76, %mul3A_122 : i32
      %add3A_124 = arith.constant 3 : i32
      %add3A_125 = arith.addi %mul3A_123, %add3A_124 : i32
      %add3A_126 = vector.broadcast %add3A_125 : i32 to vector<16xi32>
      %add3A_127 = arith.addi %mul3A_121, %add3A_126 : vector<16xi32>
      %gather3A_128 = tpu.vector_load_idx %arg14[%add3A_127] : memref<12288xi32, #tpu.memory_space<vmem>>[vector<16xi32>], vector<16xi32>,
      %mul3A_129 = arith.constant 1024 : i32
      %mul3A_130 = vector.broadcast %mul3A_129 : i32 to vector<16xi32>
      %mul3A_131 = arith.muli %iota3A, %mul3A_130 : vector<16xi32>
      %add3A_132 = arith.addi %mul3A_131, %gather3A_128 : vector<16xi32>
      tpu.vector_store_idx %arg19[%add3A_132], %broadcast_in_dim3A_3 {add = true} : memref<16384xi32, #tpu.memory_space<vmem>>[vector<16xi32>], vector<16xi32>,
      %mul3A_133 = arith.constant 768 : i32
      %mul3A_134 = vector.broadcast %mul3A_133 : i32 to vector<16xi32>
      %mul3A_135 = arith.muli %iota3A, %mul3A_134 : vector<16xi32>
      %mul3A_136 = arith.constant 6 : i32
      %mul3A_137 = arith.muli %scan3A_76, %mul3A_136 : i32
      %add3A_138 = arith.constant 4 : i32
      %add3A_139 = arith.addi %mul3A_137, %add3A_138 : i32
      %add3A_140 = vector.broadcast %add3A_139 : i32 to vector<16xi32>
      %add3A_141 = arith.addi %mul3A_135, %add3A_140 : vector<16xi32>
      %gather3A_142 = tpu.vector_load_idx %arg14[%add3A_141] : memref<12288xi32, #tpu.memory_space<vmem>>[vector<16xi32>], vector<16xi32>,
      %mul3A_143 = arith.constant 1024 : i32
      %mul3A_144 = vector.broadcast %mul3A_143 : i32 to vector<16xi32>
      %mul3A_145 = arith.muli %iota3A, %mul3A_144 : vector<16xi32>
      %add3A_146 = arith.addi %mul3A_145, %gather3A_142 : vector<16xi32>
      tpu.vector_store_idx %arg19[%add3A_146], %broadcast_in_dim3A_3 {add = true} : memref<16384xi32, #tpu.memory_space<vmem>>[vector<16xi32>], vector<16xi32>,
      %mul3A_147 = arith.constant 768 : i32
      %mul3A_148 = vector.broadcast %mul3A_147 : i32 to vector<16xi32>
      %mul3A_149 = arith.muli %iota3A, %mul3A_148 : vector<16xi32>
      %mul3A_150 = arith.constant 6 : i32
      %mul3A_151 = arith.muli %scan3A_76, %mul3A_150 : i32
      %add3A_152 = arith.constant 5 : i32
      %add3A_153 = arith.addi %mul3A_151, %add3A_152 : i32
      %add3A_154 = vector.broadcast %add3A_153 : i32 to vector<16xi32>
      %add3A_155 = arith.addi %mul3A_149, %add3A_154 : vector<16xi32>
      %gather3A_156 = tpu.vector_load_idx %arg14[%add3A_155] : memref<12288xi32, #tpu.memory_space<vmem>>[vector<16xi32>], vector<16xi32>,
      %mul3A_157 = arith.constant 1024 : i32
      %mul3A_158 = vector.broadcast %mul3A_157 : i32 to vector<16xi32>
      %mul3A_159 = arith.muli %iota3A, %mul3A_158 : vector<16xi32>
      %add3A_160 = arith.addi %mul3A_159, %gather3A_156 : vector<16xi32>
      tpu.vector_store_idx %arg19[%add3A_160], %broadcast_in_dim3A_3 {add = true} : memref<16384xi32, #tpu.memory_space<vmem>>[vector<16xi32>], vector<16xi32>,
      %scan3A_161 = arith.constant 0 : i32
      scf.yield %scan3A_161 : i32
    }
    %scan3A_38 = arith.constant 128 : i32
    %scan3A_39 = arith.constant 0 : i32
    %scan3A_40 = arith.constant 0 : i32
    %scan3A_41 = arith.constant 64 : i32
    %scan3A_42 = arith.addi %scan3A_40, %scan3A_41 : i32
    %scan3A_43 = arith.constant 1 : i32
    %scan3A_44 = scf.for %scan3A_76 = %scan3A_40 to %scan3A_42 step %scan3A_43 iter_args(%scan3A_77 = %scan3A_39) -> (i32)  : i32 {
      %broadcast_in_dim3A_78 = arith.constant 0 : i32
      %broadcast_in_dim3A_79 = vector.broadcast %broadcast_in_dim3A_78 : i32 to vector<16xi32>
      %mul3A_80 = arith.constant 16 : i32
      %mul3A_81 = arith.muli %scan3A_76, %mul3A_80 : i32
      %add3A_82 = arith.constant 0 : i32
      %add3A_83 = arith.addi %add3A_82, %mul3A_81 : i32
      %get3A = arith.index_cast %add3A_83 : i32 to index
      %get3A_84 = tpu.vector_load %arg19[%get3A] {strides = array<i32>} : memref<16384xi32, #tpu.memory_space<vmem>>, vector<16xi32>,
      %swap3A = arith.index_cast %add3A_83 : i32 to index
      %swap3A_85 = tpu.vector_load %arg19[%swap3A] {strides = array<i32>} : memref<16384xi32, #tpu.memory_space<vmem>>, vector<16xi32>,
      tpu.vector_store %arg19[%swap3A], %broadcast_in_dim3A_79 {strides = array<i32>} : memref<16384xi32, #tpu.memory_space<vmem>>, vector<16xi32>,
      %add3A_86 = arith.addi %broadcast_in_dim3A_79, %get3A_84 : vector<16xi32>
      %mul3A_87 = arith.constant 16 : i32
      %mul3A_88 = arith.muli %scan3A_76, %mul3A_87 : i32
      %add3A_89 = arith.constant 1024 : i32
      %add3A_90 = arith.addi %add3A_89, %mul3A_88 : i32
      %get3A_91 = arith.index_cast %add3A_90 : i32 to index
      %get3A_92 = tpu.vector_load %arg19[%get3A_91] {strides = array<i32>} : memref<16384xi32, #tpu.memory_space<vmem>>, vector<16xi32>,
      %swap3A_93 = arith.index_cast %add3A_90 : i32 to index
      %swap3A_94 = tpu.vector_load %arg19[%swap3A_93] {strides = array<i32>} : memref<16384xi32, #tpu.memory_space<vmem>>, vector<16xi32>,
      tpu.vector_store %arg19[%swap3A_93], %add3A_86 {strides = array<i32>} : memref<16384xi32, #tpu.memory_space<vmem>>, vector<16xi32>,
      %add3A_95 = arith.addi %add3A_86, %get3A_92 : vector<16xi32>
      %mul3A_96 = arith.constant 16 : i32
      %mul3A_97 = arith.muli %scan3A_76, %mul3A_96 : i32
      %add3A_98 = arith.constant 2048 : i32
      %add3A_99 = arith.addi %add3A_98, %mul3A_97 : i32
      %get3A_100 = arith.index_cast %add3A_99 : i32 to index
      %get3A_101 = tpu.vector_load %arg19[%get3A_100] {strides = array<i32>} : memref<16384xi32, #tpu.memory_space<vmem>>, vector<16xi32>,
      %swap3A_102 = arith.index_cast %add3A_99 : i32 to index
      %swap3A_103 = tpu.vector_load %arg19[%swap3A_102] {strides = array<i32>} : memref<16384xi32, #tpu.memory_space<vmem>>, vector<16xi32>,
      tpu.vector_store %arg19[%swap3A_102], %add3A_95 {strides = array<i32>} : memref<16384xi32, #tpu.memory_space<vmem>>, vector<16xi32>,
      %add3A_104 = arith.addi %add3A_95, %get3A_101 : vector<16xi32>
      %mul3A_105 = arith.constant 16 : i32
      %mul3A_106 = arith.muli %scan3A_76, %mul3A_105 : i32
      %add3A_107 = arith.constant 3072 : i32
      %add3A_108 = arith.addi %add3A_107, %mul3A_106 : i32
      %get3A_109 = arith.index_cast %add3A_108 : i32 to index
      %get3A_110 = tpu.vector_load %arg19[%get3A_109] {strides = array<i32>} : memref<16384xi32, #tpu.memory_space<vmem>>, vector<16xi32>,
      %swap3A_111 = arith.index_cast %add3A_108 : i32 to index
      %swap3A_112 = tpu.vector_load %arg19[%swap3A_111] {strides = array<i32>} : memref<16384xi32, #tpu.memory_space<vmem>>, vector<16xi32>,
      tpu.vector_store %arg19[%swap3A_111], %add3A_104 {strides = array<i32>} : memref<16384xi32, #tpu.memory_space<vmem>>, vector<16xi32>,
      %add3A_113 = arith.addi %add3A_104, %get3A_110 : vector<16xi32>
      %mul3A_114 = arith.constant 16 : i32
      %mul3A_115 = arith.muli %scan3A_76, %mul3A_114 : i32
      %add3A_116 = arith.constant 4096 : i32
      %add3A_117 = arith.addi %add3A_116, %mul3A_115 : i32
      %get3A_118 = arith.index_cast %add3A_117 : i32 to index
      %get3A_119 = tpu.vector_load %arg19[%get3A_118] {strides = array<i32>} : memref<16384xi32, #tpu.memory_space<vmem>>, vector<16xi32>,
      %swap3A_120 = arith.index_cast %add3A_117 : i32 to index
      %swap3A_121 = tpu.vector_load %arg19[%swap3A_120] {strides = array<i32>} : memref<16384xi32, #tpu.memory_space<vmem>>, vector<16xi32>,
      tpu.vector_store %arg19[%swap3A_120], %add3A_113 {strides = array<i32>} : memref<16384xi32, #tpu.memory_space<vmem>>, vector<16xi32>,
      %add3A_122 = arith.addi %add3A_113, %get3A_119 : vector<16xi32>
      %mul3A_123 = arith.constant 16 : i32
      %mul3A_124 = arith.muli %scan3A_76, %mul3A_123 : i32
      %add3A_125 = arith.constant 5120 : i32
      %add3A_126 = arith.addi %add3A_125, %mul3A_124 : i32
      %get3A_127 = arith.index_cast %add3A_126 : i32 to index
      %get3A_128 = tpu.vector_load %arg19[%get3A_127] {strides = array<i32>} : memref<16384xi32, #tpu.memory_space<vmem>>, vector<16xi32>,
      %swap3A_129 = arith.index_cast %add3A_126 : i32 to index
      %swap3A_130 = tpu.vector_load %arg19[%swap3A_129] {strides = array<i32>} : memref<16384xi32, #tpu.memory_space<vmem>>, vector<16xi32>,
      tpu.vector_store %arg19[%swap3A_129], %add3A_122 {strides = array<i32>} : memref<16384xi32, #tpu.memory_space<vmem>>, vector<16xi32>,
      %add3A_131 = arith.addi %add3A_122, %get3A_128 : vector<16xi32>
      %mul3A_132 = arith.constant 16 : i32
      %mul3A_133 = arith.muli %scan3A_76, %mul3A_132 : i32
      %add3A_134 = arith.constant 6144 : i32
      %add3A_135 = arith.addi %add3A_134, %mul3A_133 : i32
      %get3A_136 = arith.index_cast %add3A_135 : i32 to index
      %get3A_137 = tpu.vector_load %arg19[%get3A_136] {strides = array<i32>} : memref<16384xi32, #tpu.memory_space<vmem>>, vector<16xi32>,
      %swap3A_138 = arith.index_cast %add3A_135 : i32 to index
      %swap3A_139 = tpu.vector_load %arg19[%swap3A_138] {strides = array<i32>} : memref<16384xi32, #tpu.memory_space<vmem>>, vector<16xi32>,
      tpu.vector_store %arg19[%swap3A_138], %add3A_131 {strides = array<i32>} : memref<16384xi32, #tpu.memory_space<vmem>>, vector<16xi32>,
      %add3A_140 = arith.addi %add3A_131, %get3A_137 : vector<16xi32>
      %mul3A_141 = arith.constant 16 : i32
      %mul3A_142 = arith.muli %scan3A_76, %mul3A_141 : i32
      %add3A_143 = arith.constant 7168 : i32
      %add3A_144 = arith.addi %add3A_143, %mul3A_142 : i32
      %get3A_145 = arith.index_cast %add3A_144 : i32 to index
      %get3A_146 = tpu.vector_load %arg19[%get3A_145] {strides = array<i32>} : memref<16384xi32, #tpu.memory_space<vmem>>, vector<16xi32>,
      %swap3A_147 = arith.index_cast %add3A_144 : i32 to index
      %swap3A_148 = tpu.vector_load %arg19[%swap3A_147] {strides = array<i32>} : memref<16384xi32, #tpu.memory_space<vmem>>, vector<16xi32>,
      tpu.vector_store %arg19[%swap3A_147], %add3A_140 {strides = array<i32>} : memref<16384xi32, #tpu.memory_space<vmem>>, vector<16xi32>,
      %add3A_149 = arith.addi %add3A_140, %get3A_146 : vector<16xi32>
      %mul3A_150 = arith.constant 16 : i32
      %mul3A_151 = arith.muli %scan3A_76, %mul3A_150 : i32
      %add3A_152 = arith.constant 8192 : i32
      %add3A_153 = arith.addi %add3A_152, %mul3A_151 : i32
      %get3A_154 = arith.index_cast %add3A_153 : i32 to index
      %get3A_155 = tpu.vector_load %arg19[%get3A_154] {strides = array<i32>} : memref<16384xi32, #tpu.memory_space<vmem>>, vector<16xi32>,
      %swap3A_156 = arith.index_cast %add3A_153 : i32 to index
      %swap3A_157 = tpu.vector_load %arg19[%swap3A_156] {strides = array<i32>} : memref<16384xi32, #tpu.memory_space<vmem>>, vector<16xi32>,
      tpu.vector_store %arg19[%swap3A_156], %add3A_149 {strides = array<i32>} : memref<16384xi32, #tpu.memory_space<vmem>>, vector<16xi32>,
      %add3A_158 = arith.addi %add3A_149, %get3A_155 : vector<16xi32>
      %mul3A_159 = arith.constant 16 : i32
      %mul3A_160 = arith.muli %scan3A_76, %mul3A_159 : i32
      %add3A_161 = arith.constant 9216 : i32
      %add3A_162 = arith.addi %add3A_161, %mul3A_160 : i32
      %get3A_163 = arith.index_cast %add3A_162 : i32 to index
      %get3A_164 = tpu.vector_load %arg19[%get3A_163] {strides = array<i32>} : memref<16384xi32, #tpu.memory_space<vmem>>, vector<16xi32>,
      %swap3A_165 = arith.index_cast %add3A_162 : i32 to index
      %swap3A_166 = tpu.vector_load %arg19[%swap3A_165] {strides = array<i32>} : memref<16384xi32, #tpu.memory_space<vmem>>, vector<16xi32>,
      tpu.vector_store %arg19[%swap3A_165], %add3A_158 {strides = array<i32>} : memref<16384xi32, #tpu.memory_space<vmem>>, vector<16xi32>,
      %add3A_167 = arith.addi %add3A_158, %get3A_164 : vector<16xi32>
      %mul3A_168 = arith.constant 16 : i32
      %mul3A_169 = arith.muli %scan3A_76, %mul3A_168 : i32
      %add3A_170 = arith.constant 10240 : i32
      %add3A_171 = arith.addi %add3A_170, %mul3A_169 : i32
      %get3A_172 = arith.index_cast %add3A_171 : i32 to index
      %get3A_173 = tpu.vector_load %arg19[%get3A_172] {strides = array<i32>} : memref<16384xi32, #tpu.memory_space<vmem>>, vector<16xi32>,
      %swap3A_174 = arith.index_cast %add3A_171 : i32 to index
      %swap3A_175 = tpu.vector_load %arg19[%swap3A_174] {strides = array<i32>} : memref<16384xi32, #tpu.memory_space<vmem>>, vector<16xi32>,
      tpu.vector_store %arg19[%swap3A_174], %add3A_167 {strides = array<i32>} : memref<16384xi32, #tpu.memory_space<vmem>>, vector<16xi32>,
      %add3A_176 = arith.addi %add3A_167, %get3A_173 : vector<16xi32>
      %mul3A_177 = arith.constant 16 : i32
      %mul3A_178 = arith.muli %scan3A_76, %mul3A_177 : i32
      %add3A_179 = arith.constant 11264 : i32
      %add3A_180 = arith.addi %add3A_179, %mul3A_178 : i32
      %get3A_181 = arith.index_cast %add3A_180 : i32 to index
      %get3A_182 = tpu.vector_load %arg19[%get3A_181] {strides = array<i32>} : memref<16384xi32, #tpu.memory_space<vmem>>, vector<16xi32>,
      %swap3A_183 = arith.index_cast %add3A_180 : i32 to index
      %swap3A_184 = tpu.vector_load %arg19[%swap3A_183] {strides = array<i32>} : memref<16384xi32, #tpu.memory_space<vmem>>, vector<16xi32>,
      tpu.vector_store %arg19[%swap3A_183], %add3A_176 {strides = array<i32>} : memref<16384xi32, #tpu.memory_space<vmem>>, vector<16xi32>,
      %add3A_185 = arith.addi %add3A_176, %get3A_182 : vector<16xi32>
      %mul3A_186 = arith.constant 16 : i32
      %mul3A_187 = arith.muli %scan3A_76, %mul3A_186 : i32
      %add3A_188 = arith.constant 12288 : i32
      %add3A_189 = arith.addi %add3A_188, %mul3A_187 : i32
      %get3A_190 = arith.index_cast %add3A_189 : i32 to index
      %get3A_191 = tpu.vector_load %arg19[%get3A_190] {strides = array<i32>} : memref<16384xi32, #tpu.memory_space<vmem>>, vector<16xi32>,
      %swap3A_192 = arith.index_cast %add3A_189 : i32 to index
      %swap3A_193 = tpu.vector_load %arg19[%swap3A_192] {strides = array<i32>} : memref<16384xi32, #tpu.memory_space<vmem>>, vector<16xi32>,
      tpu.vector_store %arg19[%swap3A_192], %add3A_185 {strides = array<i32>} : memref<16384xi32, #tpu.memory_space<vmem>>, vector<16xi32>,
      %add3A_194 = arith.addi %add3A_185, %get3A_191 : vector<16xi32>
      %mul3A_195 = arith.constant 16 : i32
      %mul3A_196 = arith.muli %scan3A_76, %mul3A_195 : i32
      %add3A_197 = arith.constant 13312 : i32
      %add3A_198 = arith.addi %add3A_197, %mul3A_196 : i32
      %get3A_199 = arith.index_cast %add3A_198 : i32 to index
      %get3A_200 = tpu.vector_load %arg19[%get3A_199] {strides = array<i32>} : memref<16384xi32, #tpu.memory_space<vmem>>, vector<16xi32>,
      %swap3A_201 = arith.index_cast %add3A_198 : i32 to index
      %swap3A_202 = tpu.vector_load %arg19[%swap3A_201] {strides = array<i32>} : memref<16384xi32, #tpu.memory_space<vmem>>, vector<16xi32>,
      tpu.vector_store %arg19[%swap3A_201], %add3A_194 {strides = array<i32>} : memref<16384xi32, #tpu.memory_space<vmem>>, vector<16xi32>,
      %add3A_203 = arith.addi %add3A_194, %get3A_200 : vector<16xi32>
      %mul3A_204 = arith.constant 16 : i32
      %mul3A_205 = arith.muli %scan3A_76, %mul3A_204 : i32
      %add3A_206 = arith.constant 14336 : i32
      %add3A_207 = arith.addi %add3A_206, %mul3A_205 : i32
      %get3A_208 = arith.index_cast %add3A_207 : i32 to index
      %get3A_209 = tpu.vector_load %arg19[%get3A_208] {strides = array<i32>} : memref<16384xi32, #tpu.memory_space<vmem>>, vector<16xi32>,
      %swap3A_210 = arith.index_cast %add3A_207 : i32 to index
      %swap3A_211 = tpu.vector_load %arg19[%swap3A_210] {strides = array<i32>} : memref<16384xi32, #tpu.memory_space<vmem>>, vector<16xi32>,
      tpu.vector_store %arg19[%swap3A_210], %add3A_203 {strides = array<i32>} : memref<16384xi32, #tpu.memory_space<vmem>>, vector<16xi32>,
      %add3A_212 = arith.addi %add3A_203, %get3A_209 : vector<16xi32>
      %mul3A_213 = arith.constant 16 : i32
      %mul3A_214 = arith.muli %scan3A_76, %mul3A_213 : i32
      %add3A_215 = arith.constant 15360 : i32
      %add3A_216 = arith.addi %add3A_215, %mul3A_214 : i32
      %get3A_217 = arith.index_cast %add3A_216 : i32 to index
      %get3A_218 = tpu.vector_load %arg19[%get3A_217] {strides = array<i32>} : memref<16384xi32, #tpu.memory_space<vmem>>, vector<16xi32>,
      %swap3A_219 = arith.index_cast %add3A_216 : i32 to index
      %swap3A_220 = tpu.vector_load %arg19[%swap3A_219] {strides = array<i32>} : memref<16384xi32, #tpu.memory_space<vmem>>, vector<16xi32>,
      tpu.vector_store %arg19[%swap3A_219], %add3A_212 {strides = array<i32>} : memref<16384xi32, #tpu.memory_space<vmem>>, vector<16xi32>,
      %add3A_221 = arith.addi %add3A_212, %get3A_218 : vector<16xi32>
      %mul3A_222 = arith.constant 16 : i32
      %mul3A_223 = arith.muli %scan3A_76, %mul3A_222 : i32
      %swap3A_224 = arith.index_cast %mul3A_223 : i32 to index
      %swap3A_225 = tpu.vector_load %arg20[%swap3A_224] {strides = array<i32>} : memref<1024xi32, #tpu.memory_space<vmem>>, vector<16xi32>,
      tpu.vector_store %arg20[%swap3A_224], %add3A_221 {strides = array<i32>} : memref<1024xi32, #tpu.memory_space<vmem>>, vector<16xi32>,
      %scan3A_226 = arith.constant 0 : i32
      scf.yield %scan3A_226 : i32
    }
    %scan3A_45 = arith.constant 64 : i32
    %scan3A_46 = arith.constant 0 : i32
    %scan3A_47 = arith.constant 0 : i32
    %scan3A_48 = arith.constant 64 : i32
    %scan3A_49 = arith.addi %scan3A_47, %scan3A_48 : i32
    %scan3A_50 = arith.constant 1 : i32
    %scan3A_51 = scf.for %scan3A_76 = %scan3A_47 to %scan3A_49 step %scan3A_50 iter_args(%scan3A_77 = %scan3A_46) -> (i32)  : i32 {
      %mul3A_78 = arith.constant 16 : i32
      %mul3A_79 = arith.muli %scan3A_76, %mul3A_78 : i32
      %get3A = arith.index_cast %mul3A_79 : i32 to index
      %get3A_80 = tpu.vector_load %arg20[%get3A] {strides = array<i32>} : memref<1024xi32, #tpu.memory_space<vmem>>, vector<16xi32>,
      %broadcast_in_dim3A_81 = arith.constant true
      %broadcast_in_dim3A_82 = vector.broadcast %broadcast_in_dim3A_81 : i1 to vector<16xi1>
      %masked_cumsum3A = tpu.scan <sum>, %get3A_80 masked %broadcast_in_dim3A_82 : vector<16xi32>, vector<16xi1> -> vector<16xi32>
      %sub3A = arith.subi %masked_cumsum3A, %get3A_80 : vector<16xi32>
      %add3A_83 = vector.broadcast %scan3A_77 : i32 to vector<16xi32>
      %add3A_84 = arith.addi %sub3A, %add3A_83 : vector<16xi32>
      %mul3A_85 = arith.constant 16 : i32
      %mul3A_86 = arith.muli %scan3A_76, %mul3A_85 : i32
      %swap3A = arith.index_cast %mul3A_86 : i32 to index
      %swap3A_87 = tpu.vector_load %arg21[%swap3A] {strides = array<i32>} : memref<1024xi32, #tpu.memory_space<vmem>>, vector<16xi32>,
      tpu.vector_store %arg21[%swap3A], %add3A_84 {strides = array<i32>} : memref<1024xi32, #tpu.memory_space<vmem>>, vector<16xi32>,
      %reduce_sum3A = arith.constant true
      %reduce_sum3A_88 = vector.broadcast %reduce_sum3A : i1 to vector<16xi1>
      %reduce_sum3A_89 = tpu.scan <sum>, %get3A_80 masked %reduce_sum3A_88 : vector<16xi32>, vector<16xi1> -> vector<16xi32>
      %reduce_sum3A_90 = vector.extract %reduce_sum3A_89[15] : i32 from vector<16xi32>
      %add3A_91 = arith.addi %scan3A_77, %reduce_sum3A_90 : i32
      scf.yield %add3A_91 : i32
    }
    %scan3A_52 = arith.constant 64 : i32
    %scan3A_53 = arith.constant 0 : i32
    %scan3A_54 = arith.constant 0 : i32
    %scan3A_55 = arith.constant 128 : i32
    %scan3A_56 = arith.addi %scan3A_54, %scan3A_55 : i32
    %scan3A_57 = arith.constant 1 : i32
    %scan3A_58 = scf.for %scan3A_76 = %scan3A_54 to %scan3A_56 step %scan3A_57 iter_args(%scan3A_77 = %scan3A_53) -> (i32)  : i32 {
      %mul3A_78 = arith.constant 768 : i32
      %mul3A_79 = vector.broadcast %mul3A_78 : i32 to vector<16xi32>
      %mul3A_80 = arith.muli %iota3A, %mul3A_79 : vector<16xi32>
      %mul3A_81 = arith.constant 6 : i32
      %mul3A_82 = arith.muli %scan3A_76, %mul3A_81 : i32
      %add3A_83 = arith.constant 0 : i32
      %add3A_84 = arith.addi %mul3A_82, %add3A_83 : i32
      %add3A_85 = vector.broadcast %add3A_84 : i32 to vector<16xi32>
      %add3A_86 = arith.addi %mul3A_80, %add3A_85 : vector<16xi32>
      %gather3A = tpu.vector_load_idx %arg14[%add3A_86] : memref<12288xi32, #tpu.memory_space<vmem>>[vector<16xi32>], vector<16xi32>,
      %mul3A_87 = arith.constant 1024 : i32
      %mul3A_88 = vector.broadcast %mul3A_87 : i32 to vector<16xi32>
      %mul3A_89 = arith.muli %iota3A, %mul3A_88 : vector<16xi32>
      %add3A_90 = arith.addi %mul3A_89, %gather3A : vector<16xi32>
      %gather3A_91 = tpu.vector_load_idx %arg21[%gather3A] : memref<1024xi32, #tpu.memory_space<vmem>>[vector<16xi32>], vector<16xi32>,
      %gather3A_92 = tpu.vector_load_idx %arg19[%add3A_90] : memref<16384xi32, #tpu.memory_space<vmem>>[vector<16xi32>], vector<16xi32>,
      %add3A_93 = arith.addi %gather3A_91, %gather3A_92 : vector<16xi32>
      tpu.vector_store_idx %arg18[%add3A_93], %add3A_86 : memref<12288xi32, #tpu.memory_space<vmem>>[vector<16xi32>], vector<16xi32>,
      tpu.vector_store_idx %arg19[%add3A_90], %broadcast_in_dim3A_3 {add = true} : memref<16384xi32, #tpu.memory_space<vmem>>[vector<16xi32>], vector<16xi32>,
      %mul3A_94 = arith.constant 768 : i32
      %mul3A_95 = vector.broadcast %mul3A_94 : i32 to vector<16xi32>
      %mul3A_96 = arith.muli %iota3A, %mul3A_95 : vector<16xi32>
      %mul3A_97 = arith.constant 6 : i32
      %mul3A_98 = arith.muli %scan3A_76, %mul3A_97 : i32
      %add3A_99 = arith.constant 1 : i32
      %add3A_100 = arith.addi %mul3A_98, %add3A_99 : i32
      %add3A_101 = vector.broadcast %add3A_100 : i32 to vector<16xi32>
      %add3A_102 = arith.addi %mul3A_96, %add3A_101 : vector<16xi32>
      %gather3A_103 = tpu.vector_load_idx %arg14[%add3A_102] : memref<12288xi32, #tpu.memory_space<vmem>>[vector<16xi32>], vector<16xi32>,
      %mul3A_104 = arith.constant 1024 : i32
      %mul3A_105 = vector.broadcast %mul3A_104 : i32 to vector<16xi32>
      %mul3A_106 = arith.muli %iota3A, %mul3A_105 : vector<16xi32>
      %add3A_107 = arith.addi %mul3A_106, %gather3A_103 : vector<16xi32>
      %gather3A_108 = tpu.vector_load_idx %arg21[%gather3A_103] : memref<1024xi32, #tpu.memory_space<vmem>>[vector<16xi32>], vector<16xi32>,
      %gather3A_109 = tpu.vector_load_idx %arg19[%add3A_107] : memref<16384xi32, #tpu.memory_space<vmem>>[vector<16xi32>], vector<16xi32>,
      %add3A_110 = arith.addi %gather3A_108, %gather3A_109 : vector<16xi32>
      tpu.vector_store_idx %arg18[%add3A_110], %add3A_102 : memref<12288xi32, #tpu.memory_space<vmem>>[vector<16xi32>], vector<16xi32>,
      tpu.vector_store_idx %arg19[%add3A_107], %broadcast_in_dim3A_3 {add = true} : memref<16384xi32, #tpu.memory_space<vmem>>[vector<16xi32>], vector<16xi32>,
      %mul3A_111 = arith.constant 768 : i32
      %mul3A_112 = vector.broadcast %mul3A_111 : i32 to vector<16xi32>
      %mul3A_113 = arith.muli %iota3A, %mul3A_112 : vector<16xi32>
      %mul3A_114 = arith.constant 6 : i32
      %mul3A_115 = arith.muli %scan3A_76, %mul3A_114 : i32
      %add3A_116 = arith.constant 2 : i32
      %add3A_117 = arith.addi %mul3A_115, %add3A_116 : i32
      %add3A_118 = vector.broadcast %add3A_117 : i32 to vector<16xi32>
      %add3A_119 = arith.addi %mul3A_113, %add3A_118 : vector<16xi32>
      %gather3A_120 = tpu.vector_load_idx %arg14[%add3A_119] : memref<12288xi32, #tpu.memory_space<vmem>>[vector<16xi32>], vector<16xi32>,
      %mul3A_121 = arith.constant 1024 : i32
      %mul3A_122 = vector.broadcast %mul3A_121 : i32 to vector<16xi32>
      %mul3A_123 = arith.muli %iota3A, %mul3A_122 : vector<16xi32>
      %add3A_124 = arith.addi %mul3A_123, %gather3A_120 : vector<16xi32>
      %gather3A_125 = tpu.vector_load_idx %arg21[%gather3A_120] : memref<1024xi32, #tpu.memory_space<vmem>>[vector<16xi32>], vector<16xi32>,
      %gather3A_126 = tpu.vector_load_idx %arg19[%add3A_124] : memref<16384xi32, #tpu.memory_space<vmem>>[vector<16xi32>], vector<16xi32>,
      %add3A_127 = arith.addi %gather3A_125, %gather3A_126 : vector<16xi32>
      tpu.vector_store_idx %arg18[%add3A_127], %add3A_119 : memref<12288xi32, #tpu.memory_space<vmem>>[vector<16xi32>], vector<16xi32>,
      tpu.vector_store_idx %arg19[%add3A_124], %broadcast_in_dim3A_3 {add = true} : memref<16384xi32, #tpu.memory_space<vmem>>[vector<16xi32>], vector<16xi32>,
      %mul3A_128 = arith.constant 768 : i32
      %mul3A_129 = vector.broadcast %mul3A_128 : i32 to vector<16xi32>
      %mul3A_130 = arith.muli %iota3A, %mul3A_129 : vector<16xi32>
      %mul3A_131 = arith.constant 6 : i32
      %mul3A_132 = arith.muli %scan3A_76, %mul3A_131 : i32
      %add3A_133 = arith.constant 3 : i32
      %add3A_134 = arith.addi %mul3A_132, %add3A_133 : i32
      %add3A_135 = vector.broadcast %add3A_134 : i32 to vector<16xi32>
      %add3A_136 = arith.addi %mul3A_130, %add3A_135 : vector<16xi32>
      %gather3A_137 = tpu.vector_load_idx %arg14[%add3A_136] : memref<12288xi32, #tpu.memory_space<vmem>>[vector<16xi32>], vector<16xi32>,
      %mul3A_138 = arith.constant 1024 : i32
      %mul3A_139 = vector.broadcast %mul3A_138 : i32 to vector<16xi32>
      %mul3A_140 = arith.muli %iota3A, %mul3A_139 : vector<16xi32>
      %add3A_141 = arith.addi %mul3A_140, %gather3A_137 : vector<16xi32>
      %gather3A_142 = tpu.vector_load_idx %arg21[%gather3A_137] : memref<1024xi32, #tpu.memory_space<vmem>>[vector<16xi32>], vector<16xi32>,
      %gather3A_143 = tpu.vector_load_idx %arg19[%add3A_141] : memref<16384xi32, #tpu.memory_space<vmem>>[vector<16xi32>], vector<16xi32>,
      %add3A_144 = arith.addi %gather3A_142, %gather3A_143 : vector<16xi32>
      tpu.vector_store_idx %arg18[%add3A_144], %add3A_136 : memref<12288xi32, #tpu.memory_space<vmem>>[vector<16xi32>], vector<16xi32>,
      tpu.vector_store_idx %arg19[%add3A_141], %broadcast_in_dim3A_3 {add = true} : memref<16384xi32, #tpu.memory_space<vmem>>[vector<16xi32>], vector<16xi32>,
      %mul3A_145 = arith.constant 768 : i32
      %mul3A_146 = vector.broadcast %mul3A_145 : i32 to vector<16xi32>
      %mul3A_147 = arith.muli %iota3A, %mul3A_146 : vector<16xi32>
      %mul3A_148 = arith.constant 6 : i32
      %mul3A_149 = arith.muli %scan3A_76, %mul3A_148 : i32
      %add3A_150 = arith.constant 4 : i32
      %add3A_151 = arith.addi %mul3A_149, %add3A_150 : i32
      %add3A_152 = vector.broadcast %add3A_151 : i32 to vector<16xi32>
      %add3A_153 = arith.addi %mul3A_147, %add3A_152 : vector<16xi32>
      %gather3A_154 = tpu.vector_load_idx %arg14[%add3A_153] : memref<12288xi32, #tpu.memory_space<vmem>>[vector<16xi32>], vector<16xi32>,
      %mul3A_155 = arith.constant 1024 : i32
      %mul3A_156 = vector.broadcast %mul3A_155 : i32 to vector<16xi32>
      %mul3A_157 = arith.muli %iota3A, %mul3A_156 : vector<16xi32>
      %add3A_158 = arith.addi %mul3A_157, %gather3A_154 : vector<16xi32>
      %gather3A_159 = tpu.vector_load_idx %arg21[%gather3A_154] : memref<1024xi32, #tpu.memory_space<vmem>>[vector<16xi32>], vector<16xi32>,
      %gather3A_160 = tpu.vector_load_idx %arg19[%add3A_158] : memref<16384xi32, #tpu.memory_space<vmem>>[vector<16xi32>], vector<16xi32>,
      %add3A_161 = arith.addi %gather3A_159, %gather3A_160 : vector<16xi32>
      tpu.vector_store_idx %arg18[%add3A_161], %add3A_153 : memref<12288xi32, #tpu.memory_space<vmem>>[vector<16xi32>], vector<16xi32>,
      tpu.vector_store_idx %arg19[%add3A_158], %broadcast_in_dim3A_3 {add = true} : memref<16384xi32, #tpu.memory_space<vmem>>[vector<16xi32>], vector<16xi32>,
      %mul3A_162 = arith.constant 768 : i32
      %mul3A_163 = vector.broadcast %mul3A_162 : i32 to vector<16xi32>
      %mul3A_164 = arith.muli %iota3A, %mul3A_163 : vector<16xi32>
      %mul3A_165 = arith.constant 6 : i32
      %mul3A_166 = arith.muli %scan3A_76, %mul3A_165 : i32
      %add3A_167 = arith.constant 5 : i32
      %add3A_168 = arith.addi %mul3A_166, %add3A_167 : i32
      %add3A_169 = vector.broadcast %add3A_168 : i32 to vector<16xi32>
      %add3A_170 = arith.addi %mul3A_164, %add3A_169 : vector<16xi32>
      %gather3A_171 = tpu.vector_load_idx %arg14[%add3A_170] : memref<12288xi32, #tpu.memory_space<vmem>>[vector<16xi32>], vector<16xi32>,
      %mul3A_172 = arith.constant 1024 : i32
      %mul3A_173 = vector.broadcast %mul3A_172 : i32 to vector<16xi32>
      %mul3A_174 = arith.muli %iota3A, %mul3A_173 : vector<16xi32>
      %add3A_175 = arith.addi %mul3A_174, %gather3A_171 : vector<16xi32>
      %gather3A_176 = tpu.vector_load_idx %arg21[%gather3A_171] : memref<1024xi32, #tpu.memory_space<vmem>>[vector<16xi32>], vector<16xi32>,
      %gather3A_177 = tpu.vector_load_idx %arg19[%add3A_175] : memref<16384xi32, #tpu.memory_space<vmem>>[vector<16xi32>], vector<16xi32>,
      %add3A_178 = arith.addi %gather3A_176, %gather3A_177 : vector<16xi32>
      tpu.vector_store_idx %arg18[%add3A_178], %add3A_170 : memref<12288xi32, #tpu.memory_space<vmem>>[vector<16xi32>], vector<16xi32>,
      tpu.vector_store_idx %arg19[%add3A_175], %broadcast_in_dim3A_3 {add = true} : memref<16384xi32, #tpu.memory_space<vmem>>[vector<16xi32>], vector<16xi32>,
      %scan3A_179 = arith.constant 0 : i32
      scf.yield %scan3A_179 : i32
    }
    %scan3A_59 = arith.constant 128 : i32
    %scan3A_60 = arith.constant 0 : i32
    %scan3A_61 = arith.constant 0 : i32
    %scan3A_62 = arith.constant 24 : i32
    %scan3A_63 = arith.addi %scan3A_61, %scan3A_62 : i32
    %scan3A_64 = arith.constant 1 : i32
    %scan3A_65 = scf.for %scan3A_76 = %scan3A_61 to %scan3A_63 step %scan3A_64 iter_args(%scan3A_77 = %scan3A_60) -> (i32)  : i32 {
      %mul3A_78 = arith.constant 16 : i32
      %mul3A_79 = arith.muli %scan3A_76, %mul3A_78 : i32
      %add3A_80 = arith.addi %mul3A_2, %mul3A_79 : i32
      %mul3A_81 = arith.constant 16 : i32
      %mul3A_82 = arith.muli %scan3A_76, %mul3A_81 : i32
      %get3A = arith.index_cast %mul3A_82 : i32 to index
      %get3A_83 = tpu.vector_load %arg22[%get3A] {strides = array<i32>} : memref<384xi32, #tpu.memory_space<vmem>>, vector<16xi32>,
      %get3A_84 = arith.index_cast %add3A_80 : i32 to index
      %get3A_85 = tpu.vector_load %arg15[%get3A_84] {strides = array<i32>} : memref<12288xf32, #tpu.memory_space<vmem>>, vector<16xf32>,
      %get3A_86 = arith.index_cast %add3A_80 : i32 to index
      %get3A_87 = tpu.vector_load %arg16[%get3A_86] {strides = array<i32>} : memref<12288xf32, #tpu.memory_space<vmem>>, vector<16xf32>,
      %get3A_88 = arith.index_cast %add3A_80 : i32 to index
      %get3A_89 = tpu.vector_load %arg17[%get3A_88] {strides = array<i32>} : memref<12288xf32, #tpu.memory_space<vmem>>, vector<16xf32>,
      %mul3A_90 = arith.constant 16 : i32
      %mul3A_91 = arith.muli %scan3A_76, %mul3A_90 : i32
      %get3A_92 = arith.index_cast %mul3A_91 : i32 to index
      %get3A_93 = tpu.vector_load %arg23[%get3A_92] {strides = array<i32>} : memref<384xf32, #tpu.memory_space<vmem>>, vector<16xf32>,
      %mul3A_94 = arith.constant 16 : i32
      %mul3A_95 = arith.muli %scan3A_76, %mul3A_94 : i32
      %get3A_96 = arith.index_cast %mul3A_95 : i32 to index
      %get3A_97 = tpu.vector_load %arg24[%get3A_96] {strides = array<i32>} : memref<384xf32, #tpu.memory_space<vmem>>, vector<16xf32>,
      %mul3A_98 = arith.constant 16 : i32
      %mul3A_99 = arith.muli %scan3A_76, %mul3A_98 : i32
      %get3A_100 = arith.index_cast %mul3A_99 : i32 to index
      %get3A_101 = tpu.vector_load %arg25[%get3A_100] {strides = array<i32>} : memref<384xf32, #tpu.memory_space<vmem>>, vector<16xf32>,
      %gather3A = tpu.vector_load_idx %arg21[%get3A_83] : memref<1024xi32, #tpu.memory_space<vmem>>[vector<16xi32>], vector<16xi32>,
      %gather3A_102 = tpu.vector_load_idx %arg20[%get3A_83] : memref<1024xi32, #tpu.memory_space<vmem>>[vector<16xi32>], vector<16xi32>,
      %reduce_max3A = arith.constant true
      %reduce_max3A_103 = vector.broadcast %reduce_max3A : i1 to vector<16xi1>
      %reduce_max3A_104 = arith.constant -2147483648 : i32
      %reduce_max3A_105 = vector.broadcast %reduce_max3A_104 : i32 to vector<16xi32>
      %reduce_max3A_106 = arith.xori %gather3A_102, %reduce_max3A_105 : vector<16xi32>
      %reduce_max3A_107 = tpu.scan <max>, %reduce_max3A_106 masked %reduce_max3A_103 : vector<16xi32>, vector<16xi1> -> vector<16xi32>
      %reduce_max3A_108 = arith.xori %reduce_max3A_107, %reduce_max3A_105 : vector<16xi32>
      %reduce_max3A_109 = vector.extract %reduce_max3A_108[15] : i32 from vector<16xi32>
      %broadcast_in_dim3A_110 = arith.constant 0.000000e+00 : f32
      %broadcast_in_dim3A_111 = vector.broadcast %broadcast_in_dim3A_110 : f32 to vector<16xf32>
      %while3A = arith.constant 0 : i32
      %while3A_112 = arith.subi %reduce_max3A_109, %while3A : i32
      %while3A_113 = arith.addi %while3A, %while3A_112 : i32
      %while3A_114 = arith.constant 1 : i32
      %while3A_115 = arith.divsi %while3A_112, %while3A_114 : i32
      %while3A_116 = arith.muli %while3A_115, %while3A_114 : i32
      %while3A_117 = arith.addi %while3A, %while3A_116 : i32
      %while3A_118 = arith.constant 1 : i32
      %while3A_119:2 = scf.for %while3A_134 = %while3A to %while3A_117 step %while3A_118 iter_args(%while3A_135 = %broadcast_in_dim3A_111, %while3A_136 = %broadcast_in_dim3A_111) -> (vector<16xf32>, vector<16xf32>)  : i32 {
        %add3A_137 = vector.broadcast %while3A_134 : i32 to vector<16xi32>
        %add3A_138 = arith.addi %gather3A, %add3A_137 : vector<16xi32>
        %min3A = arith.constant 12287 : i32
        %min3A_139 = vector.broadcast %min3A : i32 to vector<16xi32>
        %min3A_140 = arith.minsi %add3A_138, %min3A_139 : vector<16xi32>
        %gather3A_141 = tpu.vector_load_idx %arg18[%min3A_140] : memref<12288xi32, #tpu.memory_space<vmem>>[vector<16xi32>], vector<16xi32>,
        %gt3A = vector.broadcast %while3A_134 : i32 to vector<16xi32>
        %gt3A_142 = arith.cmpi sgt, %gather3A_102, %gt3A : vector<16xi32>
        %jit3A = arith.constant 12287 : i32
        %broadcast_in_dim3A_143 = vector.broadcast %jit3A : i32 to vector<16xi32>
        %select_n3A = arith.select %gt3A_142, %gather3A_141, %broadcast_in_dim3A_143 : vector<16xi1>, vector<16xi32>
        %gather3A_144 = tpu.vector_load_idx %arg15[%select_n3A] : memref<12288xf32, #tpu.memory_space<vmem>>[vector<16xi32>], vector<16xf32>,
        %gather3A_145 = tpu.vector_load_idx %arg16[%select_n3A] : memref<12288xf32, #tpu.memory_space<vmem>>[vector<16xi32>], vector<16xf32>,
        %gather3A_146 = tpu.vector_load_idx %arg17[%select_n3A] : memref<12288xf32, #tpu.memory_space<vmem>>[vector<16xi32>], vector<16xf32>,
        %mul3A_147 = arith.mulf %get3A_85, %gather3A_144 : vector<16xf32>
        %mul3A_148 = arith.mulf %get3A_87, %gather3A_145 : vector<16xf32>
        %add3A_149 = arith.addf %mul3A_147, %mul3A_148 : vector<16xf32>
        %mul3A_150 = arith.mulf %get3A_89, %gather3A_146 : vector<16xf32>
        %add3A_151 = arith.addf %add3A_149, %mul3A_150 : vector<16xf32>
        %mul3A_152 = arith.mulf %get3A_87, %gather3A_146 : vector<16xf32>
        %mul3A_153 = arith.mulf %get3A_89, %gather3A_145 : vector<16xf32>
        %sub3A = arith.subf %mul3A_152, %mul3A_153 : vector<16xf32>
        %mul3A_154 = arith.mulf %get3A_89, %gather3A_144 : vector<16xf32>
        %mul3A_155 = arith.mulf %get3A_85, %gather3A_146 : vector<16xf32>
        %sub3A_156 = arith.subf %mul3A_154, %mul3A_155 : vector<16xf32>
        %mul3A_157 = arith.mulf %get3A_85, %gather3A_145 : vector<16xf32>
        %mul3A_158 = arith.mulf %get3A_87, %gather3A_144 : vector<16xf32>
        %sub3A_159 = arith.subf %mul3A_157, %mul3A_158 : vector<16xf32>
        %mul3A_160 = arith.mulf %sub3A, %sub3A : vector<16xf32>
        %mul3A_161 = arith.mulf %sub3A_156, %sub3A_156 : vector<16xf32>
        %add3A_162 = arith.addf %mul3A_160, %mul3A_161 : vector<16xf32>
        %mul3A_163 = arith.mulf %sub3A_159, %sub3A_159 : vector<16xf32>
        %add3A_164 = arith.addf %add3A_162, %mul3A_163 : vector<16xf32>
        %bitcast3A = vector.bitcast %add3A_164 : vector<16xf32> to vector<16xi32>
        %shift_right_logical3A = arith.constant 1 : i32
        %shift_right_logical3A_165 = vector.broadcast %shift_right_logical3A : i32 to vector<16xi32>
        %shift_right_logical3A_166 = arith.shrui %bitcast3A, %shift_right_logical3A_165 : vector<16xi32>
        %sub3A_167 = arith.constant 1597463007 : i32
        %sub3A_168 = vector.broadcast %sub3A_167 : i32 to vector<16xi32>
        %sub3A_169 = arith.subi %sub3A_168, %shift_right_logical3A_166 : vector<16xi32>
        %bitcast3A_170 = vector.bitcast %sub3A_169 : vector<16xi32> to vector<16xf32>
        %mul3A_171 = arith.constant 5.000000e-01 : f32
        %mul3A_172 = vector.broadcast %mul3A_171 : f32 to vector<16xf32>
        %mul3A_173 = arith.mulf %mul3A_172, %add3A_164 : vector<16xf32>
        %mul3A_174 = arith.mulf %mul3A_173, %bitcast3A_170 : vector<16xf32>
        %mul3A_175 = arith.mulf %mul3A_174, %bitcast3A_170 : vector<16xf32>
        %sub3A_176 = arith.constant 1.500000e+00 : f32
        %sub3A_177 = vector.broadcast %sub3A_176 : f32 to vector<16xf32>
        %sub3A_178 = arith.subf %sub3A_177, %mul3A_175 : vector<16xf32>
        %mul3A_179 = arith.mulf %bitcast3A_170, %sub3A_178 : vector<16xf32>
        %mul3A_180 = arith.constant 5.000000e-01 : f32
        %mul3A_181 = vector.broadcast %mul3A_180 : f32 to vector<16xf32>
        %mul3A_182 = arith.mulf %mul3A_181, %add3A_164 : vector<16xf32>
        %mul3A_183 = arith.mulf %mul3A_182, %mul3A_179 : vector<16xf32>
        %mul3A_184 = arith.mulf %mul3A_183, %mul3A_179 : vector<16xf32>
        %sub3A_185 = arith.constant 1.500000e+00 : f32
        %sub3A_186 = vector.broadcast %sub3A_185 : f32 to vector<16xf32>
        %sub3A_187 = arith.subf %sub3A_186, %mul3A_184 : vector<16xf32>
        %mul3A_188 = arith.mulf %mul3A_179, %sub3A_187 : vector<16xf32>
        %mul3A_189 = arith.constant 5.000000e-01 : f32
        %mul3A_190 = vector.broadcast %mul3A_189 : f32 to vector<16xf32>
        %mul3A_191 = arith.mulf %mul3A_190, %add3A_164 : vector<16xf32>
        %mul3A_192 = arith.mulf %mul3A_191, %mul3A_188 : vector<16xf32>
        %mul3A_193 = arith.mulf %mul3A_192, %mul3A_188 : vector<16xf32>
        %sub3A_194 = arith.constant 1.500000e+00 : f32
        %sub3A_195 = vector.broadcast %sub3A_194 : f32 to vector<16xf32>
        %sub3A_196 = arith.subf %sub3A_195, %mul3A_193 : vector<16xf32>
        %mul3A_197 = arith.mulf %mul3A_188, %sub3A_196 : vector<16xf32>
        %gt3A_198 = arith.constant 0.000000e+00 : f32
        %gt3A_199 = vector.broadcast %gt3A_198 : f32 to vector<16xf32>
        %gt3A_200 = arith.cmpf ogt, %add3A_164, %gt3A_199 : vector<16xf32>
        %mul3A_201 = arith.mulf %add3A_164, %mul3A_197 : vector<16xf32>
        %jit3A_202 = arith.constant 0.000000e+00 : f32
        %broadcast_in_dim3A_203 = vector.broadcast %jit3A_202 : f32 to vector<16xf32>
        %select_n3A_204 = arith.select %gt3A_200, %mul3A_201, %broadcast_in_dim3A_203 : vector<16xi1>, vector<16xf32>
        %abs3A = math.absf %add3A_151 : vector<16xf32>
        %min3A_205 = arith.minimumf %select_n3A_204, %abs3A : vector<16xf32>
        %max3A = arith.maximumf %select_n3A_204, %abs3A : vector<16xf32>
        %gt3A_206 = arith.constant 0.000000e+00 : f32
        %gt3A_207 = vector.broadcast %gt3A_206 : f32 to vector<16xf32>
        %gt3A_208 = arith.cmpf ogt, %max3A, %gt3A_207 : vector<16xf32>
        %div3A = arith.divf %min3A_205, %max3A : vector<16xf32>
        %jit3A_209 = arith.constant 0.000000e+00 : f32
        %broadcast_in_dim3A_210 = vector.broadcast %jit3A_209 : f32 to vector<16xf32>
        %select_n3A_211 = arith.select %gt3A_208, %div3A, %broadcast_in_dim3A_210 : vector<16xi1>, vector<16xf32>
        %mul3A_212 = arith.mulf %select_n3A_211, %select_n3A_211 : vector<16xf32>
        %mul3A_213 = arith.constant -1.172120e-02 : f32
        %mul3A_214 = vector.broadcast %mul3A_213 : f32 to vector<16xf32>
        %mul3A_215 = arith.mulf %mul3A_214, %mul3A_212 : vector<16xf32>
        %add3A_216 = arith.constant 0.0526533201 : f32
        %add3A_217 = vector.broadcast %add3A_216 : f32 to vector<16xf32>
        %add3A_218 = arith.addf %mul3A_215, %add3A_217 : vector<16xf32>
        %mul3A_219 = arith.mulf %add3A_218, %mul3A_212 : vector<16xf32>
        %add3A_220 = arith.constant -0.116432868 : f32
        %add3A_221 = vector.broadcast %add3A_220 : f32 to vector<16xf32>
        %add3A_222 = arith.addf %mul3A_219, %add3A_221 : vector<16xf32>
        %mul3A_223 = arith.mulf %add3A_222, %mul3A_212 : vector<16xf32>
        %add3A_224 = arith.constant 0.193543464 : f32
        %add3A_225 = vector.broadcast %add3A_224 : f32 to vector<16xf32>
        %add3A_226 = arith.addf %mul3A_223, %add3A_225 : vector<16xf32>
        %mul3A_227 = arith.mulf %add3A_226, %mul3A_212 : vector<16xf32>
        %add3A_228 = arith.constant -0.332623482 : f32
        %add3A_229 = vector.broadcast %add3A_228 : f32 to vector<16xf32>
        %add3A_230 = arith.addf %mul3A_227, %add3A_229 : vector<16xf32>
        %mul3A_231 = arith.mulf %add3A_230, %mul3A_212 : vector<16xf32>
        %add3A_232 = arith.constant 0.999977231 : f32
        %add3A_233 = vector.broadcast %add3A_232 : f32 to vector<16xf32>
        %add3A_234 = arith.addf %mul3A_231, %add3A_233 : vector<16xf32>
        %mul3A_235 = arith.mulf %select_n3A_211, %add3A_234 : vector<16xf32>
        %gt3A_236 = arith.cmpf ogt, %select_n3A_204, %abs3A : vector<16xf32>
        %sub3A_237 = arith.constant 1.57079637 : f32
        %sub3A_238 = vector.broadcast %sub3A_237 : f32 to vector<16xf32>
        %sub3A_239 = arith.subf %sub3A_238, %mul3A_235 : vector<16xf32>
        %select_n3A_240 = arith.select %gt3A_236, %sub3A_239, %mul3A_235 : vector<16xi1>, vector<16xf32>
        %lt3A = arith.constant 0.000000e+00 : f32
        %lt3A_241 = vector.broadcast %lt3A : f32 to vector<16xf32>
        %lt3A_242 = arith.cmpf olt, %add3A_151, %lt3A_241 : vector<16xf32>
        %sub3A_243 = arith.constant 3.14159274 : f32
        %sub3A_244 = vector.broadcast %sub3A_243 : f32 to vector<16xf32>
        %sub3A_245 = arith.subf %sub3A_244, %select_n3A_240 : vector<16xf32>
        %select_n3A_246 = arith.select %lt3A_242, %sub3A_245, %select_n3A_240 : vector<16xi1>, vector<16xf32>
        %mul3A_247 = arith.mulf %get3A_93, %gather3A_144 : vector<16xf32>
        %mul3A_248 = arith.mulf %get3A_97, %gather3A_145 : vector<16xf32>
        %add3A_249 = arith.addf %mul3A_247, %mul3A_248 : vector<16xf32>
        %mul3A_250 = arith.mulf %get3A_101, %gather3A_146 : vector<16xf32>
        %add3A_251 = arith.addf %add3A_249, %mul3A_250 : vector<16xf32>
        %abs3A_252 = math.absf %add3A_151 : vector<16xf32>
        %mul3A_253 = arith.mulf %select_n3A_204, %abs3A_252 : vector<16xf32>
        %mul3A_254 = arith.mulf %add3A_251, %add3A_151 : vector<16xf32>
        %abs3A_255 = math.absf %mul3A_254 : vector<16xf32>
        %min3A_256 = arith.minimumf %mul3A_253, %abs3A_255 : vector<16xf32>
        %max3A_257 = arith.maximumf %mul3A_253, %abs3A_255 : vector<16xf32>
        %gt3A_258 = arith.constant 0.000000e+00 : f32
        %gt3A_259 = vector.broadcast %gt3A_258 : f32 to vector<16xf32>
        %gt3A_260 = arith.cmpf ogt, %max3A_257, %gt3A_259 : vector<16xf32>
        %div3A_261 = arith.divf %min3A_256, %max3A_257 : vector<16xf32>
        %jit3A_262 = arith.constant 0.000000e+00 : f32
        %broadcast_in_dim3A_263 = vector.broadcast %jit3A_262 : f32 to vector<16xf32>
        %select_n3A_264 = arith.select %gt3A_260, %div3A_261, %broadcast_in_dim3A_263 : vector<16xi1>, vector<16xf32>
        %mul3A_265 = arith.mulf %select_n3A_264, %select_n3A_264 : vector<16xf32>
        %mul3A_266 = arith.constant -1.172120e-02 : f32
        %mul3A_267 = vector.broadcast %mul3A_266 : f32 to vector<16xf32>
        %mul3A_268 = arith.mulf %mul3A_267, %mul3A_265 : vector<16xf32>
        %add3A_269 = arith.constant 0.0526533201 : f32
        %add3A_270 = vector.broadcast %add3A_269 : f32 to vector<16xf32>
        %add3A_271 = arith.addf %mul3A_268, %add3A_270 : vector<16xf32>
        %mul3A_272 = arith.mulf %add3A_271, %mul3A_265 : vector<16xf32>
        %add3A_273 = arith.constant -0.116432868 : f32
        %add3A_274 = vector.broadcast %add3A_273 : f32 to vector<16xf32>
        %add3A_275 = arith.addf %mul3A_272, %add3A_274 : vector<16xf32>
        %mul3A_276 = arith.mulf %add3A_275, %mul3A_265 : vector<16xf32>
        %add3A_277 = arith.constant 0.193543464 : f32
        %add3A_278 = vector.broadcast %add3A_277 : f32 to vector<16xf32>
        %add3A_279 = arith.addf %mul3A_276, %add3A_278 : vector<16xf32>
        %mul3A_280 = arith.mulf %add3A_279, %mul3A_265 : vector<16xf32>
        %add3A_281 = arith.constant -0.332623482 : f32
        %add3A_282 = vector.broadcast %add3A_281 : f32 to vector<16xf32>
        %add3A_283 = arith.addf %mul3A_280, %add3A_282 : vector<16xf32>
        %mul3A_284 = arith.mulf %add3A_283, %mul3A_265 : vector<16xf32>
        %add3A_285 = arith.constant 0.999977231 : f32
        %add3A_286 = vector.broadcast %add3A_285 : f32 to vector<16xf32>
        %add3A_287 = arith.addf %mul3A_284, %add3A_286 : vector<16xf32>
        %mul3A_288 = arith.mulf %select_n3A_264, %add3A_287 : vector<16xf32>
        %gt3A_289 = arith.cmpf ogt, %mul3A_253, %abs3A_255 : vector<16xf32>
        %sub3A_290 = arith.constant 1.57079637 : f32
        %sub3A_291 = vector.broadcast %sub3A_290 : f32 to vector<16xf32>
        %sub3A_292 = arith.subf %sub3A_291, %mul3A_288 : vector<16xf32>
        %select_n3A_293 = arith.select %gt3A_289, %sub3A_292, %mul3A_288 : vector<16xi1>, vector<16xf32>
        %lt3A_294 = arith.constant 0.000000e+00 : f32
        %lt3A_295 = vector.broadcast %lt3A_294 : f32 to vector<16xf32>
        %lt3A_296 = arith.cmpf olt, %mul3A_254, %lt3A_295 : vector<16xf32>
        %sub3A_297 = arith.constant 3.14159274 : f32
        %sub3A_298 = vector.broadcast %sub3A_297 : f32 to vector<16xf32>
        %sub3A_299 = arith.subf %sub3A_298, %select_n3A_293 : vector<16xf32>
        %select_n3A_300 = arith.select %lt3A_296, %sub3A_299, %select_n3A_293 : vector<16xi1>, vector<16xf32>
        %add3A_301 = arith.addf %while3A_135, %select_n3A_246 : vector<16xf32>
        %add3A_302 = arith.addf %while3A_136, %select_n3A_300 : vector<16xf32>
        scf.yield %add3A_301, %add3A_302 : vector<16xf32>, vector<16xf32>
      }
      %while3A_120 = arith.constant 1 : i32
      %while3A_121:2 = scf.for %while3A_134 = %while3A_117 to %while3A_113 step %while3A_120 iter_args(%while3A_135 = %while3A_119#0, %while3A_136 = %while3A_119#1) -> (vector<16xf32>, vector<16xf32>)  : i32 {
        %add3A_137 = vector.broadcast %while3A_134 : i32 to vector<16xi32>
        %add3A_138 = arith.addi %gather3A, %add3A_137 : vector<16xi32>
        %min3A = arith.constant 12287 : i32
        %min3A_139 = vector.broadcast %min3A : i32 to vector<16xi32>
        %min3A_140 = arith.minsi %add3A_138, %min3A_139 : vector<16xi32>
        %gather3A_141 = tpu.vector_load_idx %arg18[%min3A_140] : memref<12288xi32, #tpu.memory_space<vmem>>[vector<16xi32>], vector<16xi32>,
        %gt3A = vector.broadcast %while3A_134 : i32 to vector<16xi32>
        %gt3A_142 = arith.cmpi sgt, %gather3A_102, %gt3A : vector<16xi32>
        %jit3A = arith.constant 12287 : i32
        %broadcast_in_dim3A_143 = vector.broadcast %jit3A : i32 to vector<16xi32>
        %select_n3A = arith.select %gt3A_142, %gather3A_141, %broadcast_in_dim3A_143 : vector<16xi1>, vector<16xi32>
        %gather3A_144 = tpu.vector_load_idx %arg15[%select_n3A] : memref<12288xf32, #tpu.memory_space<vmem>>[vector<16xi32>], vector<16xf32>,
        %gather3A_145 = tpu.vector_load_idx %arg16[%select_n3A] : memref<12288xf32, #tpu.memory_space<vmem>>[vector<16xi32>], vector<16xf32>,
        %gather3A_146 = tpu.vector_load_idx %arg17[%select_n3A] : memref<12288xf32, #tpu.memory_space<vmem>>[vector<16xi32>], vector<16xf32>,
        %mul3A_147 = arith.mulf %get3A_85, %gather3A_144 : vector<16xf32>
        %mul3A_148 = arith.mulf %get3A_87, %gather3A_145 : vector<16xf32>
        %add3A_149 = arith.addf %mul3A_147, %mul3A_148 : vector<16xf32>
        %mul3A_150 = arith.mulf %get3A_89, %gather3A_146 : vector<16xf32>
        %add3A_151 = arith.addf %add3A_149, %mul3A_150 : vector<16xf32>
        %mul3A_152 = arith.mulf %get3A_87, %gather3A_146 : vector<16xf32>
        %mul3A_153 = arith.mulf %get3A_89, %gather3A_145 : vector<16xf32>
        %sub3A = arith.subf %mul3A_152, %mul3A_153 : vector<16xf32>
        %mul3A_154 = arith.mulf %get3A_89, %gather3A_144 : vector<16xf32>
        %mul3A_155 = arith.mulf %get3A_85, %gather3A_146 : vector<16xf32>
        %sub3A_156 = arith.subf %mul3A_154, %mul3A_155 : vector<16xf32>
        %mul3A_157 = arith.mulf %get3A_85, %gather3A_145 : vector<16xf32>
        %mul3A_158 = arith.mulf %get3A_87, %gather3A_144 : vector<16xf32>
        %sub3A_159 = arith.subf %mul3A_157, %mul3A_158 : vector<16xf32>
        %mul3A_160 = arith.mulf %sub3A, %sub3A : vector<16xf32>
        %mul3A_161 = arith.mulf %sub3A_156, %sub3A_156 : vector<16xf32>
        %add3A_162 = arith.addf %mul3A_160, %mul3A_161 : vector<16xf32>
        %mul3A_163 = arith.mulf %sub3A_159, %sub3A_159 : vector<16xf32>
        %add3A_164 = arith.addf %add3A_162, %mul3A_163 : vector<16xf32>
        %bitcast3A = vector.bitcast %add3A_164 : vector<16xf32> to vector<16xi32>
        %shift_right_logical3A = arith.constant 1 : i32
        %shift_right_logical3A_165 = vector.broadcast %shift_right_logical3A : i32 to vector<16xi32>
        %shift_right_logical3A_166 = arith.shrui %bitcast3A, %shift_right_logical3A_165 : vector<16xi32>
        %sub3A_167 = arith.constant 1597463007 : i32
        %sub3A_168 = vector.broadcast %sub3A_167 : i32 to vector<16xi32>
        %sub3A_169 = arith.subi %sub3A_168, %shift_right_logical3A_166 : vector<16xi32>
        %bitcast3A_170 = vector.bitcast %sub3A_169 : vector<16xi32> to vector<16xf32>
        %mul3A_171 = arith.constant 5.000000e-01 : f32
        %mul3A_172 = vector.broadcast %mul3A_171 : f32 to vector<16xf32>
        %mul3A_173 = arith.mulf %mul3A_172, %add3A_164 : vector<16xf32>
        %mul3A_174 = arith.mulf %mul3A_173, %bitcast3A_170 : vector<16xf32>
        %mul3A_175 = arith.mulf %mul3A_174, %bitcast3A_170 : vector<16xf32>
        %sub3A_176 = arith.constant 1.500000e+00 : f32
        %sub3A_177 = vector.broadcast %sub3A_176 : f32 to vector<16xf32>
        %sub3A_178 = arith.subf %sub3A_177, %mul3A_175 : vector<16xf32>
        %mul3A_179 = arith.mulf %bitcast3A_170, %sub3A_178 : vector<16xf32>
        %mul3A_180 = arith.constant 5.000000e-01 : f32
        %mul3A_181 = vector.broadcast %mul3A_180 : f32 to vector<16xf32>
        %mul3A_182 = arith.mulf %mul3A_181, %add3A_164 : vector<16xf32>
        %mul3A_183 = arith.mulf %mul3A_182, %mul3A_179 : vector<16xf32>
        %mul3A_184 = arith.mulf %mul3A_183, %mul3A_179 : vector<16xf32>
        %sub3A_185 = arith.constant 1.500000e+00 : f32
        %sub3A_186 = vector.broadcast %sub3A_185 : f32 to vector<16xf32>
        %sub3A_187 = arith.subf %sub3A_186, %mul3A_184 : vector<16xf32>
        %mul3A_188 = arith.mulf %mul3A_179, %sub3A_187 : vector<16xf32>
        %mul3A_189 = arith.constant 5.000000e-01 : f32
        %mul3A_190 = vector.broadcast %mul3A_189 : f32 to vector<16xf32>
        %mul3A_191 = arith.mulf %mul3A_190, %add3A_164 : vector<16xf32>
        %mul3A_192 = arith.mulf %mul3A_191, %mul3A_188 : vector<16xf32>
        %mul3A_193 = arith.mulf %mul3A_192, %mul3A_188 : vector<16xf32>
        %sub3A_194 = arith.constant 1.500000e+00 : f32
        %sub3A_195 = vector.broadcast %sub3A_194 : f32 to vector<16xf32>
        %sub3A_196 = arith.subf %sub3A_195, %mul3A_193 : vector<16xf32>
        %mul3A_197 = arith.mulf %mul3A_188, %sub3A_196 : vector<16xf32>
        %gt3A_198 = arith.constant 0.000000e+00 : f32
        %gt3A_199 = vector.broadcast %gt3A_198 : f32 to vector<16xf32>
        %gt3A_200 = arith.cmpf ogt, %add3A_164, %gt3A_199 : vector<16xf32>
        %mul3A_201 = arith.mulf %add3A_164, %mul3A_197 : vector<16xf32>
        %jit3A_202 = arith.constant 0.000000e+00 : f32
        %broadcast_in_dim3A_203 = vector.broadcast %jit3A_202 : f32 to vector<16xf32>
        %select_n3A_204 = arith.select %gt3A_200, %mul3A_201, %broadcast_in_dim3A_203 : vector<16xi1>, vector<16xf32>
        %abs3A = math.absf %add3A_151 : vector<16xf32>
        %min3A_205 = arith.minimumf %select_n3A_204, %abs3A : vector<16xf32>
        %max3A = arith.maximumf %select_n3A_204, %abs3A : vector<16xf32>
        %gt3A_206 = arith.constant 0.000000e+00 : f32
        %gt3A_207 = vector.broadcast %gt3A_206 : f32 to vector<16xf32>
        %gt3A_208 = arith.cmpf ogt, %max3A, %gt3A_207 : vector<16xf32>
        %div3A = arith.divf %min3A_205, %max3A : vector<16xf32>
        %jit3A_209 = arith.constant 0.000000e+00 : f32
        %broadcast_in_dim3A_210 = vector.broadcast %jit3A_209 : f32 to vector<16xf32>
        %select_n3A_211 = arith.select %gt3A_208, %div3A, %broadcast_in_dim3A_210 : vector<16xi1>, vector<16xf32>
        %mul3A_212 = arith.mulf %select_n3A_211, %select_n3A_211 : vector<16xf32>
        %mul3A_213 = arith.constant -1.172120e-02 : f32
        %mul3A_214 = vector.broadcast %mul3A_213 : f32 to vector<16xf32>
        %mul3A_215 = arith.mulf %mul3A_214, %mul3A_212 : vector<16xf32>
        %add3A_216 = arith.constant 0.0526533201 : f32
        %add3A_217 = vector.broadcast %add3A_216 : f32 to vector<16xf32>
        %add3A_218 = arith.addf %mul3A_215, %add3A_217 : vector<16xf32>
        %mul3A_219 = arith.mulf %add3A_218, %mul3A_212 : vector<16xf32>
        %add3A_220 = arith.constant -0.116432868 : f32
        %add3A_221 = vector.broadcast %add3A_220 : f32 to vector<16xf32>
        %add3A_222 = arith.addf %mul3A_219, %add3A_221 : vector<16xf32>
        %mul3A_223 = arith.mulf %add3A_222, %mul3A_212 : vector<16xf32>
        %add3A_224 = arith.constant 0.193543464 : f32
        %add3A_225 = vector.broadcast %add3A_224 : f32 to vector<16xf32>
        %add3A_226 = arith.addf %mul3A_223, %add3A_225 : vector<16xf32>
        %mul3A_227 = arith.mulf %add3A_226, %mul3A_212 : vector<16xf32>
        %add3A_228 = arith.constant -0.332623482 : f32
        %add3A_229 = vector.broadcast %add3A_228 : f32 to vector<16xf32>
        %add3A_230 = arith.addf %mul3A_227, %add3A_229 : vector<16xf32>
        %mul3A_231 = arith.mulf %add3A_230, %mul3A_212 : vector<16xf32>
        %add3A_232 = arith.constant 0.999977231 : f32
        %add3A_233 = vector.broadcast %add3A_232 : f32 to vector<16xf32>
        %add3A_234 = arith.addf %mul3A_231, %add3A_233 : vector<16xf32>
        %mul3A_235 = arith.mulf %select_n3A_211, %add3A_234 : vector<16xf32>
        %gt3A_236 = arith.cmpf ogt, %select_n3A_204, %abs3A : vector<16xf32>
        %sub3A_237 = arith.constant 1.57079637 : f32
        %sub3A_238 = vector.broadcast %sub3A_237 : f32 to vector<16xf32>
        %sub3A_239 = arith.subf %sub3A_238, %mul3A_235 : vector<16xf32>
        %select_n3A_240 = arith.select %gt3A_236, %sub3A_239, %mul3A_235 : vector<16xi1>, vector<16xf32>
        %lt3A = arith.constant 0.000000e+00 : f32
        %lt3A_241 = vector.broadcast %lt3A : f32 to vector<16xf32>
        %lt3A_242 = arith.cmpf olt, %add3A_151, %lt3A_241 : vector<16xf32>
        %sub3A_243 = arith.constant 3.14159274 : f32
        %sub3A_244 = vector.broadcast %sub3A_243 : f32 to vector<16xf32>
        %sub3A_245 = arith.subf %sub3A_244, %select_n3A_240 : vector<16xf32>
        %select_n3A_246 = arith.select %lt3A_242, %sub3A_245, %select_n3A_240 : vector<16xi1>, vector<16xf32>
        %mul3A_247 = arith.mulf %get3A_93, %gather3A_144 : vector<16xf32>
        %mul3A_248 = arith.mulf %get3A_97, %gather3A_145 : vector<16xf32>
        %add3A_249 = arith.addf %mul3A_247, %mul3A_248 : vector<16xf32>
        %mul3A_250 = arith.mulf %get3A_101, %gather3A_146 : vector<16xf32>
        %add3A_251 = arith.addf %add3A_249, %mul3A_250 : vector<16xf32>
        %abs3A_252 = math.absf %add3A_151 : vector<16xf32>
        %mul3A_253 = arith.mulf %select_n3A_204, %abs3A_252 : vector<16xf32>
        %mul3A_254 = arith.mulf %add3A_251, %add3A_151 : vector<16xf32>
        %abs3A_255 = math.absf %mul3A_254 : vector<16xf32>
        %min3A_256 = arith.minimumf %mul3A_253, %abs3A_255 : vector<16xf32>
        %max3A_257 = arith.maximumf %mul3A_253, %abs3A_255 : vector<16xf32>
        %gt3A_258 = arith.constant 0.000000e+00 : f32
        %gt3A_259 = vector.broadcast %gt3A_258 : f32 to vector<16xf32>
        %gt3A_260 = arith.cmpf ogt, %max3A_257, %gt3A_259 : vector<16xf32>
        %div3A_261 = arith.divf %min3A_256, %max3A_257 : vector<16xf32>
        %jit3A_262 = arith.constant 0.000000e+00 : f32
        %broadcast_in_dim3A_263 = vector.broadcast %jit3A_262 : f32 to vector<16xf32>
        %select_n3A_264 = arith.select %gt3A_260, %div3A_261, %broadcast_in_dim3A_263 : vector<16xi1>, vector<16xf32>
        %mul3A_265 = arith.mulf %select_n3A_264, %select_n3A_264 : vector<16xf32>
        %mul3A_266 = arith.constant -1.172120e-02 : f32
        %mul3A_267 = vector.broadcast %mul3A_266 : f32 to vector<16xf32>
        %mul3A_268 = arith.mulf %mul3A_267, %mul3A_265 : vector<16xf32>
        %add3A_269 = arith.constant 0.0526533201 : f32
        %add3A_270 = vector.broadcast %add3A_269 : f32 to vector<16xf32>
        %add3A_271 = arith.addf %mul3A_268, %add3A_270 : vector<16xf32>
        %mul3A_272 = arith.mulf %add3A_271, %mul3A_265 : vector<16xf32>
        %add3A_273 = arith.constant -0.116432868 : f32
        %add3A_274 = vector.broadcast %add3A_273 : f32 to vector<16xf32>
        %add3A_275 = arith.addf %mul3A_272, %add3A_274 : vector<16xf32>
        %mul3A_276 = arith.mulf %add3A_275, %mul3A_265 : vector<16xf32>
        %add3A_277 = arith.constant 0.193543464 : f32
        %add3A_278 = vector.broadcast %add3A_277 : f32 to vector<16xf32>
        %add3A_279 = arith.addf %mul3A_276, %add3A_278 : vector<16xf32>
        %mul3A_280 = arith.mulf %add3A_279, %mul3A_265 : vector<16xf32>
        %add3A_281 = arith.constant -0.332623482 : f32
        %add3A_282 = vector.broadcast %add3A_281 : f32 to vector<16xf32>
        %add3A_283 = arith.addf %mul3A_280, %add3A_282 : vector<16xf32>
        %mul3A_284 = arith.mulf %add3A_283, %mul3A_265 : vector<16xf32>
        %add3A_285 = arith.constant 0.999977231 : f32
        %add3A_286 = vector.broadcast %add3A_285 : f32 to vector<16xf32>
        %add3A_287 = arith.addf %mul3A_284, %add3A_286 : vector<16xf32>
        %mul3A_288 = arith.mulf %select_n3A_264, %add3A_287 : vector<16xf32>
        %gt3A_289 = arith.cmpf ogt, %mul3A_253, %abs3A_255 : vector<16xf32>
        %sub3A_290 = arith.constant 1.57079637 : f32
        %sub3A_291 = vector.broadcast %sub3A_290 : f32 to vector<16xf32>
        %sub3A_292 = arith.subf %sub3A_291, %mul3A_288 : vector<16xf32>
        %select_n3A_293 = arith.select %gt3A_289, %sub3A_292, %mul3A_288 : vector<16xi1>, vector<16xf32>
        %lt3A_294 = arith.constant 0.000000e+00 : f32
        %lt3A_295 = vector.broadcast %lt3A_294 : f32 to vector<16xf32>
        %lt3A_296 = arith.cmpf olt, %mul3A_254, %lt3A_295 : vector<16xf32>
        %sub3A_297 = arith.constant 3.14159274 : f32
        %sub3A_298 = vector.broadcast %sub3A_297 : f32 to vector<16xf32>
        %sub3A_299 = arith.subf %sub3A_298, %select_n3A_293 : vector<16xf32>
        %select_n3A_300 = arith.select %lt3A_296, %sub3A_299, %select_n3A_293 : vector<16xi1>, vector<16xf32>
        %add3A_301 = arith.addf %while3A_135, %select_n3A_246 : vector<16xf32>
        %add3A_302 = arith.addf %while3A_136, %select_n3A_300 : vector<16xf32>
        scf.yield %add3A_301, %add3A_302 : vector<16xf32>, vector<16xf32>
      }
      %mul3A_122 = arith.constant 16 : i32
      %mul3A_123 = arith.muli %scan3A_76, %mul3A_122 : i32
      %swap3A = arith.index_cast %mul3A_123 : i32 to index
      %swap3A_124 = tpu.vector_load %arg26[%swap3A] {strides = array<i32>} : memref<384xf32, #tpu.memory_space<vmem>>, vector<16xf32>,
      tpu.vector_store %arg26[%swap3A], %while3A_121#0 {strides = array<i32>} : memref<384xf32, #tpu.memory_space<vmem>>, vector<16xf32>,
      %mul3A_125 = arith.constant 16 : i32
      %mul3A_126 = arith.muli %scan3A_76, %mul3A_125 : i32
      %swap3A_127 = arith.index_cast %mul3A_126 : i32 to index
      %swap3A_128 = tpu.vector_load %arg27[%swap3A_127] {strides = array<i32>} : memref<384xf32, #tpu.memory_space<vmem>>, vector<16xf32>,
      tpu.vector_store %arg27[%swap3A_127], %while3A_121#1 {strides = array<i32>} : memref<384xf32, #tpu.memory_space<vmem>>, vector<16xf32>,
      %convert_element_type3A = arith.sitofp %gather3A_102 : vector<16xi32> to vector<16xf32>
      %mul3A_129 = arith.constant 16 : i32
      %mul3A_130 = arith.muli %scan3A_76, %mul3A_129 : i32
      %swap3A_131 = arith.index_cast %mul3A_130 : i32 to index
      %swap3A_132 = tpu.vector_load %arg28[%swap3A_131] {strides = array<i32>} : memref<384xf32, #tpu.memory_space<vmem>>, vector<16xf32>,
      tpu.vector_store %arg28[%swap3A_131], %convert_element_type3A {strides = array<i32>} : memref<384xf32, #tpu.memory_space<vmem>>, vector<16xf32>,
      %scan3A_133 = arith.constant 0 : i32
      scf.yield %scan3A_133 : i32
    }
    %scan3A_66 = arith.constant 24 : i32
    %scan3A_67 = arith.constant 0 : i32
    %scan3A_68 = arith.constant 0 : i32
    %scan3A_69 = arith.constant 24 : i32
    %scan3A_70 = arith.addi %scan3A_68, %scan3A_69 : i32
    %scan3A_71 = arith.constant 1 : i32
    %scan3A_72 = scf.for %scan3A_76 = %scan3A_68 to %scan3A_70 step %scan3A_71 iter_args(%scan3A_77 = %scan3A_67) -> (i32)  : i32 {
      %mul3A_78 = arith.constant 16 : i32
      %mul3A_79 = arith.muli %scan3A_76, %mul3A_78 : i32
      %get3A = arith.index_cast %mul3A_79 : i32 to index
      %get3A_80 = tpu.vector_load %arg26[%get3A] {strides = array<i32>} : memref<384xf32, #tpu.memory_space<vmem>>, vector<16xf32>,
      %mul3A_81 = arith.constant 16 : i32
      %mul3A_82 = arith.muli %scan3A_76, %mul3A_81 : i32
      %get3A_83 = arith.index_cast %mul3A_82 : i32 to index
      %get3A_84 = tpu.vector_load %arg27[%get3A_83] {strides = array<i32>} : memref<384xf32, #tpu.memory_space<vmem>>, vector<16xf32>,
      %mul3A_85 = arith.constant 16 : i32
      %mul3A_86 = arith.muli %scan3A_76, %mul3A_85 : i32
      %get3A_87 = arith.index_cast %mul3A_86 : i32 to index
      %get3A_88 = tpu.vector_load %arg28[%get3A_87] {strides = array<i32>} : memref<384xf32, #tpu.memory_space<vmem>>, vector<16xf32>,
      %slice3A = vector.extract_strided_slice %get3A_80 {offsets = [0], sizes = [1], strides = [1]} : vector<16xf32> to vector<1xf32>
      %squeeze3A = vector.extract %slice3A[0] : f32 from vector<1xf32>
      %mul3A_89 = vector.broadcast %squeeze3A : f32 to vector<16xf32>
      %mul3A_90 = arith.mulf %mul3A_89, %scan3A_23#1 : vector<16xf32>
      %slice3A_91 = vector.extract_strided_slice %get3A_84 {offsets = [0], sizes = [1], strides = [1]} : vector<16xf32> to vector<1xf32>
      %squeeze3A_92 = vector.extract %slice3A_91[0] : f32 from vector<1xf32>
      %mul3A_93 = vector.broadcast %squeeze3A_92 : f32 to vector<16xf32>
      %mul3A_94 = arith.mulf %mul3A_93, %scan3A_23#0 : vector<16xf32>
      %add3A_95 = arith.addf %mul3A_90, %mul3A_94 : vector<16xf32>
      %slice3A_96 = vector.extract_strided_slice %get3A_88 {offsets = [0], sizes = [1], strides = [1]} : vector<16xf32> to vector<1xf32>
      %squeeze3A_97 = vector.extract %slice3A_96[0] : f32 from vector<1xf32>
      %mul3A_98 = vector.broadcast %squeeze3A_97 : f32 to vector<16xf32>
      %mul3A_99 = arith.mulf %mul3A_98, %scan3A_23#2 : vector<16xf32>
      %add3A_100 = arith.addf %add3A_95, %mul3A_99 : vector<16xf32>
      %mul3A_101 = arith.constant 16 : i32
      %mul3A_102 = arith.muli %scan3A_76, %mul3A_101 : i32
      %add3A_103 = arith.constant 0 : i32
      %add3A_104 = arith.addi %mul3A_102, %add3A_103 : i32
      %mul3A_105 = arith.constant 16 : i32
      %mul3A_106 = arith.muli %add3A_104, %mul3A_105 : i32
      %swap3A = arith.index_cast %mul3A_106 : i32 to index
      %swap3A_107 = tpu.vector_load %arg29[%swap3A] {strides = array<i32>} : memref<6144xf32, #tpu.memory_space<vmem>>, vector<16xf32>,
      tpu.vector_store %arg29[%swap3A], %add3A_100 {strides = array<i32>} : memref<6144xf32, #tpu.memory_space<vmem>>, vector<16xf32>,
      %slice3A_108 = vector.extract_strided_slice %get3A_80 {offsets = [1], sizes = [1], strides = [1]} : vector<16xf32> to vector<1xf32>
      %squeeze3A_109 = vector.extract %slice3A_108[0] : f32 from vector<1xf32>
      %mul3A_110 = vector.broadcast %squeeze3A_109 : f32 to vector<16xf32>
      %mul3A_111 = arith.mulf %mul3A_110, %scan3A_23#1 : vector<16xf32>
      %slice3A_112 = vector.extract_strided_slice %get3A_84 {offsets = [1], sizes = [1], strides = [1]} : vector<16xf32> to vector<1xf32>
      %squeeze3A_113 = vector.extract %slice3A_112[0] : f32 from vector<1xf32>
      %mul3A_114 = vector.broadcast %squeeze3A_113 : f32 to vector<16xf32>
      %mul3A_115 = arith.mulf %mul3A_114, %scan3A_23#0 : vector<16xf32>
      %add3A_116 = arith.addf %mul3A_111, %mul3A_115 : vector<16xf32>
      %slice3A_117 = vector.extract_strided_slice %get3A_88 {offsets = [1], sizes = [1], strides = [1]} : vector<16xf32> to vector<1xf32>
      %squeeze3A_118 = vector.extract %slice3A_117[0] : f32 from vector<1xf32>
      %mul3A_119 = vector.broadcast %squeeze3A_118 : f32 to vector<16xf32>
      %mul3A_120 = arith.mulf %mul3A_119, %scan3A_23#2 : vector<16xf32>
      %add3A_121 = arith.addf %add3A_116, %mul3A_120 : vector<16xf32>
      %mul3A_122 = arith.constant 16 : i32
      %mul3A_123 = arith.muli %scan3A_76, %mul3A_122 : i32
      %add3A_124 = arith.constant 1 : i32
      %add3A_125 = arith.addi %mul3A_123, %add3A_124 : i32
      %mul3A_126 = arith.constant 16 : i32
      %mul3A_127 = arith.muli %add3A_125, %mul3A_126 : i32
      %swap3A_128 = arith.index_cast %mul3A_127 : i32 to index
      %swap3A_129 = tpu.vector_load %arg29[%swap3A_128] {strides = array<i32>} : memref<6144xf32, #tpu.memory_space<vmem>>, vector<16xf32>,
      tpu.vector_store %arg29[%swap3A_128], %add3A_121 {strides = array<i32>} : memref<6144xf32, #tpu.memory_space<vmem>>, vector<16xf32>,
      %slice3A_130 = vector.extract_strided_slice %get3A_80 {offsets = [2], sizes = [1], strides = [1]} : vector<16xf32> to vector<1xf32>
      %squeeze3A_131 = vector.extract %slice3A_130[0] : f32 from vector<1xf32>
      %mul3A_132 = vector.broadcast %squeeze3A_131 : f32 to vector<16xf32>
      %mul3A_133 = arith.mulf %mul3A_132, %scan3A_23#1 : vector<16xf32>
      %slice3A_134 = vector.extract_strided_slice %get3A_84 {offsets = [2], sizes = [1], strides = [1]} : vector<16xf32> to vector<1xf32>
      %squeeze3A_135 = vector.extract %slice3A_134[0] : f32 from vector<1xf32>
      %mul3A_136 = vector.broadcast %squeeze3A_135 : f32 to vector<16xf32>
      %mul3A_137 = arith.mulf %mul3A_136, %scan3A_23#0 : vector<16xf32>
      %add3A_138 = arith.addf %mul3A_133, %mul3A_137 : vector<16xf32>
      %slice3A_139 = vector.extract_strided_slice %get3A_88 {offsets = [2], sizes = [1], strides = [1]} : vector<16xf32> to vector<1xf32>
      %squeeze3A_140 = vector.extract %slice3A_139[0] : f32 from vector<1xf32>
      %mul3A_141 = vector.broadcast %squeeze3A_140 : f32 to vector<16xf32>
      %mul3A_142 = arith.mulf %mul3A_141, %scan3A_23#2 : vector<16xf32>
      %add3A_143 = arith.addf %add3A_138, %mul3A_142 : vector<16xf32>
      %mul3A_144 = arith.constant 16 : i32
      %mul3A_145 = arith.muli %scan3A_76, %mul3A_144 : i32
      %add3A_146 = arith.constant 2 : i32
      %add3A_147 = arith.addi %mul3A_145, %add3A_146 : i32
      %mul3A_148 = arith.constant 16 : i32
      %mul3A_149 = arith.muli %add3A_147, %mul3A_148 : i32
      %swap3A_150 = arith.index_cast %mul3A_149 : i32 to index
      %swap3A_151 = tpu.vector_load %arg29[%swap3A_150] {strides = array<i32>} : memref<6144xf32, #tpu.memory_space<vmem>>, vector<16xf32>,
      tpu.vector_store %arg29[%swap3A_150], %add3A_143 {strides = array<i32>} : memref<6144xf32, #tpu.memory_space<vmem>>, vector<16xf32>,
      %slice3A_152 = vector.extract_strided_slice %get3A_80 {offsets = [3], sizes = [1], strides = [1]} : vector<16xf32> to vector<1xf32>
      %squeeze3A_153 = vector.extract %slice3A_152[0] : f32 from vector<1xf32>
      %mul3A_154 = vector.broadcast %squeeze3A_153 : f32 to vector<16xf32>
      %mul3A_155 = arith.mulf %mul3A_154, %scan3A_23#1 : vector<16xf32>
      %slice3A_156 = vector.extract_strided_slice %get3A_84 {offsets = [3], sizes = [1], strides = [1]} : vector<16xf32> to vector<1xf32>
      %squeeze3A_157 = vector.extract %slice3A_156[0] : f32 from vector<1xf32>
      %mul3A_158 = vector.broadcast %squeeze3A_157 : f32 to vector<16xf32>
      %mul3A_159 = arith.mulf %mul3A_158, %scan3A_23#0 : vector<16xf32>
      %add3A_160 = arith.addf %mul3A_155, %mul3A_159 : vector<16xf32>
      %slice3A_161 = vector.extract_strided_slice %get3A_88 {offsets = [3], sizes = [1], strides = [1]} : vector<16xf32> to vector<1xf32>
      %squeeze3A_162 = vector.extract %slice3A_161[0] : f32 from vector<1xf32>
      %mul3A_163 = vector.broadcast %squeeze3A_162 : f32 to vector<16xf32>
      %mul3A_164 = arith.mulf %mul3A_163, %scan3A_23#2 : vector<16xf32>
      %add3A_165 = arith.addf %add3A_160, %mul3A_164 : vector<16xf32>
      %mul3A_166 = arith.constant 16 : i32
      %mul3A_167 = arith.muli %scan3A_76, %mul3A_166 : i32
      %add3A_168 = arith.constant 3 : i32
      %add3A_169 = arith.addi %mul3A_167, %add3A_168 : i32
      %mul3A_170 = arith.constant 16 : i32
      %mul3A_171 = arith.muli %add3A_169, %mul3A_170 : i32
      %swap3A_172 = arith.index_cast %mul3A_171 : i32 to index
      %swap3A_173 = tpu.vector_load %arg29[%swap3A_172] {strides = array<i32>} : memref<6144xf32, #tpu.memory_space<vmem>>, vector<16xf32>,
      tpu.vector_store %arg29[%swap3A_172], %add3A_165 {strides = array<i32>} : memref<6144xf32, #tpu.memory_space<vmem>>, vector<16xf32>,
      %slice3A_174 = vector.extract_strided_slice %get3A_80 {offsets = [4], sizes = [1], strides = [1]} : vector<16xf32> to vector<1xf32>
      %squeeze3A_175 = vector.extract %slice3A_174[0] : f32 from vector<1xf32>
      %mul3A_176 = vector.broadcast %squeeze3A_175 : f32 to vector<16xf32>
      %mul3A_177 = arith.mulf %mul3A_176, %scan3A_23#1 : vector<16xf32>
      %slice3A_178 = vector.extract_strided_slice %get3A_84 {offsets = [4], sizes = [1], strides = [1]} : vector<16xf32> to vector<1xf32>
      %squeeze3A_179 = vector.extract %slice3A_178[0] : f32 from vector<1xf32>
      %mul3A_180 = vector.broadcast %squeeze3A_179 : f32 to vector<16xf32>
      %mul3A_181 = arith.mulf %mul3A_180, %scan3A_23#0 : vector<16xf32>
      %add3A_182 = arith.addf %mul3A_177, %mul3A_181 : vector<16xf32>
      %slice3A_183 = vector.extract_strided_slice %get3A_88 {offsets = [4], sizes = [1], strides = [1]} : vector<16xf32> to vector<1xf32>
      %squeeze3A_184 = vector.extract %slice3A_183[0] : f32 from vector<1xf32>
      %mul3A_185 = vector.broadcast %squeeze3A_184 : f32 to vector<16xf32>
      %mul3A_186 = arith.mulf %mul3A_185, %scan3A_23#2 : vector<16xf32>
      %add3A_187 = arith.addf %add3A_182, %mul3A_186 : vector<16xf32>
      %mul3A_188 = arith.constant 16 : i32
      %mul3A_189 = arith.muli %scan3A_76, %mul3A_188 : i32
      %add3A_190 = arith.constant 4 : i32
      %add3A_191 = arith.addi %mul3A_189, %add3A_190 : i32
      %mul3A_192 = arith.constant 16 : i32
      %mul3A_193 = arith.muli %add3A_191, %mul3A_192 : i32
      %swap3A_194 = arith.index_cast %mul3A_193 : i32 to index
      %swap3A_195 = tpu.vector_load %arg29[%swap3A_194] {strides = array<i32>} : memref<6144xf32, #tpu.memory_space<vmem>>, vector<16xf32>,
      tpu.vector_store %arg29[%swap3A_194], %add3A_187 {strides = array<i32>} : memref<6144xf32, #tpu.memory_space<vmem>>, vector<16xf32>,
      %slice3A_196 = vector.extract_strided_slice %get3A_80 {offsets = [5], sizes = [1], strides = [1]} : vector<16xf32> to vector<1xf32>
      %squeeze3A_197 = vector.extract %slice3A_196[0] : f32 from vector<1xf32>
      %mul3A_198 = vector.broadcast %squeeze3A_197 : f32 to vector<16xf32>
      %mul3A_199 = arith.mulf %mul3A_198, %scan3A_23#1 : vector<16xf32>
      %slice3A_200 = vector.extract_strided_slice %get3A_84 {offsets = [5], sizes = [1], strides = [1]} : vector<16xf32> to vector<1xf32>
      %squeeze3A_201 = vector.extract %slice3A_200[0] : f32 from vector<1xf32>
      %mul3A_202 = vector.broadcast %squeeze3A_201 : f32 to vector<16xf32>
      %mul3A_203 = arith.mulf %mul3A_202, %scan3A_23#0 : vector<16xf32>
      %add3A_204 = arith.addf %mul3A_199, %mul3A_203 : vector<16xf32>
      %slice3A_205 = vector.extract_strided_slice %get3A_88 {offsets = [5], sizes = [1], strides = [1]} : vector<16xf32> to vector<1xf32>
      %squeeze3A_206 = vector.extract %slice3A_205[0] : f32 from vector<1xf32>
      %mul3A_207 = vector.broadcast %squeeze3A_206 : f32 to vector<16xf32>
      %mul3A_208 = arith.mulf %mul3A_207, %scan3A_23#2 : vector<16xf32>
      %add3A_209 = arith.addf %add3A_204, %mul3A_208 : vector<16xf32>
      %mul3A_210 = arith.constant 16 : i32
      %mul3A_211 = arith.muli %scan3A_76, %mul3A_210 : i32
      %add3A_212 = arith.constant 5 : i32
      %add3A_213 = arith.addi %mul3A_211, %add3A_212 : i32
      %mul3A_214 = arith.constant 16 : i32
      %mul3A_215 = arith.muli %add3A_213, %mul3A_214 : i32
      %swap3A_216 = arith.index_cast %mul3A_215 : i32 to index
      %swap3A_217 = tpu.vector_load %arg29[%swap3A_216] {strides = array<i32>} : memref<6144xf32, #tpu.memory_space<vmem>>, vector<16xf32>,
      tpu.vector_store %arg29[%swap3A_216], %add3A_209 {strides = array<i32>} : memref<6144xf32, #tpu.memory_space<vmem>>, vector<16xf32>,
      %slice3A_218 = vector.extract_strided_slice %get3A_80 {offsets = [6], sizes = [1], strides = [1]} : vector<16xf32> to vector<1xf32>
      %squeeze3A_219 = vector.extract %slice3A_218[0] : f32 from vector<1xf32>
      %mul3A_220 = vector.broadcast %squeeze3A_219 : f32 to vector<16xf32>
      %mul3A_221 = arith.mulf %mul3A_220, %scan3A_23#1 : vector<16xf32>
      %slice3A_222 = vector.extract_strided_slice %get3A_84 {offsets = [6], sizes = [1], strides = [1]} : vector<16xf32> to vector<1xf32>
      %squeeze3A_223 = vector.extract %slice3A_222[0] : f32 from vector<1xf32>
      %mul3A_224 = vector.broadcast %squeeze3A_223 : f32 to vector<16xf32>
      %mul3A_225 = arith.mulf %mul3A_224, %scan3A_23#0 : vector<16xf32>
      %add3A_226 = arith.addf %mul3A_221, %mul3A_225 : vector<16xf32>
      %slice3A_227 = vector.extract_strided_slice %get3A_88 {offsets = [6], sizes = [1], strides = [1]} : vector<16xf32> to vector<1xf32>
      %squeeze3A_228 = vector.extract %slice3A_227[0] : f32 from vector<1xf32>
      %mul3A_229 = vector.broadcast %squeeze3A_228 : f32 to vector<16xf32>
      %mul3A_230 = arith.mulf %mul3A_229, %scan3A_23#2 : vector<16xf32>
      %add3A_231 = arith.addf %add3A_226, %mul3A_230 : vector<16xf32>
      %mul3A_232 = arith.constant 16 : i32
      %mul3A_233 = arith.muli %scan3A_76, %mul3A_232 : i32
      %add3A_234 = arith.constant 6 : i32
      %add3A_235 = arith.addi %mul3A_233, %add3A_234 : i32
      %mul3A_236 = arith.constant 16 : i32
      %mul3A_237 = arith.muli %add3A_235, %mul3A_236 : i32
      %swap3A_238 = arith.index_cast %mul3A_237 : i32 to index
      %swap3A_239 = tpu.vector_load %arg29[%swap3A_238] {strides = array<i32>} : memref<6144xf32, #tpu.memory_space<vmem>>, vector<16xf32>,
      tpu.vector_store %arg29[%swap3A_238], %add3A_231 {strides = array<i32>} : memref<6144xf32, #tpu.memory_space<vmem>>, vector<16xf32>,
      %slice3A_240 = vector.extract_strided_slice %get3A_80 {offsets = [7], sizes = [1], strides = [1]} : vector<16xf32> to vector<1xf32>
      %squeeze3A_241 = vector.extract %slice3A_240[0] : f32 from vector<1xf32>
      %mul3A_242 = vector.broadcast %squeeze3A_241 : f32 to vector<16xf32>
      %mul3A_243 = arith.mulf %mul3A_242, %scan3A_23#1 : vector<16xf32>
      %slice3A_244 = vector.extract_strided_slice %get3A_84 {offsets = [7], sizes = [1], strides = [1]} : vector<16xf32> to vector<1xf32>
      %squeeze3A_245 = vector.extract %slice3A_244[0] : f32 from vector<1xf32>
      %mul3A_246 = vector.broadcast %squeeze3A_245 : f32 to vector<16xf32>
      %mul3A_247 = arith.mulf %mul3A_246, %scan3A_23#0 : vector<16xf32>
      %add3A_248 = arith.addf %mul3A_243, %mul3A_247 : vector<16xf32>
      %slice3A_249 = vector.extract_strided_slice %get3A_88 {offsets = [7], sizes = [1], strides = [1]} : vector<16xf32> to vector<1xf32>
      %squeeze3A_250 = vector.extract %slice3A_249[0] : f32 from vector<1xf32>
      %mul3A_251 = vector.broadcast %squeeze3A_250 : f32 to vector<16xf32>
      %mul3A_252 = arith.mulf %mul3A_251, %scan3A_23#2 : vector<16xf32>
      %add3A_253 = arith.addf %add3A_248, %mul3A_252 : vector<16xf32>
      %mul3A_254 = arith.constant 16 : i32
      %mul3A_255 = arith.muli %scan3A_76, %mul3A_254 : i32
      %add3A_256 = arith.constant 7 : i32
      %add3A_257 = arith.addi %mul3A_255, %add3A_256 : i32
      %mul3A_258 = arith.constant 16 : i32
      %mul3A_259 = arith.muli %add3A_257, %mul3A_258 : i32
      %swap3A_260 = arith.index_cast %mul3A_259 : i32 to index
      %swap3A_261 = tpu.vector_load %arg29[%swap3A_260] {strides = array<i32>} : memref<6144xf32, #tpu.memory_space<vmem>>, vector<16xf32>,
      tpu.vector_store %arg29[%swap3A_260], %add3A_253 {strides = array<i32>} : memref<6144xf32, #tpu.memory_space<vmem>>, vector<16xf32>,
      %slice3A_262 = vector.extract_strided_slice %get3A_80 {offsets = [8], sizes = [1], strides = [1]} : vector<16xf32> to vector<1xf32>
      %squeeze3A_263 = vector.extract %slice3A_262[0] : f32 from vector<1xf32>
      %mul3A_264 = vector.broadcast %squeeze3A_263 : f32 to vector<16xf32>
      %mul3A_265 = arith.mulf %mul3A_264, %scan3A_23#1 : vector<16xf32>
      %slice3A_266 = vector.extract_strided_slice %get3A_84 {offsets = [8], sizes = [1], strides = [1]} : vector<16xf32> to vector<1xf32>
      %squeeze3A_267 = vector.extract %slice3A_266[0] : f32 from vector<1xf32>
      %mul3A_268 = vector.broadcast %squeeze3A_267 : f32 to vector<16xf32>
      %mul3A_269 = arith.mulf %mul3A_268, %scan3A_23#0 : vector<16xf32>
      %add3A_270 = arith.addf %mul3A_265, %mul3A_269 : vector<16xf32>
      %slice3A_271 = vector.extract_strided_slice %get3A_88 {offsets = [8], sizes = [1], strides = [1]} : vector<16xf32> to vector<1xf32>
      %squeeze3A_272 = vector.extract %slice3A_271[0] : f32 from vector<1xf32>
      %mul3A_273 = vector.broadcast %squeeze3A_272 : f32 to vector<16xf32>
      %mul3A_274 = arith.mulf %mul3A_273, %scan3A_23#2 : vector<16xf32>
      %add3A_275 = arith.addf %add3A_270, %mul3A_274 : vector<16xf32>
      %mul3A_276 = arith.constant 16 : i32
      %mul3A_277 = arith.muli %scan3A_76, %mul3A_276 : i32
      %add3A_278 = arith.constant 8 : i32
      %add3A_279 = arith.addi %mul3A_277, %add3A_278 : i32
      %mul3A_280 = arith.constant 16 : i32
      %mul3A_281 = arith.muli %add3A_279, %mul3A_280 : i32
      %swap3A_282 = arith.index_cast %mul3A_281 : i32 to index
      %swap3A_283 = tpu.vector_load %arg29[%swap3A_282] {strides = array<i32>} : memref<6144xf32, #tpu.memory_space<vmem>>, vector<16xf32>,
      tpu.vector_store %arg29[%swap3A_282], %add3A_275 {strides = array<i32>} : memref<6144xf32, #tpu.memory_space<vmem>>, vector<16xf32>,
      %slice3A_284 = vector.extract_strided_slice %get3A_80 {offsets = [9], sizes = [1], strides = [1]} : vector<16xf32> to vector<1xf32>
      %squeeze3A_285 = vector.extract %slice3A_284[0] : f32 from vector<1xf32>
      %mul3A_286 = vector.broadcast %squeeze3A_285 : f32 to vector<16xf32>
      %mul3A_287 = arith.mulf %mul3A_286, %scan3A_23#1 : vector<16xf32>
      %slice3A_288 = vector.extract_strided_slice %get3A_84 {offsets = [9], sizes = [1], strides = [1]} : vector<16xf32> to vector<1xf32>
      %squeeze3A_289 = vector.extract %slice3A_288[0] : f32 from vector<1xf32>
      %mul3A_290 = vector.broadcast %squeeze3A_289 : f32 to vector<16xf32>
      %mul3A_291 = arith.mulf %mul3A_290, %scan3A_23#0 : vector<16xf32>
      %add3A_292 = arith.addf %mul3A_287, %mul3A_291 : vector<16xf32>
      %slice3A_293 = vector.extract_strided_slice %get3A_88 {offsets = [9], sizes = [1], strides = [1]} : vector<16xf32> to vector<1xf32>
      %squeeze3A_294 = vector.extract %slice3A_293[0] : f32 from vector<1xf32>
      %mul3A_295 = vector.broadcast %squeeze3A_294 : f32 to vector<16xf32>
      %mul3A_296 = arith.mulf %mul3A_295, %scan3A_23#2 : vector<16xf32>
      %add3A_297 = arith.addf %add3A_292, %mul3A_296 : vector<16xf32>
      %mul3A_298 = arith.constant 16 : i32
      %mul3A_299 = arith.muli %scan3A_76, %mul3A_298 : i32
      %add3A_300 = arith.constant 9 : i32
      %add3A_301 = arith.addi %mul3A_299, %add3A_300 : i32
      %mul3A_302 = arith.constant 16 : i32
      %mul3A_303 = arith.muli %add3A_301, %mul3A_302 : i32
      %swap3A_304 = arith.index_cast %mul3A_303 : i32 to index
      %swap3A_305 = tpu.vector_load %arg29[%swap3A_304] {strides = array<i32>} : memref<6144xf32, #tpu.memory_space<vmem>>, vector<16xf32>,
      tpu.vector_store %arg29[%swap3A_304], %add3A_297 {strides = array<i32>} : memref<6144xf32, #tpu.memory_space<vmem>>, vector<16xf32>,
      %slice3A_306 = vector.extract_strided_slice %get3A_80 {offsets = [10], sizes = [1], strides = [1]} : vector<16xf32> to vector<1xf32>
      %squeeze3A_307 = vector.extract %slice3A_306[0] : f32 from vector<1xf32>
      %mul3A_308 = vector.broadcast %squeeze3A_307 : f32 to vector<16xf32>
      %mul3A_309 = arith.mulf %mul3A_308, %scan3A_23#1 : vector<16xf32>
      %slice3A_310 = vector.extract_strided_slice %get3A_84 {offsets = [10], sizes = [1], strides = [1]} : vector<16xf32> to vector<1xf32>
      %squeeze3A_311 = vector.extract %slice3A_310[0] : f32 from vector<1xf32>
      %mul3A_312 = vector.broadcast %squeeze3A_311 : f32 to vector<16xf32>
      %mul3A_313 = arith.mulf %mul3A_312, %scan3A_23#0 : vector<16xf32>
      %add3A_314 = arith.addf %mul3A_309, %mul3A_313 : vector<16xf32>
      %slice3A_315 = vector.extract_strided_slice %get3A_88 {offsets = [10], sizes = [1], strides = [1]} : vector<16xf32> to vector<1xf32>
      %squeeze3A_316 = vector.extract %slice3A_315[0] : f32 from vector<1xf32>
      %mul3A_317 = vector.broadcast %squeeze3A_316 : f32 to vector<16xf32>
      %mul3A_318 = arith.mulf %mul3A_317, %scan3A_23#2 : vector<16xf32>
      %add3A_319 = arith.addf %add3A_314, %mul3A_318 : vector<16xf32>
      %mul3A_320 = arith.constant 16 : i32
      %mul3A_321 = arith.muli %scan3A_76, %mul3A_320 : i32
      %add3A_322 = arith.constant 10 : i32
      %add3A_323 = arith.addi %mul3A_321, %add3A_322 : i32
      %mul3A_324 = arith.constant 16 : i32
      %mul3A_325 = arith.muli %add3A_323, %mul3A_324 : i32
      %swap3A_326 = arith.index_cast %mul3A_325 : i32 to index
      %swap3A_327 = tpu.vector_load %arg29[%swap3A_326] {strides = array<i32>} : memref<6144xf32, #tpu.memory_space<vmem>>, vector<16xf32>,
      tpu.vector_store %arg29[%swap3A_326], %add3A_319 {strides = array<i32>} : memref<6144xf32, #tpu.memory_space<vmem>>, vector<16xf32>,
      %slice3A_328 = vector.extract_strided_slice %get3A_80 {offsets = [11], sizes = [1], strides = [1]} : vector<16xf32> to vector<1xf32>
      %squeeze3A_329 = vector.extract %slice3A_328[0] : f32 from vector<1xf32>
      %mul3A_330 = vector.broadcast %squeeze3A_329 : f32 to vector<16xf32>
      %mul3A_331 = arith.mulf %mul3A_330, %scan3A_23#1 : vector<16xf32>
      %slice3A_332 = vector.extract_strided_slice %get3A_84 {offsets = [11], sizes = [1], strides = [1]} : vector<16xf32> to vector<1xf32>
      %squeeze3A_333 = vector.extract %slice3A_332[0] : f32 from vector<1xf32>
      %mul3A_334 = vector.broadcast %squeeze3A_333 : f32 to vector<16xf32>
      %mul3A_335 = arith.mulf %mul3A_334, %scan3A_23#0 : vector<16xf32>
      %add3A_336 = arith.addf %mul3A_331, %mul3A_335 : vector<16xf32>
      %slice3A_337 = vector.extract_strided_slice %get3A_88 {offsets = [11], sizes = [1], strides = [1]} : vector<16xf32> to vector<1xf32>
      %squeeze3A_338 = vector.extract %slice3A_337[0] : f32 from vector<1xf32>
      %mul3A_339 = vector.broadcast %squeeze3A_338 : f32 to vector<16xf32>
      %mul3A_340 = arith.mulf %mul3A_339, %scan3A_23#2 : vector<16xf32>
      %add3A_341 = arith.addf %add3A_336, %mul3A_340 : vector<16xf32>
      %mul3A_342 = arith.constant 16 : i32
      %mul3A_343 = arith.muli %scan3A_76, %mul3A_342 : i32
      %add3A_344 = arith.constant 11 : i32
      %add3A_345 = arith.addi %mul3A_343, %add3A_344 : i32
      %mul3A_346 = arith.constant 16 : i32
      %mul3A_347 = arith.muli %add3A_345, %mul3A_346 : i32
      %swap3A_348 = arith.index_cast %mul3A_347 : i32 to index
      %swap3A_349 = tpu.vector_load %arg29[%swap3A_348] {strides = array<i32>} : memref<6144xf32, #tpu.memory_space<vmem>>, vector<16xf32>,
      tpu.vector_store %arg29[%swap3A_348], %add3A_341 {strides = array<i32>} : memref<6144xf32, #tpu.memory_space<vmem>>, vector<16xf32>,
      %slice3A_350 = vector.extract_strided_slice %get3A_80 {offsets = [12], sizes = [1], strides = [1]} : vector<16xf32> to vector<1xf32>
      %squeeze3A_351 = vector.extract %slice3A_350[0] : f32 from vector<1xf32>
      %mul3A_352 = vector.broadcast %squeeze3A_351 : f32 to vector<16xf32>
      %mul3A_353 = arith.mulf %mul3A_352, %scan3A_23#1 : vector<16xf32>
      %slice3A_354 = vector.extract_strided_slice %get3A_84 {offsets = [12], sizes = [1], strides = [1]} : vector<16xf32> to vector<1xf32>
      %squeeze3A_355 = vector.extract %slice3A_354[0] : f32 from vector<1xf32>
      %mul3A_356 = vector.broadcast %squeeze3A_355 : f32 to vector<16xf32>
      %mul3A_357 = arith.mulf %mul3A_356, %scan3A_23#0 : vector<16xf32>
      %add3A_358 = arith.addf %mul3A_353, %mul3A_357 : vector<16xf32>
      %slice3A_359 = vector.extract_strided_slice %get3A_88 {offsets = [12], sizes = [1], strides = [1]} : vector<16xf32> to vector<1xf32>
      %squeeze3A_360 = vector.extract %slice3A_359[0] : f32 from vector<1xf32>
      %mul3A_361 = vector.broadcast %squeeze3A_360 : f32 to vector<16xf32>
      %mul3A_362 = arith.mulf %mul3A_361, %scan3A_23#2 : vector<16xf32>
      %add3A_363 = arith.addf %add3A_358, %mul3A_362 : vector<16xf32>
      %mul3A_364 = arith.constant 16 : i32
      %mul3A_365 = arith.muli %scan3A_76, %mul3A_364 : i32
      %add3A_366 = arith.constant 12 : i32
      %add3A_367 = arith.addi %mul3A_365, %add3A_366 : i32
      %mul3A_368 = arith.constant 16 : i32
      %mul3A_369 = arith.muli %add3A_367, %mul3A_368 : i32
      %swap3A_370 = arith.index_cast %mul3A_369 : i32 to index
      %swap3A_371 = tpu.vector_load %arg29[%swap3A_370] {strides = array<i32>} : memref<6144xf32, #tpu.memory_space<vmem>>, vector<16xf32>,
      tpu.vector_store %arg29[%swap3A_370], %add3A_363 {strides = array<i32>} : memref<6144xf32, #tpu.memory_space<vmem>>, vector<16xf32>,
      %slice3A_372 = vector.extract_strided_slice %get3A_80 {offsets = [13], sizes = [1], strides = [1]} : vector<16xf32> to vector<1xf32>
      %squeeze3A_373 = vector.extract %slice3A_372[0] : f32 from vector<1xf32>
      %mul3A_374 = vector.broadcast %squeeze3A_373 : f32 to vector<16xf32>
      %mul3A_375 = arith.mulf %mul3A_374, %scan3A_23#1 : vector<16xf32>
      %slice3A_376 = vector.extract_strided_slice %get3A_84 {offsets = [13], sizes = [1], strides = [1]} : vector<16xf32> to vector<1xf32>
      %squeeze3A_377 = vector.extract %slice3A_376[0] : f32 from vector<1xf32>
      %mul3A_378 = vector.broadcast %squeeze3A_377 : f32 to vector<16xf32>
      %mul3A_379 = arith.mulf %mul3A_378, %scan3A_23#0 : vector<16xf32>
      %add3A_380 = arith.addf %mul3A_375, %mul3A_379 : vector<16xf32>
      %slice3A_381 = vector.extract_strided_slice %get3A_88 {offsets = [13], sizes = [1], strides = [1]} : vector<16xf32> to vector<1xf32>
      %squeeze3A_382 = vector.extract %slice3A_381[0] : f32 from vector<1xf32>
      %mul3A_383 = vector.broadcast %squeeze3A_382 : f32 to vector<16xf32>
      %mul3A_384 = arith.mulf %mul3A_383, %scan3A_23#2 : vector<16xf32>
      %add3A_385 = arith.addf %add3A_380, %mul3A_384 : vector<16xf32>
      %mul3A_386 = arith.constant 16 : i32
      %mul3A_387 = arith.muli %scan3A_76, %mul3A_386 : i32
      %add3A_388 = arith.constant 13 : i32
      %add3A_389 = arith.addi %mul3A_387, %add3A_388 : i32
      %mul3A_390 = arith.constant 16 : i32
      %mul3A_391 = arith.muli %add3A_389, %mul3A_390 : i32
      %swap3A_392 = arith.index_cast %mul3A_391 : i32 to index
      %swap3A_393 = tpu.vector_load %arg29[%swap3A_392] {strides = array<i32>} : memref<6144xf32, #tpu.memory_space<vmem>>, vector<16xf32>,
      tpu.vector_store %arg29[%swap3A_392], %add3A_385 {strides = array<i32>} : memref<6144xf32, #tpu.memory_space<vmem>>, vector<16xf32>,
      %slice3A_394 = vector.extract_strided_slice %get3A_80 {offsets = [14], sizes = [1], strides = [1]} : vector<16xf32> to vector<1xf32>
      %squeeze3A_395 = vector.extract %slice3A_394[0] : f32 from vector<1xf32>
      %mul3A_396 = vector.broadcast %squeeze3A_395 : f32 to vector<16xf32>
      %mul3A_397 = arith.mulf %mul3A_396, %scan3A_23#1 : vector<16xf32>
      %slice3A_398 = vector.extract_strided_slice %get3A_84 {offsets = [14], sizes = [1], strides = [1]} : vector<16xf32> to vector<1xf32>
      %squeeze3A_399 = vector.extract %slice3A_398[0] : f32 from vector<1xf32>
      %mul3A_400 = vector.broadcast %squeeze3A_399 : f32 to vector<16xf32>
      %mul3A_401 = arith.mulf %mul3A_400, %scan3A_23#0 : vector<16xf32>
      %add3A_402 = arith.addf %mul3A_397, %mul3A_401 : vector<16xf32>
      %slice3A_403 = vector.extract_strided_slice %get3A_88 {offsets = [14], sizes = [1], strides = [1]} : vector<16xf32> to vector<1xf32>
      %squeeze3A_404 = vector.extract %slice3A_403[0] : f32 from vector<1xf32>
      %mul3A_405 = vector.broadcast %squeeze3A_404 : f32 to vector<16xf32>
      %mul3A_406 = arith.mulf %mul3A_405, %scan3A_23#2 : vector<16xf32>
      %add3A_407 = arith.addf %add3A_402, %mul3A_406 : vector<16xf32>
      %mul3A_408 = arith.constant 16 : i32
      %mul3A_409 = arith.muli %scan3A_76, %mul3A_408 : i32
      %add3A_410 = arith.constant 14 : i32
      %add3A_411 = arith.addi %mul3A_409, %add3A_410 : i32
      %mul3A_412 = arith.constant 16 : i32
      %mul3A_413 = arith.muli %add3A_411, %mul3A_412 : i32
      %swap3A_414 = arith.index_cast %mul3A_413 : i32 to index
      %swap3A_415 = tpu.vector_load %arg29[%swap3A_414] {strides = array<i32>} : memref<6144xf32, #tpu.memory_space<vmem>>, vector<16xf32>,
      tpu.vector_store %arg29[%swap3A_414], %add3A_407 {strides = array<i32>} : memref<6144xf32, #tpu.memory_space<vmem>>, vector<16xf32>,
      %slice3A_416 = vector.extract_strided_slice %get3A_80 {offsets = [15], sizes = [1], strides = [1]} : vector<16xf32> to vector<1xf32>
      %squeeze3A_417 = vector.extract %slice3A_416[0] : f32 from vector<1xf32>
      %mul3A_418 = vector.broadcast %squeeze3A_417 : f32 to vector<16xf32>
      %mul3A_419 = arith.mulf %mul3A_418, %scan3A_23#1 : vector<16xf32>
      %slice3A_420 = vector.extract_strided_slice %get3A_84 {offsets = [15], sizes = [1], strides = [1]} : vector<16xf32> to vector<1xf32>
      %squeeze3A_421 = vector.extract %slice3A_420[0] : f32 from vector<1xf32>
      %mul3A_422 = vector.broadcast %squeeze3A_421 : f32 to vector<16xf32>
      %mul3A_423 = arith.mulf %mul3A_422, %scan3A_23#0 : vector<16xf32>
      %add3A_424 = arith.addf %mul3A_419, %mul3A_423 : vector<16xf32>
      %slice3A_425 = vector.extract_strided_slice %get3A_88 {offsets = [15], sizes = [1], strides = [1]} : vector<16xf32> to vector<1xf32>
      %squeeze3A_426 = vector.extract %slice3A_425[0] : f32 from vector<1xf32>
      %mul3A_427 = vector.broadcast %squeeze3A_426 : f32 to vector<16xf32>
      %mul3A_428 = arith.mulf %mul3A_427, %scan3A_23#2 : vector<16xf32>
      %add3A_429 = arith.addf %add3A_424, %mul3A_428 : vector<16xf32>
      %mul3A_430 = arith.constant 16 : i32
      %mul3A_431 = arith.muli %scan3A_76, %mul3A_430 : i32
      %add3A_432 = arith.constant 15 : i32
      %add3A_433 = arith.addi %mul3A_431, %add3A_432 : i32
      %mul3A_434 = arith.constant 16 : i32
      %mul3A_435 = arith.muli %add3A_433, %mul3A_434 : i32
      %swap3A_436 = arith.index_cast %mul3A_435 : i32 to index
      %swap3A_437 = tpu.vector_load %arg29[%swap3A_436] {strides = array<i32>} : memref<6144xf32, #tpu.memory_space<vmem>>, vector<16xf32>,
      tpu.vector_store %arg29[%swap3A_436], %add3A_429 {strides = array<i32>} : memref<6144xf32, #tpu.memory_space<vmem>>, vector<16xf32>,
      %scan3A_438 = arith.constant 0 : i32
      scf.yield %scan3A_438 : i32
    }
    %scan3A_73 = arith.constant 24 : i32
    %mul3A_74 = arith.constant 16 : i32
    %mul3A_75 = arith.muli %mul3A_2, %mul3A_74 : i32
    "tpu.region"() ({
      %run_scoped3A = tpu.sem_alloc : memref<!tpu.dma_semaphore, #tpu.memory_space<semaphore_mem>>
      %dma_start3A_76 = tpu.memref_slice %arg13[%mul3A_75] : memref<196608xf32, #tpu.memory_space<hbm>> -> memref<6144xf32, #tpu.memory_space<hbm>>
      %dma_start3A_77 = tpu.memref_slice %arg13[%mul3A_75] : memref<196608xf32, #tpu.memory_space<hbm>> -> memref<6144xf32, #tpu.memory_space<hbm>>
      tpu.enqueue_dma source(%arg29 : memref<6144xf32, #tpu.memory_space<vmem>>) target(%dma_start3A_77 : memref<6144xf32, #tpu.memory_space<hbm>>) target_semaphore(%run_scoped3A : memref<!tpu.dma_semaphore, #tpu.memory_space<semaphore_mem>>)
      %dma_wait3A_78 = tpu.memref_slice %arg13[%mul3A_75] : memref<196608xf32, #tpu.memory_space<hbm>> -> memref<6144xf32, #tpu.memory_space<hbm>>
      %dma_wait3A_79 = tpu.memref_slice %arg13[%mul3A_75] : memref<196608xf32, #tpu.memory_space<hbm>> -> memref<6144xf32, #tpu.memory_space<hbm>>
      tpu.wait_dma2 semaphore(%run_scoped3A : memref<!tpu.dma_semaphore, #tpu.memory_space<semaphore_mem>>) src(%arg29 : memref<6144xf32, #tpu.memory_space<vmem>>) dst(%dma_wait3A_79 : memref<6144xf32, #tpu.memory_space<hbm>>)
      tpu.yield
    }) : () -> ()
    return
  }
}

module attributes {stable_mosaic.version = 14 : i64} {
  func.func @_tc_seg_body(%arg0: memref<12000x64xf32, #tpu.memory_space<vmem>>, %arg1: memref<12000x1xi32, #tpu.memory_space<vmem>>, %arg2: memref<12000x1xi32, #tpu.memory_space<vmem>>, %arg3: memref<128x16xf32, #tpu.memory_space<vmem>>, %arg4: memref<12000x16xf32, #tpu.memory_space<vmem>>) attributes {dimension_semantics = [], scalar_prefetch = 0 : i64, scratch_operands = 0 : i64, tpu.core_type = #tpu.core_type<tc>} {
    %get3A = arith.constant 0 : index
    %get3A_0 = arith.constant 0 : index
    %get3A_1 = vector.load %arg3[%get3A, %get3A_0] : memref<128x16xf32, #tpu.memory_space<vmem>>, vector<64x16xf32>
    %iota3A = tpu.iota {dimensions = array<i32: 1>} : vector<1x1024xi32>
    %broadcast_in_dim3A = arith.constant 0.000000e+00 : f32
    %broadcast_in_dim3A_2 = vector.broadcast %broadcast_in_dim3A : f32 to vector<1024x16xf32>
    %scan3A = arith.constant 0 : i32
    %scan3A_3 = arith.constant 20 : i32
    %scan3A_4 = arith.addi %scan3A, %scan3A_3 : i32
    %scan3A_5 = arith.constant 1 : i32
    %scan3A_6 = scf.for %scan3A_13 = %scan3A to %scan3A_4 step %scan3A_5 iter_args(%scan3A_14 = %broadcast_in_dim3A_2) -> (vector<1024x16xf32>)  : i32 {
      %mul3A = arith.constant 600 : i32
      %mul3A_15 = arith.muli %scan3A_13, %mul3A : i32
      %get3A_16 = arith.index_cast %mul3A_15 : i32 to index
      %get3A_17 = arith.constant 0 : index
      %get3A_18 = vector.load %arg1[%get3A_16, %get3A_17] : memref<12000x1xi32, #tpu.memory_space<vmem>>, vector<600x1xi32>
      %eq3A = vector.broadcast %get3A_18 : vector<600x1xi32> to vector<600x1024xi32>
      %eq3A_19 = vector.broadcast %iota3A : vector<1x1024xi32> to vector<600x1024xi32>
      %eq3A_20 = arith.cmpi eq, %eq3A, %eq3A_19 : vector<600x1024xi32>
      %convert_element_type3A = arith.extui %eq3A_20 : vector<600x1024xi1> to vector<600x1024xi32>
      %convert_element_type3A_21 = arith.sitofp %convert_element_type3A : vector<600x1024xi32> to vector<600x1024xf32>
      %get3A_22 = arith.index_cast %mul3A_15 : i32 to index
      %get3A_23 = arith.constant 0 : index
      %get3A_24 = vector.load %arg0[%get3A_22, %get3A_23] : memref<12000x64xf32, #tpu.memory_space<vmem>>, vector<600x64xf32>
      %dot_general3A = arith.constant dense<0.000000e+00> : vector<600x16xf32>
      %dot_general3A_25 = tpu.matmul %get3A_24, %get3A_1, %dot_general3A {dimension_numbers = #tpu.dot_dimension_numbers<[1], [0], [0], [1], [0, 0, 1, 1], [], []>, transpose_lhs_hint = false} : vector<600x64xf32>, vector<64x16xf32>, vector<600x16xf32> -> vector<600x16xf32>
      %dot_general3A_26 = arith.constant dense<0.000000e+00> : vector<1024x16xf32>
      %dot_general3A_27 = tpu.matmul %convert_element_type3A_21, %dot_general3A_25, %dot_general3A_26 {dimension_numbers = #tpu.dot_dimension_numbers<[0], [0], [1], [1], [0, 1, 1, 1], [], []>, transpose_lhs_hint = false} : vector<600x1024xf32>, vector<600x16xf32>, vector<1024x16xf32> -> vector<1024x16xf32>
      %add3A = arith.addf %scan3A_14, %dot_general3A_27 : vector<1024x16xf32>
      scf.yield %add3A : vector<1024x16xf32>
    }
    %scan3A_7 = arith.constant 20 : i32
    %scan3A_8 = arith.constant 0 : i32
    %scan3A_9 = arith.constant 12 : i32
    %scan3A_10 = arith.addi %scan3A_8, %scan3A_9 : i32
    %scan3A_11 = arith.constant 1 : i32
    scf.for %scan3A_13 = %scan3A_8 to %scan3A_10 step %scan3A_11  : i32 {
      %mul3A = arith.constant 1000 : i32
      %mul3A_14 = arith.muli %scan3A_13, %mul3A : i32
      %get3A_15 = arith.index_cast %mul3A_14 : i32 to index
      %get3A_16 = arith.constant 0 : index
      %get3A_17 = vector.load %arg2[%get3A_15, %get3A_16] : memref<12000x1xi32, #tpu.memory_space<vmem>>, vector<1000x1xi32>
      %eq3A = vector.broadcast %get3A_17 : vector<1000x1xi32> to vector<1000x1024xi32>
      %eq3A_18 = vector.broadcast %iota3A : vector<1x1024xi32> to vector<1000x1024xi32>
      %eq3A_19 = arith.cmpi eq, %eq3A, %eq3A_18 : vector<1000x1024xi32>
      %convert_element_type3A = arith.extui %eq3A_19 : vector<1000x1024xi1> to vector<1000x1024xi32>
      %convert_element_type3A_20 = arith.sitofp %convert_element_type3A : vector<1000x1024xi32> to vector<1000x1024xf32>
      %dot_general3A = arith.constant dense<0.000000e+00> : vector<1000x16xf32>
      %dot_general3A_21 = tpu.matmul %convert_element_type3A_20, %scan3A_6, %dot_general3A {dimension_numbers = #tpu.dot_dimension_numbers<[1], [0], [0], [1], [0, 0, 1, 1], [], []>, transpose_lhs_hint = false} : vector<1000x1024xf32>, vector<1024x16xf32>, vector<1000x16xf32> -> vector<1000x16xf32>
      %swap3A = arith.index_cast %mul3A_14 : i32 to index
      %swap3A_22 = arith.constant 0 : index
      %swap3A_23 = vector.load %arg4[%swap3A, %swap3A_22] : memref<12000x16xf32, #tpu.memory_space<vmem>>, vector<1000x16xf32>
      tpu.vector_store %arg4[%swap3A, %swap3A_22], %dot_general3A_21 {strides = array<i32>} : memref<12000x16xf32, #tpu.memory_space<vmem>>, vector<1000x16xf32>,
    }
    %scan3A_12 = arith.constant 12 : i32
    return
  }
}

module attributes {stable_mosaic.version = 14 : i64} {
  func.func @_tc_add_body(%arg0: memref<12000x16xf32, #tpu.memory_space<vmem>>, %arg1: memref<12288x16xf32, #tpu.memory_space<vmem>>, %arg2: memref<1x16xf32, #tpu.memory_space<vmem>>, %arg3: memref<12000x16xf32, #tpu.memory_space<vmem>>) attributes {dimension_semantics = [], scalar_prefetch = 0 : i64, scratch_operands = 0 : i64, tpu.core_type = #tpu.core_type<tc>} {
    %get3A = arith.constant 0 : index
    %get3A_0 = arith.constant 0 : index
    %get3A_1 = vector.load %arg0[%get3A, %get3A_0] : memref<12000x16xf32, #tpu.memory_space<vmem>>, vector<12000x16xf32>
    %get3A_2 = arith.constant 0 : index
    %get3A_3 = arith.constant 0 : index
    %get3A_4 = vector.load %arg1[%get3A_2, %get3A_3] : memref<12288x16xf32, #tpu.memory_space<vmem>>, vector<12000x16xf32>
    %add3A = arith.addf %get3A_1, %get3A_4 : vector<12000x16xf32>
    %get3A_5 = arith.constant 0 : index
    %get3A_6 = arith.constant 0 : index
    %get3A_7 = vector.load %arg2[%get3A_5, %get3A_6] : memref<1x16xf32, #tpu.memory_space<vmem>>, vector<1x16xf32>
    %add3A_8 = vector.broadcast %get3A_7 : vector<1x16xf32> to vector<12000x16xf32>
    %add3A_9 = arith.addf %add3A, %add3A_8 : vector<12000x16xf32>
    %swap3A = arith.constant 0 : index
    %swap3A_10 = arith.constant 0 : index
    %swap3A_11 = vector.load %arg3[%swap3A, %swap3A_10] : memref<12000x16xf32, #tpu.memory_space<vmem>>, vector<12000x16xf32>
    tpu.vector_store %arg3[%swap3A, %swap3A_10], %add3A_9 {strides = array<i32>} : memref<12000x16xf32, #tpu.memory_space<vmem>>, vector<12000x16xf32>,
    return
  }
}

</mosaic_0001>

<sc_bundles>
// kernel: kernel.5.cloned.1.call-start
scs
__scs_entry_jumppad:
0x0: {  	(pc) =	sbr.rel $0x88, $3  }
0x1: {  	(tag) =	ssettag $0x0;
	lr =	simm.s32 $0x1  }
0x2: {  	[smem:$0x3F9A] =	sst lr;
	_ =	strace $0xD0000000  }
0x3: {  	_ = 	snop  }
0x4: {  	_ = 	snop  }
0x5: {  	_ = 	snop  }
0x6: {  	_ = 	snop  }
0x7: {  	_ = 	snop  }
__scs_overlays_trampoline_lowered:
0x8: {  	[smem:$0x3FA9] =	sst s0  }
0x9: {  	[smem:$0x3FAA] =	sst s1  }
0xa: {  	[smem:$0x3FAB] =	sst s2  }
0xb: {  	[smem:$0x3FAC] =	sst s3  }
0xc: {  	[smem:$0x3FAD] =	sst s4  }
0xd: {  	[smem:$0x3FAE] =	sst s5  }
0xe: {  	[smem:$0x3FAF] =	sst s6  }
0xf: {  	[smem:$0x3FB0] =	sst s7  }
0x10: {  	[smem:$0x3FB1] =	sst s8  }
0x11: {  	[smem:$0x3FB2] =	sst s9;
	s0 =	simm.s32 @!p0 $0x0  }
0x12: {  	s1 =	sld [smem:$0x3F98];
	s0 =	simm.s32 @p0 $0x1  }
0x13: {  	[smem:$0x3FB3] =	sst s0;
	s0 =	simm.s32 @!p1 $0x0  }
0x14: {  	s2 =	sld [smem:$0x3F97];
	s0 =	simm.s32 @p1 $0x1  }
0x15: {  	[smem:$0x3FB4] =	sst s0;
	s0 =	simm.s32 @!p2 $0x0  }
0x16: {  	s3 =	sld [smem:$0x3FDB];
	s0 =	simm.s32 @p2 $0x1  }
0x17: {  	s4 =	simm.s32 $0x1BF5;
	[smem:$0x3FB6] =	sst s0  }
0x18: {  	s0 =	sld [smem:$0x3F99];
	_ =	swait.ge [sflag:s4], $0x0  }
0x19: {  	s7 =	sld [smem:$0x3F9A]  }
0x1a: {  	s8 =	sadd.s32 $0xFFFFE003, lr  }
0x1b: {  	s9 =	sadd.s32 $0xFFFFFEF7, lr;
	s5 =	simm.s32 $0xFFFFFFFF;
	p2 =	slt.u32 s8, $0xFFFFF086  }
0x1c: {  	p1 =	slt.u32 s9, $0xF7A;
	s5 =	simm.s32 @!p2 $0x0  }
0x1d: {  	s5 =	simm.s32 @p1 $0x1;
	p0 =	seq.s32 s7, s2  }
0x1e: {  	s7 =	smul.u32 @!p0 $0xF7A, s2;
	p2 =	seq.s32 @!p0 s5, $0x0  }
0x1f: {  	s9 =	smul.u32 $0xF7A, s1;
	s8 =	simm.s32 @!p0 $0x1BF5;
	p2 =	por !p2, p0  }
0x20: {  	[sflag:s8] =	ssyncset.s32 @!p0 $0xFFFFF086;
	s6 =	sadd.s32 @!p0 s3, s7;
	s7 =	simm.s32 @!p0 $0x108  }
0x21: {  	s3 =	sadd.s32 s3, s9;
	s6 =	sadd.s32 @!p0 $0x88, s6;
	s7 =	simm.s32 @p2 $0x1082  }
0x22: {  	[simem:s7], [sflag:s8] =	dma.local @!p0 [hbm:s6], $0xF7A  }
0x23: {  	s9 =	sor.u32 $0xD0000000, s2;
	s6 =	simm.s32 $0x108;
	_ =	swait.ge @!p0 [sflag:s8], $0x0  }
0x24: {  	s3 =	sadd.s32 $0x88, s3;
	s6 =	simm.s32 @!p1 $0x1082;
	[sflag:s4] =	ssyncset.s32 $0xFFFFF086  }
0x25: {  	[simem:s6], [sflag:s4] =	dma.local [hbm:s3], $0xF7A  }
0x26: {  	[smem:$0x3F9A] =	sst s1;
	(tag) =	ssettag s2;
	_ =	strace s9  }
0x27: {  	s1 =	sld [smem:$0x3FAA]  }
0x28: {  	s2 =	sld [smem:$0x3FAB]  }
0x29: {  	s4 =	sld [smem:$0x3FAD]  }
0x2a: {  	p0 =	seq.s32 s5, $0x0;
	s5 =	sld [smem:$0x3FAE]  }
0x2b: {  	s6 =	sld [smem:$0x3FAF]  }
0x2c: {  	s7 =	sld [smem:$0x3FB0]  }
0x2d: {  	s3 =	simm.s32 $0x108;
	s8 =	sld [smem:$0x3FB1]  }
0x2e: {  	s3 =	simm.s32 @!p0 $0x1082;
	s9 =	sld [smem:$0x3FB2]  }
0x2f: {  	lr =	sadd.s32 s0, s3;
	s0 =	sld [smem:$0x3FA9]  }
0x30: {  	s3 =	sld [smem:$0x3FAC]  }
0x31: {  	[smem:$0x3FB5] =	sst s10  }
0x32: {  	s10 =	sld [smem:$0x3FB3];
	_ =	sdelay $0x3  }
0x33: {  	p0 =	seq.s32 s10, $0x1;
	s10 =	sld [smem:$0x3FB5];
	_ =	sdelay $0x3  }
0x34: {  	[smem:$0x3FB5] =	sst s10  }
0x35: {  	s10 =	sld [smem:$0x3FB4];
	_ =	sdelay $0x3  }
0x36: {  	p1 =	seq.s32 s10, $0x1;
	s10 =	sld [smem:$0x3FB5];
	_ =	sdelay $0x3  }
0x37: {  	[smem:$0x3FB5] =	sst s10  }
0x38: {  	s10 =	sld [smem:$0x3FB6]  }
0x39: {  	_ = 	snop;
	(pc) =	sbr.ind lr, $3  }
0x3a: {  	_ = 	snop  }
0x3b: {  	_ = 	snop  }
0x3c: {  	p2 =	seq.s32 s10, $0x1;
	s10 =	sld [smem:$0x3FB5]  }
0x3d: {  	_ =	shalt  }
0x3e: {  	_ =	shalt  }
0x3f: {  	_ =	shalt  }
0x40: {  	_ =	shalt  }
0x41: {  	_ =	shalt  }
0x42: {  	_ =	shalt  }
0x43: {  	_ =	shalt  }
0x44: {  	_ =	shalt  }
0x45: {  	_ =	shalt  }
0x46: {  	_ =	shalt  }
0x47: {  	_ =	shalt  }
0x48: {  	_ =	shalt  }
0x49: {  	_ =	shalt  }
0x4a: {  	_ =	shalt  }
0x4b: {  	_ =	shalt  }
0x4c: {  	_ =	shalt  }
0x4d: {  	_ =	shalt  }
0x4e: {  	_ =	shalt  }
0x4f: {  	_ =	shalt  }
0x50: {  	_ =	shalt  }
0x51: {  	_ =	shalt  }
0x52: {  	_ =	shalt  }
0x53: {  	_ =	shalt  }
0x54: {  	_ =	shalt  }
0x55: {  	_ =	shalt  }
0x56: {  	_ =	shalt  }
0x57: {  	_ =	shalt  }
0x58: {  	_ =	shalt  }
0x59: {  	_ =	shalt  }
0x5a: {  	_ =	shalt  }
0x5b: {  	_ =	shalt  }
0x5c: {  	_ =	shalt  }
0x5d: {  	_ =	shalt  }
0x5e: {  	_ =	shalt  }
0x5f: {  	_ =	shalt  }
0x60: {  	_ =	shalt  }
0x61: {  	_ =	shalt  }
0x62: {  	_ =	shalt  }
0x63: {  	_ =	shalt  }
0x64: {  	_ =	shalt  }
0x65: {  	_ =	shalt  }
0x66: {  	_ =	shalt  }
0x67: {  	_ =	shalt  }
0x68: {  	_ =	shalt  }
0x69: {  	_ =	shalt  }
0x6a: {  	_ =	shalt  }
0x6b: {  	_ =	shalt  }
0x6c: {  	_ =	shalt  }
0x6d: {  	_ =	shalt  }
0x6e: {  	_ =	shalt  }
0x6f: {  	_ =	shalt  }
0x70: {  	_ =	shalt  }
0x71: {  	_ =	shalt  }
0x72: {  	_ =	shalt  }
0x73: {  	_ =	shalt  }
0x74: {  	_ =	shalt  }
0x75: {  	_ =	shalt  }
0x76: {  	_ =	shalt  }
0x77: {  	_ =	shalt  }
0x78: {  	_ =	shalt  }
0x79: {  	_ =	shalt  }
0x7a: {  	_ =	shalt  }
0x7b: {  	_ =	shalt  }
0x7c: {  	_ =	shalt  }
0x7d: {  	_ =	shalt  }
0x7e: {  	_ =	shalt  }
0x7f: {  	_ =	shalt  }
0x80: {  	_ =	shalt  }
0x81: {  	_ =	shalt  }
0x82: {  	_ =	shalt  }
0x83: {  	_ =	shalt  }
0x84: {  	_ =	shalt  }
0x85: {  	_ =	shalt  }
0x86: {  	_ =	shalt  }
0x87: {  	_ =	shalt  }
.Lfunc_end0:
.L_simem_size_0:
called_computation_lowered:
.L_overlay_start_0:
0x88: {  	s2 =	sld [smem:$0x3FD9]  }
0x89: {  	s3 =	sld [smem:$0x3FFE];
	_ =	sdelay $0x1  }
0x8a: {  	s1 =	srdreg.scid  }
0x8b: {  	s0 =	sand.u32 $0x1, s1  }
0x8c: {  	s17 =	sshll.u32 s0, $0xA;
	s2 =	sadd.s32 s3, s2  }
0x8d: {  	s2 =	sadd.s32 s2, s17  }
0x8e: {  	[smem:$0x3FC1] =	sst s2  }
0x8f: {  	_ = 	snop  }
0x90: {  	s2 =	sld [smem:$0x3FC5]  }
0x91: {  	s18 =	sld [smem:$0x3FD0];
	(tm) =	ssettm $0x1  }
0x92: {  	s4 =	sld [smem:$0x3FFB];
	_ =	sdelay $0x3  }
0x93: {  	_ =	strace s4  }
0x94: {  	s4 =	sld [smem:$0x3FFC];
	_ =	sdelay $0x3  }
0x95: {  	_ =	strace s4  }
0x96: {  	s4 =	sld [smem:$0x3FFD];
	_ =	sdelay $0x3  }
0x97: {  	_ =	strace s4  }
0x98: {  	_ =	strace $0x8FFFFFFF  }
0x99: {  	s19 =	sld [smem:$0x3FDB];
	_ =	sdelay $0x1  }
0x9a: {  	s5 =	simm.s32 $_scs_section_size  }
0x9b: {  	s6 =	simm.s32 $_size__tile_overlayer_lowered;
	s7 =	simm.s32 $_tile_overlayer_lowered  }
0x9c: {  	s22 =	simm.s32 $0x1BFF;
	s21 =	sshll.u32 s7, $0x1;
	s4 =	sadd.s32 s5, s19  }
0x9d: {  	s8 =	simm.s32 $0x0;
	s20 =	sshll.u32 s6, $0x1;
	s6 =	sadd.s32 s21, s4  }
0x9e: {  	[timem:s8], [sflag:s22] =	dma.local [hbm:s6], s20  }
0x9f: {  	_ =	swait.ge [sflag:s22], s20  }
0xa0: {  	s5 =	ssub.s32 $0x0, s20;
	[sflag:s22] =	ssyncset.done $0x0  }
0xa1: {  	[sflag:s22] =	ssyncadd.s32 s5;
	_ =	sdelay $0x1  }
0xa2: {  	s23 =	simm.s32 $0x1B8B  }
0xa3: {  	_ =	swait.ge [sflag:s23], $0x1  }
0xa4: {  	[sflag:s23] =	ssyncset.done $0x0  }
0xa5: {  	s25 =	simm.s32 $0x1B8E;
	s24 =	sld [smem:$0x3FFE];
	[sflag:s23] =	ssyncadd.s32 $0xFFFFFFFF  }
0xa6: {  	s26 =	simm.s32 $execute0_lowered;
	[smem:$0x3FD2] =	sst s25  }
0xa7: {  	s6 =	sshll.u32 s26, $0x1;
	_ =	strace $0x80000046;
	[dreg:$0x1] =	wrdreg $0xFFFFFFFF  }
0xa8: {  	s28 =	simm.s32 $_size_execute0_lowered;
	s4 =	sadd.s32 s4, s6;
	[dreg:$0x0] =	wrdreg $0x0  }
0xa9: {  	s6 =	sshll.u32 s28, $0x1;
	[dreg:$0x2] =	wrdreg s4  }
0xaa: {  	[dreg:$0x3] =	wrdreg s6  }
0xab: {  	[dreg:$0x4] =	wrdreg $0xC0  }
0xac: {  	_ =	task [dreg:s8], $0x5FFFF  }
0xad: {  	[dreg:$0x1] =	wrdreg $0xFFFFFFFF  }
0xae: {  	[dreg:$0x0] =	wrdreg $0x60  }
0xaf: {  	[dreg:$0x2] =	wrdreg s18  }
0xb0: {  	[dreg:$0x3] =	wrdreg s24  }
0xb1: {  	[dreg:$0x4] =	wrdreg s2  }
0xb2: {  	[dreg:$0x5] =	wrdreg $0x9  }
0xb3: {  	_ =	task.clear_ibuf [dreg:s8], $0x6FFFF;
	_ =	strace $0x90000046  }
0xb4: {  	s29 =	simm.s32 $0x9;
	_ =	strace $0x80000048  }
0xb5: {  	_ =	swait.ge [sflag:s29], $0x1  }
0xb6: {  	[sflag:s29] =	ssyncadd.s32 $0xFFFFFFFF  }
0xb7: {  	_ =	strace $0x90000048  }
0xb8: {  	_ =	sfence  }
0xb9: {  	s30 =	sld [smem:$0x0];
	_ =	sdelay $0x2  }
0xba: {  	s31 =	sshll.u32 s1, $0xD;
	s1 =	sshrl.u32 s1, $0x2  }
0xbb: {  	s3 =	sand.u32 $0x4000, s31;
	s1 =	sadd.s32 s1, s30  }
0xbc: {  	s0 =	sor.u32 s3, s0;
	s1 =	sshll.u32 s1, $0x11  }
0xbd: {  	s0 =	sor.u32 s1, s0  }
0xbe: {  	s0 =	sadd.s32 $0x8F2B, s0  }
0xbf: {  	[sflag:s0] =	ssyncadd.remote.s32 $0x1  }
0xc0: {  	_ =	sfence.sel $0xFFFF  }
0xc1: {  	[dreg:$0x0] =	wrdreg $0xFFFFFFFF;
	(pc) =	sbr.abs _section_cstart, $3  }
0xc2: {  	[dreg:$0x1] =	wrdreg $0xFFFFFFFF  }
0xc3: {  	_ =	task.clear_ibuf [dreg:s8], $0x2FFFF;
	_ =	strace $0x9FFFFFFF  }
0xc4: {  	(tm) =	ssettm $0x7FFFFFFF  }
0xc5: {  	_ =	shalt  }
tec
execute0_lowered:
.L_overlay_start_1:
0x0: {  	(tag) =	ssettag $0x1  }
0x1: {  	s3 =	rddreg [dreg:$0x1];
	s0 =	srdreg.scid  }
0x2: {  	s1 =	stileid.u32;
	s5 =	simm.s32 $0x0;
	s20 =	simm.s32 $0x3000  }
0x3: {  	s21 =	simm.s32 $0x6000;
	s22 =	simm.s32 $0x9000;
	s28 =	simm.s32 $0x1  }
0x4: {  	s29 =	simm.s32 $0x13400;
	s30 =	simm.s32 $0xF000;
	s31 =	simm.s32 $0xC000  }
0x5: {  	s0 =	sand.u32 $0x1, s0;
	s1 =	sshll.u32 s1, $0x1;
	[smem:$0x7FF] =	sst s5  }
0x6: {  	s7 =	sadd.s32 $0x600, s3;
	s8 =	sadd.s32 $0xC00, s3;
	s1 =	sor.u32 s0, s1  }
0x7: {  	s9 =	sadd.s32 $0x2400, s3;
	s0 =	ssub.s32 $0x2, s0;
	s6 =	smul.u32 $0x180, s1  }
0x8: {  	s10 =	sadd.s32 $0x2600, s3;
	s1 =	smul.u32 $0x300, s1;
	s4 =	sshrl.u32 s0, $0x1  }
0x9: {  	v2 =	vlaneseq.u32;
	_ =	strace $0x80000047;
	s0 =	ssub.s32 s0, s4;
	s4 =	simm.s32 $0x0  }
0xa: {  	v61 =	vmul.u32 $0x300, v2;
	s2 =	sshrl.u32 s6, $0x3;
	s1 =	sadd.s32 s1, s3;
	s16 =	smax.u32 s0, $0x1  }
0xb: {  	v62 =	vmul.u32 $0x400, v2;
	s0 =	simm.s32 $0x14280;
	s2 =	sadd.s32 s2, s3;
	s15 =	sadd.s32 $0x2E00, s1  }
0xc: {  	[tilespmem:$0x1FFE0] =	vst v61;
	s1 =	simm.s32 $0x2;
	s11 =	sadd.s32 $0x2800, s2;
	s12 =	sadd.s32 $0x1200, s2  }
0xd: {  	[tilespmem:$0x1FFF0] =	vst v62;
	s13 =	sadd.s32 $0x1800, s2;
	s14 =	sadd.s32 $0x1E00, s2;
	s2 =	simm.s32 $0x13000  }
.LBB2_1:
0xe: {  	s17 =	simm.s32 $0x15A80  }
0xf: {  	[tilespmem:s17], [sflag:$0x1] =	stream.linear.gather [hbm4b:s9+s5], $0x80, $0x38;
	[tilespmem:$0x16380] =	vst v63  }
0x10: {  	s19 =	rddreg [dreg:$0x2];
	s18 =	simm.s32 $0x15B00  }
0x11: {  	[tilespmem:s18], [sflag:$0x1] =	stream.linear.gather [hbm4b:s19+s5], $0x80, $0x38;
	[tilespmem:$0x16380] =	vst v63  }
0x12: {  	s23 =	simm.s32 $0x15B80  }
0x13: {  	[tilespmem:s23], [sflag:$0x1] =	stream.linear.gather [hbm4b:s10+s5], $0x800, $0x38;
	[tilespmem:$0x16380] =	vst v63  }
0x14: {  	s24 =	rddreg [dreg:$0x0]  }
0x15: {  	[tilespmem:s5], [sflag:$0x1] =	stream.linear.gather [hbm4b:s24+s5], $0x3000, $0x38;
	[tilespmem:$0x16380] =	vst v63  }
0x16: {  	_ = 	snop  }
0x17: {  	[tilespmem:s20], [sflag:$0x1] =	stream.linear.gather [hbm4b:s3+s5], $0x3000, $0x38;
	[tilespmem:$0x16380] =	vst v63  }
0x18: {  	_ = 	snop  }
0x19: {  	[tilespmem:s21], [sflag:$0x1] =	stream.linear.gather [hbm4b:s7+s5], $0x3000, $0x38;
	[tilespmem:$0x16380] =	vst v63  }
0x1a: {  	_ = 	snop  }
0x1b: {  	[tilespmem:s22], [sflag:$0x1] =	stream.linear.gather [hbm4b:s8+s5], $0x3000, $0x38;
	[tilespmem:$0x16380] =	vst v63  }
0x1c: {  	s25 =	simm.s32 $0x13800  }
0x1d: {  	[tilespmem:s25], [sflag:$0x1] =	stream.linear.gather [hbm4b:s11+s5], $0x180, $0x38;
	[tilespmem:$0x16380] =	vst v63  }
0x1e: {  	s26 =	simm.s32 $0x13980  }
0x1f: {  	[tilespmem:s26], [sflag:$0x1] =	stream.linear.gather [hbm4b:s12+s5], $0x180, $0x38;
	[tilespmem:$0x16380] =	vst v63  }
0x20: {  	s18 =	simm.s32 $0x13B00  }
0x21: {  	[tilespmem:s18], [sflag:$0x1] =	stream.linear.gather [hbm4b:s13+s5], $0x180, $0x38;
	[tilespmem:$0x16380] =	vst v63  }
0x22: {  	s19 =	simm.s32 $0x13C80  }
0x23: {  	[tilespmem:s19], [sflag:$0x1] =	stream.linear.gather [hbm4b:s14+s5], $0x180, $0x38;
	[tilespmem:$0x16380] =	vst v63  }
0x24: {  	_ =	swait.ge [sflag:s28], $0x80  }
0x25: {  	[sflag:s28] =	ssyncset.done $0x0  }
0x26: {  	[sflag:s28] =	ssyncadd.s32 $0xFFFFFF80  }
0x27: {  	_ =	swait.ge [sflag:s28], $0x80  }
0x28: {  	[sflag:s28] =	ssyncset.done $0x0  }
0x29: {  	[sflag:s28] =	ssyncadd.s32 $0xFFFFFF80  }
0x2a: {  	_ =	swait.ge [sflag:s28], $0x800  }
0x2b: {  	[sflag:s28] =	ssyncset.done $0x0  }
0x2c: {  	[sflag:s28] =	ssyncadd.s32 $0xFFFFF800  }
0x2d: {  	_ =	swait.ge [sflag:s28], $0x3000  }
0x2e: {  	[sflag:s28] =	ssyncset.done $0x0  }
0x2f: {  	[sflag:s28] =	ssyncadd.s32 $0xFFFFD000  }
0x30: {  	_ =	swait.ge [sflag:s28], $0x3000  }
0x31: {  	[sflag:s28] =	ssyncset.done $0x0  }
0x32: {  	[sflag:s28] =	ssyncadd.s32 $0xFFFFD000  }
0x33: {  	_ =	swait.ge [sflag:s28], $0x3000  }
0x34: {  	[sflag:s28] =	ssyncset.done $0x0  }
0x35: {  	[sflag:s28] =	ssyncadd.s32 $0xFFFFD000  }
0x36: {  	_ =	swait.ge [sflag:s28], $0x3000  }
0x37: {  	[sflag:s28] =	ssyncset.done $0x0  }
0x38: {  	[sflag:s28] =	ssyncadd.s32 $0xFFFFD000  }
0x39: {  	_ =	swait.ge [sflag:s28], $0x180  }
0x3a: {  	[sflag:s28] =	ssyncset.done $0x0  }
0x3b: {  	[sflag:s28] =	ssyncadd.s32 $0xFFFFFE80  }
0x3c: {  	_ =	swait.ge [sflag:s28], $0x180  }
0x3d: {  	[sflag:s28] =	ssyncset.done $0x0  }
0x3e: {  	[sflag:s28] =	ssyncadd.s32 $0xFFFFFE80  }
0x3f: {  	_ =	swait.ge [sflag:s28], $0x180  }
0x40: {  	[sflag:s28] =	ssyncset.done $0x0  }
0x41: {  	[sflag:s28] =	ssyncadd.s32 $0xFFFFFE80  }
0x42: {  	_ =	swait.ge [sflag:s28], $0x180  }
0x43: {  	[sflag:s28] =	ssyncset.done $0x0  }
0x44: {  	s23 =	simm.s32 $0x0;
	[sflag:s28] =	ssyncadd.s32 $0xFFFFFE80  }
0x45: {  	v3 =	vld [tilespmem:s23+$0x15B00];
	_ =	sdelay $0x1  }
0x46: {  	v6 =	vld [tilespmem:s23+$0x15AC0]  }
0x47: {  	v7 =	vld [tilespmem:s23+$0x15A80];
	_ =	sdelay $0x1  }
0x48: {  	v4 =	vbroadcast v3, $0x2  }
0x49: {  	v8 =	vbroadcast v3, $0xB;
	v10 =	vbroadcast v3, $0x0  }
0x4a: {  	v11 =	vbroadcast v3, $0xF;
	v12 =	vbroadcast v6, $0x0  }
0x4b: {  	v15 =	vbroadcast v6, $0x8;
	v18 =	vbroadcast v7, $0xA  }
0x4c: {  	v19 =	vbroadcast v7, $0x3;
	v13 =	vbroadcast v7, $0xF  }
0x4d: {  	v17 =	vbroadcast v3, $0x4;
	v22 =	vbroadcast v3, $0xD  }
0x4e: {  	v23 =	vbroadcast v7, $0x0;
	v28 =	vbroadcast v6, $0xF  }
0x4f: {  	v20 =	vbroadcast v3, $0x5;
	v29 =	vbroadcast v6, $0x7  }
0x50: {  	v30 =	vbroadcast v6, $0x1;
	v31 =	vbroadcast v7, $0x8  }
0x51: {  	s24 =	simm.s32 $0x16070;
	v25 =	vbroadcast v7, $0xE;
	v34 =	vbroadcast v6, $0x3  }
0x52: {  	v5 =	vld [tilespmem:s24+$0xFFFFFF10];
	v35 =	vbroadcast v3, $0xA;
	v37 =	vbroadcast v6, $0x2  }
0x53: {  	v9 =	vld [tilespmem:s24+$0x0];
	v38 =	vbroadcast v7, $0x7;
	v39 =	vbroadcast v3, $0x3  }
0x54: {  	v14 =	vld [tilespmem:s24+$0xFFFFFF30];
	v40 =	vbroadcast v3, $0x9;
	v41 =	vbroadcast v7, $0x9  }
0x55: {  	v21 =	vld [tilespmem:s24+$0xFFFFFF50];
	v43 =	vbroadcast v6, $0x4;
	v44 =	vbroadcast v7, $0x5  }
0x56: {  	v26 =	vld [tilespmem:s24+$0xFFFFFFF0];
	v45 =	vbroadcast v3, $0x8;
	v46 =	vbroadcast v6, $0x5  }
0x57: {  	v24 =	vld [tilespmem:s24+$0xFFFFFF60];
	v47 =	vbroadcast v7, $0x6;
	v48 =	vbroadcast v7, $0x4  }
0x58: {  	v33 =	vld [tilespmem:s24+$0xFFFFFF40];
	v60 =	vbroadcast v7, $0x1;
	v52 =	vbroadcast v7, $0xD  }
0x59: {  	v16 =	vmul.f32 v5, v10;
	v10 =	vbroadcast v7, $0xB  }
0x5a: {  	v12 =	vmul.f32 v5, v12;
	v27 =	vmul.f32 v14, v4  }
0x5b: {  	v42 =	vld [tilespmem:s24+$0xFFFFFF70];
	v4 =	vmul.f32 v9, v13;
	v13 =	vmul.f32 v21, v17  }
0x5c: {  	v36 =	vld [tilespmem:s24+$0xFFFFFF80];
	v17 =	vmul.f32 v24, v20;
	v54 =	vmul.f32 v26, v25  }
0x5d: {  	v19 =	vmul.f32 v33, v19;
	v20 =	vbroadcast v3, $0x7  }
0x5e: {  	v58 =	vld [tilespmem:s24+$0xFFFFFF90];
	v25 =	vbroadcast v6, $0x6;
	v49 =	vmul.f32 v24, v44  }
0x5f: {  	v50 =	vmul.f32 v24, v46;
	v24 =	vbroadcast v3, $0x6  }
0x60: {  	v59 =	vld [tilespmem:s24+$0xFFFFFF20];
	v48 =	vmul.f32 v21, v48;
	v51 =	vmul.f32 v42, v47  }
0x61: {  	v21 =	vmul.f32 v21, v43;
	v38 =	vmul.f32 v36, v38  }
0x62: {  	v63 =	vld [tilespmem:s24+$0xFFFFFFA0];
	v39 =	vmul.f32 v33, v39;
	v29 =	vmul.f32 v36, v29  }
0x63: {  	v61 =	vld [tilespmem:s24+$0xFFFFFFB0];
	v33 =	vmul.f32 v33, v34;
	v34 =	vmul.f32 v58, v15  }
0x64: {  	v15 =	vmul.f32 v5, v23;
	v5 =	vbroadcast v6, $0xA  }
0x65: {  	v62 =	vmul.f32 v59, v30;
	v1 =	vmul.f32 v58, v31  }
0x66: {  	v2 =	vmul.f32 v58, v45;
	v23 =	vbroadcast v3, $0x1  }
0x67: {  	v55 =	vmul.f32 v59, v60;
	v41 =	vmul.f32 v63, v41  }
0x68: {  	v31 =	vmul.f32 v63, v40;
	v18 =	vmul.f32 v61, v18  }
0x69: {  	v37 =	vmul.f32 v14, v37;
	v30 =	vbroadcast v6, $0xB  }
0x6a: {  	v0 =	vmul.f32 v36, v20;
	v45 =	vmul.f32 v61, v5;
	v5 =	vld [tilespmem:s24+$0xFFFFFFC0]  }
0x6b: {  	v32 =	vmul.f32 v42, v24;
	v24 =	vbroadcast v6, $0x9  }
0x6c: {  	v56 =	vmul.f32 v59, v23;
	v23 =	vbroadcast v7, $0x2  }
0x6d: {  	v36 =	vmul.f32 v61, v35;
	v35 =	vld [tilespmem:s24+$0xFFFFFFE0];
	[tilespmem:$0x1FFA0] =	vst v0;
	v0 =	vmul.f32 v42, v25  }
0x6e: {  	v58 =	vimm.f32 $0.0e+00;
	v53 =	vmul.f32 v63, v24;
	v63 =	vld [tilespmem:s24+$0xFFFFFFD0];
	v14 =	vmul.f32 v14, v23  }
0x6f: {  	v15 =	vadd.f32 v15, v58;
	v23 =	vbroadcast v6, $0xC;
	v57 =	vmul.f32 v5, v10  }
0x70: {  	v10 =	vbroadcast v3, $0xC;
	v42 =	vmul.f32 v5, v30  }
0x71: {  	v15 =	vadd.f32 v55, v15;
	v44 =	vmul.f32 v5, v8;
	v8 =	vbroadcast v7, $0xC  }
0x72: {  	s25 =	simm.s32 $0x10;
	v3 =	vbroadcast v3, $0xE;
	v43 =	vmul.f32 v35, v52  }
0x73: {  	[tilespmem:$0x1FFB0] =	vst v2;
	v14 =	vadd.f32 v14, v15;
	v5 =	vld [tilespmem:s25+$0x15B00];
	v59 =	vmul.f32 v63, v23;
	v2 =	vmul.f32 v63, v10  }
0x74: {  	v10 =	vadd.f32 v12, v58;
	v12 =	vbroadcast v6, $0xD;
	v40 =	vmul.f32 v63, v8  }
0x75: {  	v7 =	vld [tilespmem:s25+$0x15A80];
	v8 =	vbroadcast v6, $0xE;
	v63 =	vmul.f32 v9, v28  }
0x76: {  	v14 =	vadd.f32 v19, v14;
	v9 =	vmul.f32 v9, v11;
	v46 =	vmul.f32 v26, v3  }
0x77: {  	v11 =	vadd.f32 v16, v58;
	[tilespmem:$0x1FFC0] =	vst v2;
	v60 =	vmul.f32 v35, v12;
	v2 =	vmul.f32 v35, v22  }
0x78: {  	v10 =	vadd.f32 v62, v10;
	v62 =	vmul.f32 v26, v8;
	v12 =	vbroadcast v5, $0x2  }
0x79: {  	s26 =	simm.s32 $0x16170;
	v6 =	vld [tilespmem:s25+$0x15AC0];
	v11 =	vadd.f32 v56, v11;
	v47 =	vbroadcast v5, $0xB;
	v16 =	vbroadcast v5, $0x0  }
0x7a: {  	v58 =	vld [tilespmem:s26+$0xFFFFFF30];
	v55 =	vbroadcast v7, $0xB;
	v28 =	vbroadcast v7, $0x3;
	v8 =	vadd.f32 v37, v10  }
0x7b: {  	v56 =	vadd.f32 v48, v14;
	v22 =	vbroadcast v5, $0x4;
	v25 =	vbroadcast v7, $0x0  }
0x7c: {  	v48 =	vbroadcast v7, $0x8;
	v20 =	vbroadcast v7, $0x7;
	v3 =	vadd.f32 v33, v8  }
0x7d: {  	v26 =	vld [tilespmem:s26+$0xFFFFFF50];
	v24 =	vbroadcast v5, $0x9;
	[tilespmem:$0x1FFD0] =	vst v2;
	v2 =	vbroadcast v7, $0xA  }
0x7e: {  	v27 =	vadd.f32 v27, v11;
	v61 =	vbroadcast v6, $0x8;
	v3 =	vadd.f32 v21, v3  }
0x7f: {  	v37 =	vld [tilespmem:s26+$0xFFFFFF10];
	v12 =	vmul.f32 v58, v12;
	v30 =	vbroadcast v6, $0x2  }
0x80: {  	v19 =	vadd.f32 v39, v27;
	v27 =	vbroadcast v6, $0x7;
	v3 =	vadd.f32 v50, v3  }
0x81: {  	v39 =	vbroadcast v6, $0x1;
	v21 =	vbroadcast v6, $0x0  }
0x82: {  	v8 =	vld [tilespmem:s26+$0x0];
	v19 =	vadd.f32 v13, v19;
	v13 =	vmul.f32 v26, v22;
	v3 =	vadd.f32 v0, v3  }
0x83: {  	v33 =	vld [tilespmem:s26+$0xFFFFFF60];
	v22 =	vadd.f32 v49, v56;
	v49 =	vbroadcast v6, $0x3;
	v56 =	vbroadcast v6, $0x6  }
0x84: {  	v16 =	vmul.f32 v37, v16;
	v50 =	vmul.f32 v37, v21;
	v3 =	vadd.f32 v29, v3  }
0x85: {  	v21 =	vbroadcast v7, $0xF;
	v23 =	vadd.f32 v17, v19;
	v19 =	vadd.f32 v51, v22  }
0x86: {  	v51 =	vbroadcast v5, $0x3;
	v22 =	vbroadcast v6, $0x5;
	v0 =	vld [tilespmem:s26+$0xFFFFFF40];
	v3 =	vadd.f32 v34, v3  }
0x87: {  	v11 =	vmul.f32 v8, v21;
	v21 =	vbroadcast v5, $0x5  }
0x88: {  	v38 =	vadd.f32 v38, v19;
	v35 =	vmul.f32 v33, v22;
	v3 =	vadd.f32 v53, v3  }
0x89: {  	v17 =	vld [tilespmem:s26+$0xFFFFFF70];
	v14 =	vmul.f32 v33, v21;
	v21 =	vbroadcast v7, $0x5  }
0x8a: {  	v22 =	vadd.f32 v1, v38;
	v38 =	vbroadcast v7, $0x9;
	v3 =	vadd.f32 v45, v3  }
0x8b: {  	v29 =	vld [tilespmem:s26+$0xFFFFFF80];
	v19 =	vmul.f32 v33, v21;
	v28 =	vmul.f32 v0, v28  }
0x8c: {  	v3 =	vadd.f32 v42, v3;
	v42 =	vmul.f32 v0, v51;
	v51 =	vmul.f32 v0, v49;
	v0 =	vld [tilespmem:$0x1FFA0]  }
0x8d: {  	v21 =	vbroadcast v7, $0x6;
	v34 =	vbroadcast v5, $0x6  }
0x8e: {  	v33 =	vbroadcast v5, $0x7;
	v41 =	vadd.f32 v41, v22;
	v22 =	vmul.f32 v17, v56  }
0x8f: {  	v23 =	vadd.f32 v32, v23;
	v56 =	vbroadcast v6, $0x4;
	v1 =	vmul.f32 v17, v34  }
0x90: {  	v21 =	vmul.f32 v17, v21;
	v53 =	vbroadcast v7, $0x4;
	v34 =	vld [tilespmem:s26+$0xFFFFFF90]  }
0x91: {  	v27 =	vmul.f32 v29, v27;
	[tilespmem:$0x1FF80] =	vst v1;
	v1 =	vmul.f32 v29, v33;
	v23 =	vadd.f32 v0, v23;
	v0 =	vld [tilespmem:$0x1FFB0]  }
0x92: {  	v41 =	vadd.f32 v18, v41;
	v33 =	vmul.f32 v26, v53;
	v45 =	vmul.f32 v26, v56;
	v56 =	vld [tilespmem:s26+$0xFFFFFF20]  }
0x93: {  	v26 =	vmul.f32 v29, v20;
	v20 =	vbroadcast v5, $0x8  }
0x94: {  	v53 =	vmul.f32 v37, v25;
	v25 =	vbroadcast v7, $0x1;
	[tilespmem:$0x1FF90] =	vst v1;
	v1 =	vadd.f32 v57, v41;
	v41 =	vld [tilespmem:s26+$0xFFFFFFA0]  }
0x95: {  	v29 =	vmul.f32 v34, v61;
	v37 =	vmul.f32 v34, v48;
	v3 =	vadd.f32 v59, v3  }
0x96: {  	v17 =	vmul.f32 v34, v20;
	v59 =	vbroadcast v5, $0x1;
	v23 =	vadd.f32 v0, v23  }
0x97: {  	v48 =	vbroadcast v6, $0x9;
	v49 =	vmul.f32 v56, v39;
	v3 =	vadd.f32 v60, v3  }
0x98: {  	v61 =	vmul.f32 v56, v25;
	v59 =	vmul.f32 v56, v59;
	v23 =	vadd.f32 v31, v23;
	v31 =	vld [tilespmem:s26+$0xFFFFFFB0]  }
0x99: {  	v60 =	vbroadcast v6, $0xA;
	v34 =	vmul.f32 v41, v48;
	v3 =	vadd.f32 v62, v3  }
0x9a: {  	v25 =	vmul.f32 v41, v24;
	v24 =	vbroadcast v7, $0x2;
	v0 =	vld [tilespmem:s26+$0xFFFFFFC0]  }
0x9b: {  	v39 =	vmul.f32 v41, v38;
	v62 =	vadd.f32 v63, v3;
	v63 =	vmul.f32 v58, v30  }
0x9c: {  	v3 =	vmul.f32 v58, v24;
	v30 =	vbroadcast v5, $0xA  }
0x9d: {  	v38 =	vmul.f32 v31, v60;
	v41 =	vmul.f32 v31, v2  }
0x9e: {  	v58 =	vadd.f32 v40, v1;
	v1 =	vld [tilespmem:$0x1FFC0];
	v30 =	vmul.f32 v31, v30;
	v31 =	vbroadcast v6, $0xB  }
0x9f: {  	v56 =	vadd.f32 v50, v62;
	v23 =	vadd.f32 v36, v23;
	v40 =	vmul.f32 v0, v55  }
0xa0: {  	v32 =	vadd.f32 v43, v58;
	v43 =	vmul.f32 v0, v31;
	v31 =	vmul.f32 v0, v47;
	v0 =	vld [tilespmem:$0x1FFD0]  }
0xa1: {  	v24 =	vld [tilespmem:s26+$0xFFFFFFF0];
	v23 =	vadd.f32 v44, v23  }
0xa2: {  	v48 =	vld [tilespmem:s26+$0xFFFFFFD0];
	v44 =	vadd.f32 v49, v56  }
0xa3: {  	v52 =	vbroadcast v5, $0xF;
	v15 =	vbroadcast v5, $0xD;
	v23 =	vadd.f32 v1, v23  }
0xa4: {  	v50 =	vbroadcast v7, $0xC;
	v60 =	vbroadcast v7, $0xE;
	v55 =	vadd.f32 v63, v44  }
0xa5: {  	v63 =	vbroadcast v6, $0xC;
	v62 =	vadd.f32 v0, v23;
	v0 =	vbroadcast v5, $0xC  }
0xa6: {  	v57 =	vadd.f32 v54, v32;
	v36 =	vbroadcast v6, $0xF;
	v10 =	vmul.f32 v24, v60  }
0xa7: {  	s17 =	simm.s32 $0x80;
	s18 =	simm.s32 $0x16270;
	v49 =	vld [tilespmem:s26+$0xFFFFFFE0];
	v44 =	vmul.f32 v48, v63;
	v46 =	vadd.f32 v46, v62;
	v32 =	vmul.f32 v48, v0  }
.LBB2_2:
0xa8: {  	_ =	sdelay $0x3  }
0xa9: {  	[tilespmem:$0x1FF40] =	vst v10;
	v56 =	vbroadcast v6, $0xE;
	v10 =	vadd.f32 v9, v46  }
0xaa: {  	v9 =	vadd.f32 v4, v57  }
0xab: {  	v1 =	vadd.f32 v16, v10;
	v16 =	vmul.f32 v49, v15;
	v15 =	vmul.f32 v24, v56;
	_ =	sdelay $0x1  }
0xac: {  	s19 =	sshra.s32 s17, $0x2;
	v58 =	vld [tilespmem:s18+$0x0];
	[tilespmem:$0x1FEE0] =	vst v15;
	v15 =	vadd.f32 v53, v9  }
0xad: {  	v60 =	vbroadcast v5, $0xE;
	v5 =	vld [tilespmem:s19+$0x15B00]  }
0xae: {  	v63 =	vbroadcast v7, $0xD;
	v7 =	vld [tilespmem:s19+$0x15A80];
	v15 =	vadd.f32 v61, v15  }
0xaf: {  	v47 =	vbroadcast v6, $0xD;
	v0 =	vmov v11;
	v11 =	vadd.f32 v51, v55;
	v6 =	vld [tilespmem:s19+$0x15AC0]  }
0xb0: {  	v2 =	vmul.f32 v8, v52;
	[tilespmem:$0x1FF60] =	vst v0;
	v0 =	vmul.f32 v49, v63;
	v3 =	vadd.f32 v3, v15  }
0xb1: {  	v20 =	vmul.f32 v48, v50;
	v11 =	vadd.f32 v45, v11;
	v18 =	vmul.f32 v49, v47  }
0xb2: {  	v10 =	vmul.f32 v8, v36;
	[tilespmem:$0x1FF10] =	vst v0;
	v0 =	vmul.f32 v24, v60;
	v3 =	vadd.f32 v28, v3  }
0xb3: {  	v35 =	vadd.f32 v35, v11;
	v36 =	vbroadcast v5, $0x2;
	v11 =	vbroadcast v7, $0xF  }
0xb4: {  	v8 =	vmovc v58;
	v63 =	vbroadcast v6, $0x0;
	v45 =	vbroadcast v7, $0x3;
	v3 =	vadd.f32 v33, v3  }
0xb5: {  	[tilespmem:$0x1FF70] =	vst v0;
	v0 =	vbroadcast v5, $0xB;
	v49 =	vmul.f32 v8, v11;
	v11 =	vld [tilespmem:s18+$0xFFFFFF80]  }
0xb6: {  	[tilespmem:$0x1FF50] =	vst v2;
	v54 =	vbroadcast v5, $0x4;
	v1 =	vadd.f32 v59, v1;
	v3 =	vadd.f32 v19, v3  }
0xb7: {  	v2 =	vbroadcast v7, $0x0;
	v4 =	vbroadcast v6, $0x7;
	[tilespmem:$0x1FF20] =	vst v0;
	v0 =	vld [tilespmem:s18+$0xFFFFFF60];
	v19 =	vadd.f32 v22, v35  }
0xb8: {  	v1 =	vadd.f32 v12, v1;
	v3 =	vadd.f32 v21, v3;
	v21 =	vbroadcast v5, $0x7  }
0xb9: {  	v56 =	vbroadcast v7, $0xE;
	v28 =	vbroadcast v5, $0x5;
	v19 =	vadd.f32 v27, v19  }
0xba: {  	v23 =	vmovc v17;
	v1 =	vadd.f32 v42, v1;
	v42 =	vld [tilespmem:s18+$0xFFFFFF70];
	v17 =	vmul.f32 v11, v21;
	v21 =	vbroadcast v7, $0x5  }
0xbb: {  	v51 =	vld [tilespmem:s18+$0xFFFFFF40];
	v52 =	vbroadcast v6, $0x2;
	v27 =	vadd.f32 v29, v19;
	v29 =	vbroadcast v6, $0x5  }
0xbc: {  	[tilespmem:$0x1FF00] =	vst v20;
	v20 =	vmul.f32 v0, v28;
	v19 =	vmul.f32 v0, v21  }
0xbd: {  	v59 =	vld [tilespmem:s18+$0xFFFFFF50];
	v1 =	vadd.f32 v13, v1;
	v35 =	vmul.f32 v0, v29;
	v0 =	vbroadcast v5, $0x6  }
0xbe: {  	[tilespmem:$0x1FF30] =	vst v16;
	v16 =	vbroadcast v5, $0x0;
	v53 =	vbroadcast v6, $0x8  }
0xbf: {  	v1 =	vadd.f32 v14, v1;
	v27 =	vadd.f32 v34, v27;
	v29 =	vld [tilespmem:$0x1FF80];
	v0 =	vmul.f32 v42, v0  }
0xc0: {  	v62 =	vld [tilespmem:s18+$0xFFFFFF10];
	v28 =	vmul.f32 v51, v45;
	v45 =	vbroadcast v7, $0x4;
	v3 =	vadd.f32 v26, v3  }
0xc1: {  	v14 =	vbroadcast v7, $0x7;
	v26 =	vbroadcast v6, $0x4;
	v27 =	vadd.f32 v38, v27;
	[tilespmem:$0x1FF80] =	vst v0;
	v0 =	vld [tilespmem:s18+$0xFFFFFFA0]  }
0xc2: {  	[tilespmem:$0x1FEF0] =	vst v10;
	v10 =	vbroadcast v7, $0x8;
	v33 =	vmul.f32 v59, v45;
	v3 =	vadd.f32 v37, v3  }
0xc3: {  	v24 =	vld [tilespmem:s18+$0xFFFFFFF0];
	v45 =	vmul.f32 v59, v26;
	v26 =	vmul.f32 v11, v14;
	v14 =	vadd.f32 v43, v27  }
0xc4: {  	v27 =	vmul.f32 v11, v4;
	v11 =	vbroadcast v6, $0x9;
	v1 =	vadd.f32 v29, v1;
	v29 =	vld [tilespmem:$0x1FF90]  }
0xc5: {  	[tilespmem:$0x1FED0] =	vst v18;
	v48 =	vmul.f32 v62, v16;
	v16 =	vbroadcast v5, $0x9;
	v3 =	vadd.f32 v39, v3;
	v39 =	vld [tilespmem:s18+$0xFFFFFF90]  }
0xc6: {  	v15 =	vbroadcast v5, $0x3;
	v34 =	vmul.f32 v0, v11;
	v11 =	vld [tilespmem:$0x1FED0]  }
0xc7: {  	v18 =	vmul.f32 v59, v54;
	v54 =	vbroadcast v7, $0x9  }
0xc8: {  	v13 =	vmul.f32 v24, v56;
	v37 =	vbroadcast v7, $0x6  }
0xc9: {  	v56 =	vbroadcast v5, $0x8;
	v14 =	vadd.f32 v44, v14;
	v1 =	vadd.f32 v29, v1  }
0xca: {  	v57 =	vld [tilespmem:s18+$0xFFFFFF20];
	v22 =	vbroadcast v6, $0x6;
	v21 =	vmul.f32 v42, v37  }
0xcb: {  	v37 =	vmul.f32 v39, v10;
	v29 =	vmovc v17;
	v1 =	vadd.f32 v23, v1;
	v11 =	vadd.f32 v11, v14;
	v14 =	vld [tilespmem:$0x1FEE0]  }
0xcc: {  	v17 =	vmul.f32 v39, v56;
	[tilespmem:$0x1FF90] =	vst v29;
	v29 =	vmul.f32 v39, v53  }
0xcd: {  	v39 =	vmul.f32 v0, v54;
	v1 =	vadd.f32 v25, v1;
	v25 =	vmul.f32 v0, v16;
	v0 =	vld [tilespmem:$0x1FEF0]  }
0xce: {  	v9 =	vbroadcast v6, $0x1;
	v61 =	vbroadcast v6, $0x3  }
0xcf: {  	v22 =	vmul.f32 v42, v22;
	v42 =	vmul.f32 v51, v15;
	v15 =	vld [tilespmem:s18+$0xFFFFFFB0]  }
0xd0: {  	v60 =	vmul.f32 v62, v63;
	v9 =	vmul.f32 v57, v9;
	v11 =	vadd.f32 v14, v11;
	v14 =	vld [tilespmem:$0x1FF00]  }
0xd1: {  	v55 =	vld [tilespmem:s18+$0xFFFFFF30];
	v51 =	vmul.f32 v51, v61;
	v3 =	vadd.f32 v41, v3;
	v4 =	vbroadcast v7, $0x1  }
0xd2: {  	v53 =	vmul.f32 v62, v2;
	v2 =	vbroadcast v6, $0xA;
	v0 =	vadd.f32 v0, v11  }
0xd3: {  	v3 =	vadd.f32 v40, v3;
	v61 =	vmul.f32 v57, v4;
	v1 =	vadd.f32 v30, v1  }
0xd4: {  	v10 =	vbroadcast v5, $0x1;
	v38 =	vmul.f32 v15, v2;
	v2 =	vld [tilespmem:s18+$0xFFFFFFC0];
	v0 =	vadd.f32 v60, v0  }
0xd5: {  	v4 =	vbroadcast v7, $0x2;
	v1 =	vadd.f32 v31, v1;
	v31 =	vadd.f32 v14, v3;
	v14 =	vmovc v20;
	v20 =	vld [tilespmem:$0x1FF20]  }
0xd6: {  	v59 =	vmul.f32 v57, v10;
	v10 =	vmul.f32 v55, v52;
	v0 =	vadd.f32 v9, v0;
	v9 =	vld [tilespmem:$0x1FF10];
	_ =	sdelay $0x1  }
0xd7: {  	v46 =	vmul.f32 v55, v36;
	v3 =	vmul.f32 v55, v4;
	v55 =	vadd.f32 v10, v0;
	v0 =	vld [tilespmem:$0x1FF40];
	_ =	sdelay $0x1  }
0xd8: {  	v50 =	vbroadcast v5, $0xF;
	v58 =	vbroadcast v7, $0xB  }
0xd9: {  	v63 =	vbroadcast v7, $0xA;
	v9 =	vadd.f32 v9, v31;
	v31 =	vmul.f32 v2, v20;
	v20 =	vld [tilespmem:$0x1FF30]  }
0xda: {  	v47 =	vbroadcast v5, $0xD;
	v36 =	vbroadcast v6, $0xF;
	v16 =	vmov v48;
	v48 =	vld [tilespmem:s18+$0xFFFFFFD0]  }
0xdb: {  	p0 =	sne.s32 s17, $0xC0;
	v12 =	vbroadcast v5, $0xA;
	v41 =	vmul.f32 v15, v63;
	v57 =	vadd.f32 v0, v9;
	v0 =	vld [tilespmem:$0x1FF70]  }
.Ltmp0:
0xdc: {  	v52 =	vmovc v50;
	v50 =	vbroadcast v7, $0xC;
	v23 =	vbroadcast v6, $0xB;
	v1 =	vadd.f32 v32, v1;
	(pc) =	sbr.rel @p0 .LBB2_2-.Ltmp0, $4  }
0xdd: {  	v40 =	vmul.f32 v2, v58;
	v4 =	vbroadcast v5, $0xC  }
0xde: {  	v43 =	vmul.f32 v2, v23;
	v11 =	vmovc v49;
	v49 =	vld [tilespmem:s18+$0xFFFFFFE0];
	v2 =	vbroadcast v6, $0xC;
	v1 =	vadd.f32 v20, v1  }
0xdf: {  	v30 =	vmul.f32 v15, v12;
	v15 =	vmov v47;
	v32 =	vmul.f32 v48, v4;
	v4 =	vld [tilespmem:$0x1FF60]  }
0xe0: {  	s17 =	sadd.s32 $0x40, s17;
	v12 =	vmovc v46;
	s18 =	sadd.s32 $0x100, s18;
	v10 =	vmovc v13;
	v13 =	vmov v18;
	v9 =	vld [tilespmem:$0x1FF50];
	v44 =	vmul.f32 v48, v2;
	v46 =	vadd.f32 v0, v1  }
0xe1: {  	_ =	sdelay $0x3  }
0xe2: {  	v0 =	vadd.f32 v9, v46;
	_ =	sdelay $0x1  }
0xe3: {  	v0 =	vadd.f32 v16, v0  }
0xe4: {  	v1 =	vadd.f32 v4, v57  }
0xe5: {  	v0 =	vadd.f32 v59, v0  }
0xe6: {  	v1 =	vadd.f32 v53, v1  }
0xe7: {  	v0 =	vadd.f32 v12, v0  }
0xe8: {  	v1 =	vadd.f32 v61, v1  }
0xe9: {  	v0 =	vadd.f32 v42, v0  }
0xea: {  	v1 =	vadd.f32 v3, v1;
	v3 =	vld [tilespmem:$0x1FF80]  }
0xeb: {  	v2 =	vadd.f32 v51, v55;
	v0 =	vadd.f32 v13, v0  }
0xec: {  	v1 =	vadd.f32 v28, v1  }
0xed: {  	v2 =	vadd.f32 v45, v2;
	v0 =	vadd.f32 v14, v0  }
0xee: {  	v1 =	vadd.f32 v33, v1  }
0xef: {  	v2 =	vadd.f32 v35, v2;
	v0 =	vadd.f32 v3, v0;
	v3 =	vld [tilespmem:$0x1FF90]  }
0xf0: {  	v1 =	vadd.f32 v19, v1  }
0xf1: {  	v2 =	vadd.f32 v22, v2  }
0xf2: {  	v1 =	vadd.f32 v21, v1  }
0xf3: {  	v2 =	vadd.f32 v27, v2  }
0xf4: {  	v1 =	vadd.f32 v26, v1;
	v0 =	vadd.f32 v3, v0  }
0xf5: {  	v2 =	vadd.f32 v29, v2  }
0xf6: {  	v1 =	vadd.f32 v37, v1;
	v0 =	vadd.f32 v17, v0  }
0xf7: {  	v2 =	vadd.f32 v34, v2  }
0xf8: {  	v7 =	vbroadcast v7, $0xD;
	v1 =	vadd.f32 v39, v1;
	v0 =	vadd.f32 v25, v0  }
0xf9: {  	v2 =	vadd.f32 v38, v2  }
0xfa: {  	v7 =	vmul.f32 v49, v7;
	v1 =	vadd.f32 v41, v1;
	v0 =	vadd.f32 v30, v0  }
0xfb: {  	v4 =	vbroadcast v5, $0xE;
	v2 =	vadd.f32 v43, v2;
	v3 =	vbroadcast v6, $0xD  }
0xfc: {  	v5 =	vmul.f32 v48, v50;
	v1 =	vadd.f32 v40, v1;
	v0 =	vadd.f32 v31, v0  }
0xfd: {  	v2 =	vadd.f32 v44, v2;
	v6 =	vbroadcast v6, $0xE;
	v3 =	vmul.f32 v49, v3  }
0xfe: {  	v9 =	vmul.f32 v49, v15;
	v1 =	vadd.f32 v5, v1;
	v0 =	vadd.f32 v32, v0  }
0xff: {  	v2 =	vadd.f32 v3, v2;
	v5 =	vmul.f32 v24, v6  }
0x100: {  	v3 =	vmul.f32 v24, v4;
	v1 =	vadd.f32 v7, v1;
	v0 =	vadd.f32 v9, v0  }
0x101: {  	v4 =	vmul.f32 v8, v36;
	v2 =	vadd.f32 v5, v2  }
0x102: {  	v5 =	vmul.f32 v8, v52;
	v1 =	vadd.f32 v10, v1;
	v0 =	vadd.f32 v3, v0  }
0x103: {  	v4 =	vadd.f32 v4, v2  }
0x104: {  	s17 =	simm.s32 $0x0;
	s18 =	simm.s32 $0x200;
	v6 =	vadd.f32 v11, v1;
	v9 =	vimm.s32 $0x0;
	v5 =	vadd.f32 v5, v0  }
.LBB2_4:
0x105: {  	p0 =	sne.s32 s18, $0xFE00;
	[tilespmem:s17+$0xF070] =	vst v9  }
0x106: {  	[tilespmem:s17+$0xF000] =	vst v9  }
0x107: {  	[tilespmem:s17+$0xF010] =	vst v9  }
.Ltmp1:
0x108: {  	[tilespmem:s17+$0xF020] =	vst v9;
	(pc) =	sbr.rel @p0 .LBB2_4-.Ltmp1, $4  }
0x109: {  	[tilespmem:s17+$0xF030] =	vst v9  }
0x10a: {  	[tilespmem:s17+$0xF040] =	vst v9  }
0x10b: {  	[tilespmem:s17+$0xF050] =	vst v9  }
0x10c: {  	[tilespmem:s17+$0xF060] =	vst v9;
	s17 =	sshra.s32 s18, $0x2;
	s18 =	sadd.s32 $0x200, s18  }
0x10d: {  	[tilespmem:s17+$0xF070] =	vst v9  }
0x10e: {  	[tilespmem:s17+$0xF000] =	vst v9  }
0x10f: {  	[tilespmem:s17+$0xF010] =	vst v9  }
0x110: {  	[tilespmem:s17+$0xF020] =	vst v9  }
0x111: {  	[tilespmem:s17+$0xF030] =	vst v9;
	v61 =	vld [tilespmem:$0x1FFE0]  }
0x112: {  	[tilespmem:s17+$0xF040] =	vst v9  }
0x113: {  	[tilespmem:s17+$0xF050] =	vst v9  }
0x114: {  	[tilespmem:s17+$0xF060] =	vst v9;
	s19 =	simm.s32 $0x5;
	v62 =	vld [tilespmem:$0x1FFF0];
	v12 =	vimm.s32 $0x1  }
.LBB2_6:
0x115: {  	s17 =	sadd.s32 $0xFFFFFFFB, s19  }
0x116: {  	v0 =	vmov s17;
	v1 =	vadd.s32 s17, v61  }
0x117: {  	v1 =	vand.u32 $0x7F80, v1;
	v0 =	vand.u32 $0x7E, v0  }
0x118: {  	v0 =	vor.u32 v0, v1;
	_ =	sdelay $0x3  }
0x119: {  	s17 =	simm.s32 $0x0  }
0x11a: {  	v0 =	vld.idx.msk [tilespmem:v0+s17+$0x0], $0xffff;
	_ =	sdelay $0x4  }
0x11b: {  	s18 =	sadd.s32 $0xFFFFFFFC, s19;
	v0 =	vadd.s32 v62, v0  }
0x11c: {  	v56 =	vadd.s32 s18, v61;
	_ =	sdelay $0x2  }
0x11d: {  	s18 =	simm.s32 $0xF000  }
0x11e: {  	[tilespmem:v0+s18+$0x0] =	vst.idx.add.s32.msk $0xffff, v12  }
0x11f: {  	v0 =	vld.idx.msk [tilespmem:v56+s17+$0x0], $0xffff;
	_ =	sdelay $0x2  }
0x120: {  	s23 =	sadd.s32 $0xFFFFFFFD, s19  }
0x121: {  	v57 =	vmov s23;
	v2 =	vadd.s32 s23, v61  }
0x122: {  	v2 =	vand.u32 $0x7F80, v2;
	v1 =	vand.u32 $0x7E, v57;
	v0 =	vadd.s32 v62, v0  }
0x123: {  	v1 =	vor.u32 v1, v2;
	_ =	sdelay $0x3  }
0x124: {  	[tilespmem:v0+s18+$0x0] =	vst.idx.add.s32.msk $0xffff, v12  }
0x125: {  	v0 =	vld.idx.msk [tilespmem:v1+s17+$0x0], $0xffff;
	_ =	sdelay $0x4  }
0x126: {  	s25 =	sadd.s32 $0xFFFFFFFE, s19;
	v0 =	vadd.s32 v62, v0  }
0x127: {  	v58 =	vadd.s32 s25, v61;
	_ =	sdelay $0x3  }
0x128: {  	[tilespmem:v0+s18+$0x0] =	vst.idx.add.s32.msk $0xffff, v12  }
0x129: {  	v0 =	vld.idx.msk [tilespmem:v58+s17+$0x0], $0xffff;
	_ =	sdelay $0x2  }
0x12a: {  	s26 =	sadd.s32 $0xFFFFFFFF, s19  }
0x12b: {  	v59 =	vmov s26;
	v60 =	vadd.s32 s26, v61  }
0x12c: {  	v2 =	vand.u32 $0x7F80, v60;
	v1 =	vand.u32 $0x7E, v59;
	v0 =	vadd.s32 v62, v0  }
0x12d: {  	v1 =	vor.u32 v1, v2;
	_ =	sdelay $0x3  }
0x12e: {  	[tilespmem:v0+s18+$0x0] =	vst.idx.add.s32.msk $0xffff, v12  }
0x12f: {  	v0 =	vld.idx.msk [tilespmem:v1+s17+$0x0], $0xffff;
	_ =	sdelay $0x4  }
0x130: {  	v0 =	vadd.s32 v62, v0  }
0x131: {  	v63 =	vadd.s32 s19, v61;
	_ =	sdelay $0x3  }
0x132: {  	[tilespmem:v0+s18+$0x0] =	vst.idx.add.s32.msk $0xffff, v12  }
0x133: {  	v0 =	vld.idx.msk [tilespmem:v63+s17+$0x0], $0xffff;
	_ =	sdelay $0x4  }
0x134: {  	p0 =	sne.s32 s19, $0x2FF;
	v0 =	vadd.s32 v62, v0  }
.Ltmp2:
0x135: {  	_ = 	snop;
	(pc) =	sbr.rel @p0 .LBB2_6-.Ltmp2, $2  }
0x136: {  	_ =	sdelay $0x2  }
0x137: {  	s19 =	sadd.s32 $0x6, s19;
	[tilespmem:v0+s18+$0x0] =	vst.idx.add.s32.msk $0xffff, v12  }
0x138: {  	v0 =	vld [tilespmem:s18+$0x0];
	[tilespmem:s18+$0x0] =	vst v9;
	s24 =	sand.u32 $0x3F0, s17  }
0x139: {  	v1 =	vld [tilespmem:s24+$0xF400]  }
0x13a: {  	v2 =	vld [tilespmem:s24+$0xF800]  }
0x13b: {  	v3 =	vld [tilespmem:s24+$0xFC00]  }
0x13c: {  	v7 =	vld [tilespmem:s24+$0x10000]  }
0x13d: {  	v8 =	vld [tilespmem:s24+$0x10400]  }
0x13e: {  	[tilespmem:s24+$0xF400] =	vst v0;
	v0 =	vadd.s32 v0, v1;
	v1 =	vld [tilespmem:s24+$0x10800]  }
0x13f: {  	[tilespmem:s24+$0xF800] =	vst v0;
	v0 =	vadd.s32 v0, v2;
	v2 =	vld [tilespmem:s24+$0x10C00]  }
0x140: {  	[tilespmem:s24+$0xFC00] =	vst v0;
	v0 =	vadd.s32 v0, v3;
	v3 =	vld [tilespmem:s24+$0x11000]  }
0x141: {  	[tilespmem:s24+$0x10000] =	vst v0;
	v0 =	vadd.s32 v0, v7;
	v7 =	vld [tilespmem:s24+$0x11400]  }
0x142: {  	[tilespmem:s24+$0x10400] =	vst v0;
	v0 =	vadd.s32 v0, v8;
	v8 =	vld [tilespmem:s24+$0x11800]  }
0x143: {  	[tilespmem:s24+$0x10800] =	vst v0;
	v0 =	vadd.s32 v0, v1;
	v1 =	vld [tilespmem:s24+$0x11C00]  }
0x144: {  	[tilespmem:s24+$0x10C00] =	vst v0;
	v0 =	vadd.s32 v0, v2;
	v2 =	vld [tilespmem:s24+$0x12000]  }
0x145: {  	[tilespmem:s24+$0x11000] =	vst v0;
	v0 =	vadd.s32 v0, v3;
	v3 =	vld [tilespmem:s24+$0x12400]  }
0x146: {  	[tilespmem:s24+$0x11400] =	vst v0;
	v0 =	vadd.s32 v0, v7;
	v7 =	vld [tilespmem:s24+$0x12800]  }
0x147: {  	[tilespmem:s24+$0x11800] =	vst v0;
	v0 =	vadd.s32 v0, v8;
	v8 =	vld [tilespmem:s24+$0x12C00]  }
0x148: {  	[tilespmem:s24+$0x11C00] =	vst v0;
	v0 =	vadd.s32 v0, v1  }
0x149: {  	[tilespmem:s24+$0x12000] =	vst v0;
	v0 =	vadd.s32 v0, v2  }
0x14a: {  	[tilespmem:s24+$0x12400] =	vst v0;
	v0 =	vadd.s32 v0, v3  }
0x14b: {  	[tilespmem:s24+$0x12800] =	vst v0;
	v0 =	vadd.s32 v0, v7  }
0x14c: {  	s19 =	simm.s32 $0x13000;
	s23 =	simm.s32 $0x10;
	[tilespmem:s24+$0x12C00] =	vst v0;
	v3 =	vadd.s32 v0, v8  }
.LBB2_8:
0x14d: {  	p0 =	sne.s32 s23, $0x3F0;
	[tilespmem:s19+$0x0] =	vst v3;
	s18 =	sadd.s32 $0x10, s18;
	s19 =	sadd.s32 $0x10, s19  }
0x14e: {  	s24 =	smov.u32 s23;
	s23 =	sadd.s32 $0x10, s23;
	v0 =	vld [tilespmem:s18+$0x0]  }
0x14f: {  	s24 =	sand.u32 $0x3F0, s24;
	[tilespmem:s18+$0x0] =	vst v9  }
0x150: {  	v1 =	vld [tilespmem:s24+$0xF400]  }
0x151: {  	v2 =	vld [tilespmem:s24+$0xF800]  }
0x152: {  	v3 =	vld [tilespmem:s24+$0xFC00]  }
0x153: {  	[tilespmem:s24+$0xF400] =	vst v0;
	v7 =	vld [tilespmem:s24+$0x10000]  }
0x154: {  	v8 =	vld [tilespmem:s24+$0x10400]  }
0x155: {  	v0 =	vadd.s32 v0, v1;
	v1 =	vld [tilespmem:s24+$0x10800]  }
0x156: {  	[tilespmem:s24+$0xF800] =	vst v0;
	v0 =	vadd.s32 v0, v2;
	v2 =	vld [tilespmem:s24+$0x10C00]  }
0x157: {  	[tilespmem:s24+$0xFC00] =	vst v0;
	v0 =	vadd.s32 v0, v3;
	v3 =	vld [tilespmem:s24+$0x11000]  }
0x158: {  	[tilespmem:s24+$0x10000] =	vst v0;
	v0 =	vadd.s32 v0, v7;
	v7 =	vld [tilespmem:s24+$0x11400]  }
0x159: {  	[tilespmem:s24+$0x10400] =	vst v0;
	v0 =	vadd.s32 v0, v8;
	v8 =	vld [tilespmem:s24+$0x11800]  }
0x15a: {  	[tilespmem:s24+$0x10800] =	vst v0;
	v0 =	vadd.s32 v0, v1;
	v1 =	vld [tilespmem:s24+$0x11C00]  }
0x15b: {  	[tilespmem:s24+$0x10C00] =	vst v0;
	v0 =	vadd.s32 v0, v2;
	v2 =	vld [tilespmem:s24+$0x12000]  }
0x15c: {  	[tilespmem:s24+$0x11000] =	vst v0;
	v0 =	vadd.s32 v0, v3;
	v3 =	vld [tilespmem:s24+$0x12400]  }
0x15d: {  	[tilespmem:s24+$0x11400] =	vst v0;
	v0 =	vadd.s32 v0, v7;
	v7 =	vld [tilespmem:s24+$0x12800]  }
0x15e: {  	[tilespmem:s24+$0x11800] =	vst v0;
	v0 =	vadd.s32 v0, v8;
	v8 =	vld [tilespmem:s24+$0x12C00]  }
.Ltmp3:
0x15f: {  	[tilespmem:s24+$0x11C00] =	vst v0;
	v0 =	vadd.s32 v0, v1;
	(pc) =	sbr.rel @p0 .LBB2_8-.Ltmp3, $4  }
0x160: {  	[tilespmem:s24+$0x12000] =	vst v0;
	v0 =	vadd.s32 v0, v2  }
0x161: {  	[tilespmem:s24+$0x12400] =	vst v0;
	v0 =	vadd.s32 v0, v3  }
0x162: {  	[tilespmem:s24+$0x12800] =	vst v0;
	v0 =	vadd.s32 v0, v7  }
0x163: {  	[tilespmem:s24+$0x12C00] =	vst v0;
	v3 =	vadd.s32 v0, v8  }
0x164: {  	[tilespmem:s19+$0x0] =	vst v3;
	s23 =	simm.s32 $0x0  }
0x165: {  	s18 =	simm.s32 $0x10;
	v7 =	vld [tilespmem:s23+$0x13000]  }
0x166: {  	v3 =	vld [tilespmem:s18+$0x13000];
	_ =	sdelay $0x3  }
0x167: {  	(xrf0) =	vadd.scan.msk.s32 $0xffff, v7  }
0x168: {  	(xrf0) =	vadd.scan.msk.s32 $0xffff, v3;
	_ =	sdelay $0x4  }
0x169: {  	s19 =	simm.s32 $0x20;
	v11, _, _ =	vpop (xrf0)  }
0x16a: {  	v9 =	vld [tilespmem:s19+$0x13000];
	(v2sf) =	vpush v11, $0xF;
	v10, _, _ =	vpop (xrf0)  }
0x16b: {  	(v2sf) =	vpush v10, $0xF;
	_ =	sdelay $0x3  }
0x16c: {  	s24 =	simm.s32 $0x30;
	(xrf0) =	vadd.scan.msk.s32 $0xffff, v9  }
0x16d: {  	v8 =	vld [tilespmem:s24+$0x13000];
	_ =	sdelay $0x3  }
0x16e: {  	s25 =	simm.s32 $0x100  }
.LBB2_10:
0x16f: {  	s26 =	sshra.s32 s25, $0x2;
	p0 =	sne.s32 s25, $0xFC0;
	s25 =	sadd.s32 $0x40, s25;
	(xrf0) =	vadd.scan.msk.s32 $0xffff, v8;
	v0, _, _ =	vpop (xrf0);
	v1 =	vsub.s32 s17, v7;
	v7 =	vmov v3;
	v3 =	vmov v9  }
.Ltmp4:
0x170: {  	v9 =	vmovc v8;
	(v2sf) =	vpush v0, $0xF;
	v1 =	vadd.s32 v11, v1;
	v11 =	vmovc v10;
	v10 =	vmov v0;
	v8 =	vld [tilespmem:s26+$0x13000];
	(pc) =	sbr.rel @p0 .LBB2_10-.Ltmp4, $4  }
0x171: {  	[tilespmem:s23+$0x13400] =	vst v1;
	s23 =	smov.u32 s18;
	s18 =	smov.u32 s19;
	s19 =	smov.u32 s24  }
0x172: {  	s24 =	smov.u32 s26  }
0x173: {  	s26 =	spop (v2sf)  }
0x174: {  	s17 =	sadd.s32 s17, s26  }
0x175: {  	(xrf0) =	vadd.scan.msk.s32 $0xffff, v8;
	_ =	sdelay $0x1  }
0x176: {  	v0, _, _ =	vpop (xrf0)  }
0x177: {  	(v2sf) =	vpush v0, $0xF;
	_ =	sdelay $0x2  }
0x178: {  	v1, _, _ =	vpop (xrf0)  }
0x179: {  	(v2sf) =	vpush v1, $0xF;
	_ =	sdelay $0x8  }
0x17a: {  	s25 =	spop (v2sf)  }
0x17b: {  	v2 =	vsub.s32 s17, v7;
	s25 =	sadd.s32 s17, s25;
	s26 =	spop (v2sf)  }
0x17c: {  	v2 =	vadd.s32 v11, v2;
	v3 =	vsub.s32 s25, v3;
	s17 =	sadd.s32 s25, s26;
	s26 =	spop (v2sf)  }
0x17d: {  	[tilespmem:s23+$0x13400] =	vst v2;
	v59 =	vadd.s32 v10, v3;
	v3 =	vsub.s32 s17, v9;
	s17 =	sadd.s32 s17, s26  }
0x17e: {  	[tilespmem:s18+$0x13400] =	vst v59;
	v0 =	vadd.s32 v0, v3;
	v60 =	vsub.s32 s17, v8  }
0x17f: {  	[tilespmem:s19+$0x13400] =	vst v0;
	v63 =	vadd.s32 v1, v60  }
0x180: {  	s18 =	simm.s32 $0x5;
	[tilespmem:s24+$0x13400] =	vst v63;
	s26 =	spop (v2sf)  }
.LBB2_12:
0x181: {  	s17 =	sadd.s32 $0xFFFFFFFB, s18  }
0x182: {  	v0 =	vmov s17;
	v1 =	vadd.s32 s17, v61  }
0x183: {  	v2 =	vand.u32 $0x7F80, v1;
	v0 =	vand.u32 $0x7E, v0  }
0x184: {  	v0 =	vor.u32 v0, v2;
	_ =	sdelay $0x3  }
0x185: {  	s17 =	simm.s32 $0x0  }
0x186: {  	v0 =	vld.idx.msk [tilespmem:v0+s17+$0x0], $0xffff;
	_ =	sdelay $0x4  }
0x187: {  	v52 =	vadd.s32 v62, v0;
	_ =	sdelay $0x3  }
0x188: {  	v0 =	vld.idx.msk [tilespmem:v0+s29+$0x0], $0xffff  }
0x189: {  	v3 =	vld.idx.msk [tilespmem:v52+s30+$0x0], $0xffff;
	_ =	sdelay $0x4  }
0x18a: {  	v0 =	vadd.s32 v0, v3  }
0x18b: {  	s19 =	sadd.s32 $0xFFFFFFFC, s18  }
0x18c: {  	v3 =	vadd.s32 s19, v61;
	_ =	sdelay $0x2  }
0x18d: {  	[tilespmem:v0+s31+$0x0] =	vst.idx.msk $0xffff, v1  }
0x18e: {  	[tilespmem:v52+s30+$0x0] =	vst.idx.add.s32.msk $0xffff, v12  }
0x18f: {  	v0 =	vld.idx.msk [tilespmem:v3+s17+$0x0], $0xffff;
	_ =	sdelay $0x4  }
0x190: {  	v53 =	vadd.s32 v62, v0;
	_ =	sdelay $0x3  }
0x191: {  	v0 =	vld.idx.msk [tilespmem:v0+s29+$0x0], $0xffff  }
0x192: {  	v2 =	vld.idx.msk [tilespmem:v53+s30+$0x0], $0xffff;
	_ =	sdelay $0x3  }
0x193: {  	s24 =	sadd.s32 $0xFFFFFFFD, s18  }
0x194: {  	v54 =	vmov s24;
	v7 =	vadd.s32 s24, v61;
	v0 =	vadd.s32 v0, v2  }
0x195: {  	v8 =	vand.u32 $0x7F80, v7;
	v2 =	vand.u32 $0x7E, v54  }
0x196: {  	v2 =	vor.u32 v2, v8;
	_ =	sdelay $0x2  }
0x197: {  	[tilespmem:v0+s31+$0x0] =	vst.idx.msk $0xffff, v3  }
0x198: {  	[tilespmem:v53+s30+$0x0] =	vst.idx.add.s32.msk $0xffff, v12  }
0x199: {  	v0 =	vld.idx.msk [tilespmem:v2+s17+$0x0], $0xffff;
	_ =	sdelay $0x4  }
0x19a: {  	v55 =	vadd.s32 v62, v0;
	_ =	sdelay $0x3  }
0x19b: {  	v0 =	vld.idx.msk [tilespmem:v0+s29+$0x0], $0xffff  }
0x19c: {  	v56 =	vld.idx.msk [tilespmem:v55+s30+$0x0], $0xffff;
	_ =	sdelay $0x4  }
0x19d: {  	v0 =	vadd.s32 v0, v56  }
0x19e: {  	s25 =	sadd.s32 $0xFFFFFFFE, s18  }
0x19f: {  	v57 =	vadd.s32 s25, v61;
	_ =	sdelay $0x2  }
0x1a0: {  	[tilespmem:v0+s31+$0x0] =	vst.idx.msk $0xffff, v7  }
0x1a1: {  	[tilespmem:v55+s30+$0x0] =	vst.idx.add.s32.msk $0xffff, v12  }
0x1a2: {  	v0 =	vld.idx.msk [tilespmem:v57+s17+$0x0], $0xffff;
	_ =	sdelay $0x4  }
0x1a3: {  	v58 =	vadd.s32 v62, v0;
	_ =	sdelay $0x3  }
0x1a4: {  	v0 =	vld.idx.msk [tilespmem:v0+s29+$0x0], $0xffff  }
0x1a5: {  	v3 =	vld.idx.msk [tilespmem:v58+s30+$0x0], $0xffff;
	_ =	sdelay $0x3  }
0x1a6: {  	s26 =	sadd.s32 $0xFFFFFFFF, s18  }
0x1a7: {  	v7 =	vadd.s32 s26, v61;
	v0 =	vadd.s32 v0, v3;
	v3 =	vmov s26  }
0x1a8: {  	v8 =	vand.u32 $0x7F80, v7;
	v3 =	vand.u32 $0x7E, v3  }
0x1a9: {  	v3 =	vor.u32 v3, v8;
	_ =	sdelay $0x2  }
0x1aa: {  	[tilespmem:v0+s31+$0x0] =	vst.idx.msk $0xffff, v57  }
0x1ab: {  	[tilespmem:v58+s30+$0x0] =	vst.idx.add.s32.msk $0xffff, v12  }
0x1ac: {  	v0 =	vld.idx.msk [tilespmem:v3+s17+$0x0], $0xffff;
	_ =	sdelay $0x4  }
0x1ad: {  	v59 =	vadd.s32 v62, v0;
	_ =	sdelay $0x3  }
0x1ae: {  	v0 =	vld.idx.msk [tilespmem:v0+s29+$0x0], $0xffff  }
0x1af: {  	v2 =	vld.idx.msk [tilespmem:v59+s30+$0x0], $0xffff;
	_ =	sdelay $0x4  }
0x1b0: {  	v0 =	vadd.s32 v0, v2;
	_ =	sdelay $0x1  }
0x1b1: {  	v60 =	vadd.s32 s18, v61;
	_ =	sdelay $0x2  }
0x1b2: {  	[tilespmem:v0+s31+$0x0] =	vst.idx.msk $0xffff, v7  }
0x1b3: {  	[tilespmem:v59+s30+$0x0] =	vst.idx.add.s32.msk $0xffff, v12  }
0x1b4: {  	v0 =	vld.idx.msk [tilespmem:v60+s17+$0x0], $0xffff;
	_ =	sdelay $0x4  }
0x1b5: {  	v63 =	vadd.s32 v62, v0;
	_ =	sdelay $0x3  }
0x1b6: {  	v0 =	vld.idx.msk [tilespmem:v0+s29+$0x0], $0xffff  }
0x1b7: {  	v3 =	vld.idx.msk [tilespmem:v63+s30+$0x0], $0xffff;
	_ =	sdelay $0x4  }
0x1b8: {  	v0 =	vadd.s32 v0, v3  }
0x1b9: {  	p0 =	sne.s32 s18, $0x2FF  }
.Ltmp5:
0x1ba: {  	_ = 	snop;
	(pc) =	sbr.rel @p0 .LBB2_12-.Ltmp5, $3  }
0x1bb: {  	_ =	sdelay $0x1  }
0x1bc: {  	[tilespmem:v0+s31+$0x0] =	vst.idx.msk $0xffff, v60  }
0x1bd: {  	s18 =	sadd.s32 $0x6, s18;
	[tilespmem:v63+s30+$0x0] =	vst.idx.add.s32.msk $0xffff, v12  }
.Ltmp6:
0x1be: {  	(pc) =	sbr.rel .LBB2_14-.Ltmp6, $2  }
0x1bf: {  	_ =	sdelay $0x2  }
0x1c0: {  	s18 =	simm.s32 $0x0  }
.LBB2_15:
0x1c1: {  	v3 =	vimm.f32 $0.0e+00  }
.LBB2_28:
0x1c2: {  	s18 =	sadd.s32 $0x1, s18  }
0x1c3: {  	p0 =	sne.s32 s18, $0x18  }
.Ltmp7:
0x1c4: {  	_ = 	snop;
	(pc) =	sbr.rel @!p0 .LBB2_29-.Ltmp7, $4  }
0x1c5: {  	_ = 	snop  }
0x1c6: {  	[tilespmem:s19+$0x13E00] =	vst v8;
	v0 =	vcvt.s32.f32 v7  }
0x1c7: {  	[tilespmem:s19+$0x13F80] =	vst v3  }
0x1c8: {  	[tilespmem:s19+$0x14100] =	vst v0  }
.LBB2_14:
0x1c9: {  	s19 =	sshll.u32 s18, $0x4  }
0x1ca: {  	v0 =	vld [tilespmem:s19+$0x13800];
	_ =	sdelay $0x7  }
0x1cb: {  	v7 =	vld.idx.msk [tilespmem:v0+s2+$0x0], $0xffff;
	_ =	sdelay $0x4  }
0x1cc: {  	v1 =	vxor.u32 $0x80000000, v7  }
0x1cd: {  	(xrf0) =	vmax.scan.msk.u32 $0xffff, v1;
	_ =	sdelay $0x5  }
0x1ce: {  	v1, _, _ =	vpop (xrf0)  }
0x1cf: {  	(v2sf) =	vpush v1, $0xF;
	_ =	sdelay $0xd  }
0x1d0: {  	s23 =	sadd.s32 s6, s19  }
0x1d1: {  	s24 =	sand.u32 $0x70, s19;
	s23 =	sand.u32 $0x7F80, s23;
	s26 =	spop (v2sf)  }
0x1d2: {  	v12 =	vld [tilespmem:s19+$0x13980];
	s23 =	sor.u32 s24, s23;
	s24 =	sxor.u32 $0x80000000, s26  }
0x1d3: {  	v13 =	vld [tilespmem:s19+$0x13B00];
	p0 =	slt.s32 s24, $0x1  }
.Ltmp8:
0x1d4: {  	v9 =	vld [tilespmem:s23+$0x9000];
	(pc) =	sbr.rel @p0 .LBB2_15-.Ltmp8, $4  }
0x1d5: {  	v14 =	vld [tilespmem:s19+$0x13C80]  }
0x1d6: {  	v10 =	vld [tilespmem:s23+$0x3000]  }
0x1d7: {  	v11 =	vld [tilespmem:s23+$0x6000]  }
0x1d8: {  	v8 =	vimm.f32 $0.0e+00;
	v31 =	vld.idx.msk [tilespmem:v0+s29+$0x0], $0xffff  }
0x1d9: {  	_ = 	snop  }
0x1da: {  	p4 =	sne.s32 s24, $0x1  }
.Ltmp9:
0x1db: {  	_ = 	snop;
	(pc) =	sbr.rel @!p4 .LBB2_17-.Ltmp9, $4  }
0x1dc: {  	_ = 	snop  }
0x1dd: {  	v0 =	vadd.s32 s17, v31  }
0x1de: {  	s23 =	simm.s32 $0x1;
	p0 =	por $0x0, $0x0;
	vm0 =	vlt.s32 v0, $0x2FFF  }
0x1df: {  	p1 =	por $0x0, $0x0;
	p2 =	por $0x0, $0x0;
	p3 =	por $0x0, $0x0;
	v47 =	vnsel vm0, $0x2FFF, v0  }
0x1e0: {  	_ =	sdelay $0x3  }
0x1e1: {  	v0 =	vld.idx.msk [tilespmem:v47+s31+$0x0], $0xffff;
	_ =	sdelay $0x3  }
0x1e2: {  	vm0 =	vgt.s32 v7, s17  }
0x1e3: {  	v0 =	vnsel vm0, $0x2FFF, v0;
	_ =	sdelay $0x4  }
0x1e4: {  	v17 =	vld.idx.msk [tilespmem:v0+s22+$0x0], $0xffff  }
0x1e5: {  	v1 =	vld.idx.msk [tilespmem:v0+s20+$0x0], $0xffff  }
0x1e6: {  	v0 =	vld.idx.msk [tilespmem:v0+s21+$0x0], $0xffff;
	_ =	sdelay $0x3  }
0x1e7: {  	v2 =	vmul.f32 v17, v11;
	v3 =	vmul.f32 v17, v10  }
0x1e8: {  	v15 =	vmul.f32 v1, v11;
	v16 =	vmul.f32 v0, v9  }
0x1e9: {  	v18 =	vmul.f32 v0, v10;
	v19 =	vmul.f32 v1, v9  }
0x1ea: {  	p4 =	sne.s32 s24, $0x2;
	v20 =	vmul.f32 v0, v13;
	v48 =	vmul.f32 v0, v11  }
.Ltmp10:
0x1eb: {  	v2 =	vsub.f32 v2, v16;
	v16 =	vmul.f32 v1, v12;
	v3 =	vsub.f32 v19, v3;
	(pc) =	sbr.rel @!p4 .LBB2_19-.Ltmp10, $4  }
0x1ec: {  	v15 =	vsub.f32 v18, v15;
	v18 =	vmul.f32 v17, v14;
	v19 =	vadd.s32 s23, v31  }
0x1ed: {  	v16 =	vadd.f32 v20, v16;
	v2 =	vmul.f32 v2, v2;
	v3 =	vmul.f32 v3, v3  }
0x1ee: {  	v52 =	vmul.f32 v1, v10;
	vm15 =	vlt.s32 v19, $0x2FFF;
	v24 =	vmul.f32 v15, v15  }
0x1ef: {  	s26 =	simm.s32 $0x2;
	p0 =	por $0x1, $0x1;
	v47 =	vnsel vm15, $0x2FFF, v19;
	v41 =	vadd.f32 v18, v16;
	v32 =	vadd.f32 v3, v2  }
0x1f0: {  	_ =	sdelay $0x3  }
0x1f1: {  	v0 =	vld.idx.msk [tilespmem:v47+s31+$0x0], $0xffff;
	_ =	sdelay $0x3  }
0x1f2: {  	vm0 =	vgt.s32 v7, s23  }
0x1f3: {  	v0 =	vnsel vm0, $0x2FFF, v0;
	_ =	sdelay $0x4  }
0x1f4: {  	v1 =	vmul.f32 v17, v9;
	v17 =	vld.idx.msk [tilespmem:v0+s22+$0x0], $0xffff  }
0x1f5: {  	v2 =	vadd.f32 v48, v52;
	v30 =	vadd.f32 v32, v24;
	v3 =	vld.idx.msk [tilespmem:v0+s20+$0x0], $0xffff  }
0x1f6: {  	v0 =	vld.idx.msk [tilespmem:v0+s21+$0x0], $0xffff  }
0x1f7: {  	v16 =	vadd.f32 v1, v2;
	v59 =	vshrl.u32 v30, $0x1;
	v42 =	vmul.f32 $5.000000000e-01, v30  }
0x1f8: {  	v2 =	vsub.s32 $0x5F3759DF, v59  }
0x1f9: {  	v15 =	vmul.f32 v16, v41;
	v21 =	vmul.f32 v2, v42  }
0x1fa: {  	v58 =	vmul.f32 v17, v11;
	v18 =	vmul.f32 v3, v11  }
0x1fb: {  	v19 =	vmul.f32 v0, v9;
	v20 =	vmul.f32 v0, v10  }
0x1fc: {  	v22 =	vmul.f32 v17, v10;
	v23 =	vmul.f32 v3, v9  }
0x1fd: {  	v61 =	vmul.f32 v3, v12;
	v1 =	vsub.f32 v58, v19;
	v19 =	vmul.f32 v2, v21  }
0x1fe: {  	p4 =	sne.s32 s24, $0x3;
	v62 =	vmul.f32 v0, v13;
	v63 =	vmul.f32 v17, v14;
	v18 =	vsub.f32 v20, v18  }
.Ltmp11:
0x1ff: {  	v48 =	vmul.f32 v0, v11;
	v60 =	vsub.f32 v23, v22;
	v19 =	vsub.f32 $1.500000000e+00, v19;
	(pc) =	sbr.rel @!p4 .LBB2_21-.Ltmp11, $4  }
0x200: {  	v21 =	vadd.f32 v62, v61;
	v1 =	vmul.f32 v1, v1;
	v24 =	vmul.f32 v18, v18  }
0x201: {  	v18 =	vadd.s32 s26, v31;
	v20 =	vmul.f32 v60, v60;
	v51 =	vmul.f32 v2, v19  }
0x202: {  	v52 =	vmul.f32 v3, v10;
	v41 =	vadd.f32 v63, v21;
	vm15 =	vlt.s32 v18, $0x2FFF  }
0x203: {  	s25 =	simm.s32 $0x3;
	p1 =	por $0x1, $0x1;
	v47 =	vnsel vm15, $0x2FFF, v18;
	v32 =	vadd.f32 v20, v1;
	v56 =	vmul.f32 v51, v42  }
0x204: {  	_ =	sdelay $0x3  }
0x205: {  	v0 =	vld.idx.msk [tilespmem:v47+s31+$0x0], $0xffff;
	_ =	sdelay $0x1  }
0x206: {  	v1 =	vmul.f32 v56, v51;
	_ =	sdelay $0x1  }
0x207: {  	vm0 =	vgt.s32 v7, s26;
	v1 =	vsub.f32 $1.500000000e+00, v1  }
0x208: {  	v0 =	vnsel vm0, $0x2FFF, v0  }
0x209: {  	v1 =	vmul.f32 v1, v51;
	_ =	sdelay $0x1  }
0x20a: {  	v2 =	vmul.f32 v1, v42;
	_ =	sdelay $0x1  }
0x20b: {  	v3 =	vmul.f32 v17, v9;
	v21 =	vadd.f32 v32, v24;
	v2 =	vmul.f32 v2, v1;
	v17 =	vld.idx.msk [tilespmem:v0+s22+$0x0], $0xffff  }
0x20c: {  	v18 =	vadd.f32 v48, v52;
	v29 =	vld.idx.msk [tilespmem:v0+s20+$0x0], $0xffff  }
0x20d: {  	v26 =	vshrl.u32 v21, $0x1;
	v22 =	vmul.f32 $5.000000000e-01, v21;
	v0 =	vld.idx.msk [tilespmem:v0+s21+$0x0], $0xffff;
	v2 =	vsub.f32 $1.500000000e+00, v2  }
0x20e: {  	v19 =	vadd.f32 v3, v18;
	v63 =	vsub.s32 $0x5F3759DF, v26  }
0x20f: {  	v33 =	vmul.f32 v63, v22;
	v1 =	vmul.f32 v2, v1  }
0x210: {  	v18 =	vmul.f32 v19, v41  }
0x211: {  	v62 =	vand.u32 $0x7FFFFFFF, v16;
	v33 =	vmul.f32 v63, v33;
	v1 =	vmul.f32 v1, v30  }
0x212: {  	vm0 =	vgt.f32 v30, $0.0e+00;
	v20 =	vmul.f32 v17, v11;
	v23 =	vmul.f32 v0, v9  }
0x213: {  	v24 =	vmul.f32 v17, v10;
	v25 =	vmul.f32 v29, v11;
	v1 =	vnsel vm0, $0x0, v1  }
0x214: {  	v27 =	vmul.f32 v0, v10;
	v30 =	vsub.f32 v20, v23;
	v20 =	vmax.f32 v1, v62  }
0x215: {  	v26 =	vmul.f32 v29, v9;
	(erf) = vrcp.f32 v20  }
0x216: {  	v3 =	vand.u32 $0x7FFFFFFF, v15;
	v34 =	vmul.f32 v17, v14;
	v35 =	vmul.f32 v29, v12  }
0x217: {  	v33 =	vsub.f32 $1.500000000e+00, v33;
	v48 =	vmul.f32 v0, v11;
	v52 =	vmul.f32 v29, v10  }
0x218: {  	v27 =	vsub.f32 v27, v25;
	v36 =	vsub.f32 v26, v24;
	v26 =	vmul.f32 v0, v13  }
0x219: {  	p4 =	sne.s32 s24, $0x4;
	v28 =	vmul.f32 v1, v62;
	v23 =	vmin.f32 v1, v62;
	v30 =	vmul.f32 v30, v30  }
.Ltmp12:
0x21a: {  	v24 =	vmul.f32 v27, v27;
	v27 =	vadd.s32 s25, v31;
	v35 =	vadd.f32 v26, v35;
	(pc) =	sbr.rel @!p4 .LBB2_23-.Ltmp12, $4  }
0x21b: {  	v36 =	vmul.f32 v36, v36;
	v25 =	vmax.f32 v28, v3;
	vm0 =	vlt.s32 v27, $0x2FFF  }
0x21c: {  	v26 =	vmin.f32 v28, v3;
	v47 =	vnsel vm0, $0x2FFF, v27;
	v27 =	vmul.f32 v63, v33  }
0x21d: {  	vm1 =	vgt.f32 v28, v3;
	(erf) = vrcp.f32 v25;
	v41 =	vadd.f32 v34, v35  }
0x21e: {  	s23 =	simm.s32 $0x4;
	p2 =	por $0x1, $0x1;
	vm0 =	vgt.f32 v1, v62;
	v32 =	vadd.f32 v36, v30;
	v29 =	vmul.f32 v27, v22;
	v28 =	vpop (erf)  }
0x21f: {  	_ =	sdelay $0x3  }
0x220: {  	v0 =	vld.idx.msk [tilespmem:v47+s31+$0x0], $0xffff  }
0x221: {  	v1 =	vmul.f32 v29, v27  }
0x222: {  	v2 =	vmul.f32 v28, v23  }
0x223: {  	vm2 =	vgt.f32 v20, $0.0e+00;
	v1 =	vsub.f32 $1.500000000e+00, v1  }
0x224: {  	v34 =	vnsel vm2, $0x0, v2;
	vm2 =	vgt.s32 v7, s25  }
0x225: {  	v1 =	vmul.f32 v1, v27;
	v0 =	vnsel vm2, $0x2FFF, v0  }
0x226: {  	v33 =	vmul.f32 v34, v34  }
0x227: {  	v3 =	vmul.f32 v1, v22  }
0x228: {  	v17 =	vmul.f32 v17, v9;
	v30 =	vadd.f32 v48, v52;
	v35 =	vmul.f32 $1.172120030e-02, v33;
	v60 =	vpop (erf)  }
0x229: {  	v2 =	vmul.f32 v60, v26;
	v61 =	vmul.f32 v3, v1  }
0x22a: {  	v37 =	vadd.f32 v17, v30;
	vm2 =	vgt.f32 v25, $0.0e+00;
	v3 =	vsub.f32 $5.265332010e-02, v35;
	v17 =	vld.idx.msk [tilespmem:v0+s22+$0x0], $0xffff  }
0x22b: {  	v40 =	vnsel vm2, $0x0, v2;
	v36 =	vld.idx.msk [tilespmem:v0+s20+$0x0], $0xffff;
	v2 =	vsub.f32 $1.500000000e+00, v61  }
0x22c: {  	v0 =	vld.idx.msk [tilespmem:v0+s21+$0x0], $0xffff;
	v3 =	vmul.f32 v3, v33  }
0x22d: {  	v38 =	vmul.f32 v40, v40;
	v1 =	vmul.f32 v2, v1  }
0x22e: {  	v35 =	vmul.f32 v37, v41;
	v3 =	vadd.f32 $-1.164328680e-01, v3  }
0x22f: {  	vm3 =	vmmov vm1;
	v30 =	vmul.f32 $1.172120030e-02, v38;
	v1 =	vmul.f32 v1, v21  }
0x230: {  	vm4 =	vgt.f32 v21, $0.0e+00;
	v43 =	vmul.f32 v17, v11;
	v3 =	vmul.f32 v3, v33  }
0x231: {  	v39 =	vand.u32 $0x7FFFFFFF, v18;
	v56 =	vmul.f32 v36, v11;
	v44 =	vmul.f32 v0, v9  }
0x232: {  	v30 =	vsub.f32 $5.265332010e-02, v30;
	v57 =	vmul.f32 v0, v10;
	v58 =	vmul.f32 v36, v9  }
0x233: {  	vm2 =	vmmov vm0;
	v51 =	vmul.f32 v17, v14;
	v60 =	vmul.f32 v36, v12  }
0x234: {  	v2 =	vand.u32 $0x7FFFFFFF, v19;
	v61 =	vmul.f32 v0, v13;
	v62 =	vmul.f32 v30, v38  }
0x235: {  	v30 =	vadd.f32 v32, v24;
	v24 =	vmul.f32 v17, v10;
	v3 =	vadd.f32 $1.935434640e-01, v3  }
0x236: {  	v1 =	vnsel vm4, $0x0, v1;
	v43 =	vsub.f32 v43, v44;
	v41 =	vsub.f32 v57, v56  }
0x237: {  	v52 =	vadd.f32 v61, v60;
	v45 =	vmul.f32 v1, v2;
	v50 =	vmax.f32 v1, v2  }
0x238: {  	v49 =	vmin.f32 v1, v2;
	v63 =	vadd.f32 $-1.164328680e-01, v62;
	v42 =	vshrl.u32 v30, $0x1  }
0x239: {  	(erf) = vrcp.f32 v50;
	v46 =	vsub.s32 $0x5F3759DF, v42;
	v42 =	vmul.f32 $5.000000000e-01, v30  }
0x23a: {  	v43 =	vmul.f32 v43, v43;
	v44 =	vsub.f32 v58, v24;
	v24 =	vmul.f32 v41, v41  }
0x23b: {  	v62 =	vadd.s32 s23, v31;
	v3 =	vmul.f32 v3, v33;
	v59 =	vmul.f32 v46, v42  }
0x23c: {  	v41 =	vadd.f32 v51, v52;
	v52 =	vmul.f32 v36, v10;
	v32 =	vmul.f32 v63, v38  }
0x23d: {  	v54 =	vmax.f32 v45, v39;
	v53 =	vmin.f32 v45, v39;
	v48 =	vmul.f32 v46, v59  }
0x23e: {  	p4 =	sne.s32 s24, $0x5;
	vm4 =	vlt.s32 v62, $0x2FFF;
	vm5 =	vgt.f32 v45, v39;
	v32 =	vadd.f32 $1.935434640e-01, v32  }
.Ltmp13:
0x23f: {  	v45 =	vimm.f32 $0.0e+00;
	v44 =	vmul.f32 v44, v44;
	v48 =	vsub.f32 $1.500000000e+00, v48;
	(pc) =	sbr.rel @!p4 .LBB2_25-.Ltmp13, $4  }
0x240: {  	v47 =	vnsel vm4, $0x2FFF, v62;
	(erf) = vrcp.f32 v54;
	v63 =	vmul.f32 v32, v38  }
0x241: {  	v36 =	vmovc v18;
	vm4 =	vgt.f32 v1, v2;
	v58 =	vadd.f32 $-3.326234820e-01, v3;
	v51 =	vmul.f32 v46, v48  }
0x242: {  	v39 =	vmovc v19;
	v32 =	vadd.f32 v44, v43;
	v43 =	vmovc v15;
	v44 =	vimm.f32 $0.0e+00;
	v55 =	vadd.f32 $-3.326234820e-01, v63  }
0x243: {  	p3 =	por $0x1, $0x1;
	s25 =	simm.s32 $0x5;
	v48 =	vmul.f32 v0, v11;
	v57 =	vpop (erf);
	v46 =	vmov v16;
	v56 =	vmul.f32 v51, v42  }
.LBB2_26:
0x244: {  	v1 =	vmul.f32 v17, v9;
	v2 =	vmul.f32 v55, v38;
	vm6 =	vmmov vm2  }
0x245: {  	v0 =	vld.idx.msk [tilespmem:v47+s31+$0x0], $0xffff;
	vm2 =	vmmov vm4;
	vm4 =	vmmov vm3;
	vm3 =	vmmov vm5;
	s26 =	smov.u32 s25;
	s25 =	sadd.s32 $0x1, s25  }
0x246: {  	vm5 =	vgt.f32 v50, $0.0e+00;
	v17 =	vmul.f32 v57, v49;
	p4 =	sne.s32 s24, s25;
	v3 =	vadd.f32 v48, v52  }
0x247: {  	v48 =	vmul.f32 v56, v51;
	v47 =	vmul.f32 v58, v33;
	v2 =	vadd.f32 $9.999772310e-01, v2  }
0x248: {  	v1 =	vadd.f32 v1, v3;
	v3 =	vnsel vm5, $0x0, v17;
	vm5 =	vgt.f32 v54, $0.0e+00  }
0x249: {  	v17 =	vsub.f32 $1.500000000e+00, v48;
	v47 =	vadd.f32 $9.999772310e-01, v47;
	v33 =	vmul.f32 v3, v3;
	v38 =	vpop (erf)  }
0x24a: {  	vm7 =	vgt.s32 v7, s23;
	s23 =	smov.u32 s26;
	v2 =	vmul.f32 v2, v40;
	v41 =	vmul.f32 v1, v41  }
0x24b: {  	v0 =	vnsel vm7, $0x2FFF, v0;
	v48 =	vmul.f32 v17, v51;
	v17 =	vmul.f32 v38, v53  }
0x24c: {  	v47 =	vmul.f32 v47, v34;
	v34 =	vmovc v3;
	v38 =	vmul.f32 $1.172120030e-02, v33;
	v49 =	vsub.f32 $1.570796370e+00, v2  }
0x24d: {  	v3 =	vmul.f32 v48, v42;
	v40 =	vnsel vm5, $0x0, v17;
	vm5 =	vlt.f32 v43, $0.0e+00;
	v43 =	vmovc v36;
	v36 =	vmovc v35  }
0x24e: {  	v50 =	vsub.f32 $1.570796370e+00, v47;
	v35 =	vmovc v41;
	v42 =	vsub.f32 $5.265332010e-02, v38;
	v38 =	vmul.f32 v40, v40  }
0x24f: {  	vm7 =	vlt.f32 v46, $0.0e+00;
	v46 =	vmovc v39;
	v39 =	vmovc v37;
	v2 =	vsel vm4, v49, v2;
	v3 =	vmul.f32 v3, v48  }
0x250: {  	v37 =	vmovc v1;
	v47 =	vsel vm6, v50, v47;
	v41 =	vmul.f32 v42, v33;
	v42 =	vmul.f32 $1.172120030e-02, v38;
	v17 =	vld.idx.msk [tilespmem:v0+s22+$0x0], $0xffff  }
0x251: {  	vm4 =	vgt.f32 v30, $0.0e+00;
	v49 =	vsub.f32 $3.141592740e+00, v47;
	v3 =	vsub.f32 $1.500000000e+00, v3;
	v1 =	vld.idx.msk [tilespmem:v0+s20+$0x0], $0xffff  }
0x252: {  	v52 =	vand.u32 $0x7FFFFFFF, v39;
	v55 =	vand.u32 $0x7FFFFFFF, v36;
	v50 =	vsub.f32 $3.141592740e+00, v2;
	v0 =	vld.idx.msk [tilespmem:v0+s21+$0x0], $0xffff  }
0x253: {  	v42 =	vsub.f32 $5.265332010e-02, v42;
	v47 =	vsel vm7, v49, v47;
	v3 =	vmul.f32 v3, v48  }
0x254: {  	v2 =	vsel vm5, v50, v2;
	v41 =	vadd.f32 $-1.164328680e-01, v41;
	v44 =	vadd.f32 v47, v44  }
0x255: {  	v45 =	vadd.f32 v2, v45;
	v42 =	vmul.f32 v42, v38;
	v3 =	vmul.f32 v3, v30  }
0x256: {  	v30 =	vadd.f32 v32, v24;
	v24 =	vmul.f32 v41, v33;
	v2 =	vmul.f32 v17, v11  }
0x257: {  	v32 =	vmul.f32 v17, v10;
	v41 =	vadd.f32 $-1.164328680e-01, v42;
	v3 =	vnsel vm4, $0x0, v3  }
0x258: {  	v47 =	vmul.f32 v1, v11;
	v42 =	vshrl.u32 v30, $0x1;
	v48 =	vadd.f32 $1.935434640e-01, v24  }
0x259: {  	v24 =	vmul.f32 v0, v9;
	v51 =	vsub.s32 $0x5F3759DF, v42;
	v56 =	vmul.f32 v3, v52  }
0x25a: {  	v53 =	vmul.f32 v0, v10;
	v42 =	vmul.f32 $5.000000000e-01, v30;
	v49 =	vmin.f32 v3, v52  }
0x25b: {  	v50 =	vmax.f32 v3, v52;
	v2 =	vsub.f32 v2, v24;
	v24 =	vmul.f32 v1, v9  }
0x25c: {  	v47 =	vsub.f32 v53, v47;
	v57 =	vmul.f32 v51, v42;
	(erf) = vrcp.f32 v50  }
0x25d: {  	v58 =	vmul.f32 v17, v14;
	v32 =	vsub.f32 v24, v32;
	v2 =	vmul.f32 v2, v2  }
0x25e: {  	v59 =	vmul.f32 v1, v12;
	v60 =	vmul.f32 v0, v13;
	v54 =	vmax.f32 v56, v55  }
0x25f: {  	v41 =	vmul.f32 v41, v38;
	v53 =	vmin.f32 v56, v55;
	v24 =	vmul.f32 v47, v47  }
0x260: {  	v47 =	vadd.s32 s23, v31;
	v57 =	vmul.f32 v51, v57;
	v32 =	vmul.f32 v32, v32  }
0x261: {  	v59 =	vadd.f32 v60, v59;
	v60 =	vadd.f32 $1.935434640e-01, v41;
	vm4 =	vlt.s32 v47, $0x2FFF  }
.Ltmp14:
0x262: {  	v47 =	vnsel vm4, $0x2FFF, v47;
	v61 =	vsub.f32 $1.500000000e+00, v57;
	(erf) = vrcp.f32 v54;
	(pc) =	sbr.rel @p4 .LBB2_26-.Ltmp14, $4  }
0x263: {  	v41 =	vadd.f32 v58, v59;
	v58 =	vmul.f32 v48, v33;
	v59 =	vmul.f32 v60, v38  }
0x264: {  	vm5 =	vgt.f32 v56, v55;
	vm4 =	vgt.f32 v3, v52;
	v51 =	vmul.f32 v51, v61  }
0x265: {  	v48 =	vmul.f32 v0, v11;
	v55 =	vadd.f32 $-3.326234820e-01, v59;
	v32 =	vadd.f32 v32, v2;
	v57 =	vpop (erf)  }
0x266: {  	v52 =	vmul.f32 v1, v10;
	v58 =	vadd.f32 $-3.326234820e-01, v58;
	v56 =	vmul.f32 v51, v42  }
.LBB2_27:
0x267: {  	v0 =	vmul.f32 @p0 v17, v9  }
0x268: {  	v1 =	vmul.f32 @p3 v55, v38;
	vm6 =	vmmov @p3 vm2;
	vm4 =	vmmov @p2 vm4  }
0x269: {  	vm3 =	vmmov @p3 vm3;
	vm2 =	vmmov @p2 vm5;
	vm5 =	vgt.f32 @p2 v50, $0.0e+00  }
0x26a: {  	v17 =	vmul.f32 @p2 v57, v49;
	vm7 =	vgt.s32 v7, s23;
	v50 =	vand.u32 @p1 $0x7FFFFFFF, v35  }
0x26b: {  	v24 =	vadd.f32 @p0 v32, v24;
	v15 =	vpsel p1, v35, v15;
	v16 =	vpsel p1, v37, v16  }
0x26c: {  	v3 =	vld.idx.msk [tilespmem:v47+s31+$0x0], $0xffff;
	v2 =	vadd.f32 @p0 v48, v52;
	v31 =	vmul.f32 @p1 v56, v51;
	v33 =	vmul.f32 @p3 v58, v33  }
0x26d: {  	v48 =	vand.u32 @p1 $0x7FFFFFFF, v37;
	v1 =	vadd.f32 @p3 $9.999772310e-01, v1;
	v52 =	vmul.f32 @p0 $5.000000000e-01, v24  }
0x26e: {  	v0 =	vadd.f32 @p0 v0, v2;
	v2 =	vnsel @p2 vm5, $0x0, v17;
	v17 =	vsub.f32 @p1 $1.500000000e+00, v31  }
0x26f: {  	vm5 =	vgt.f32 @p2 v54, $0.0e+00;
	v31 =	vmul.f32 @p2 v2, v2;
	v1 =	vmul.f32 @p3 v1, v40  }
0x270: {  	v33 =	vadd.f32 @p3 $9.999772310e-01, v33;
	v38 =	vmul.f32 @p0 v0, v41;
	v41 =	vpop @p2 (erf);
	v17 =	vmul.f32 @p1 v17, v51  }
0x271: {  	v3 =	vnsel vm7, $0x2FFF, v3;
	v40 =	vmul.f32 @p2 v41, v53;
	v41 =	vmul.f32 @p2 $1.172120030e-02, v31  }
0x272: {  	v33 =	vmul.f32 @p3 v33, v34;
	v34 =	vsub.f32 @p3 $1.570796370e+00, v1;
	v42 =	vmul.f32 @p1 v17, v42  }
0x273: {  	v22 =	vpsel p0, v52, v22;
	v40 =	vnsel @p2 vm5, $0x0, v40;
	v41 =	vsub.f32 @p2 $5.265332010e-02, v41  }
0x274: {  	vm5 =	vlt.f32 @p3 v43, $0.0e+00;
	v1 =	vsel @p3 vm3, v34, v1;
	v42 =	vmul.f32 @p1 v42, v17  }
0x275: {  	v43 =	vmul.f32 @p2 v40, v40;
	v51 =	vsub.f32 @p3 $3.141592740e+00, v1;
	v34 =	vmul.f32 @p2 v41, v31  }
0x276: {  	vm7 =	vlt.f32 @p3 v46, $0.0e+00;
	v47 =	vsub.f32 @p3 $1.570796370e+00, v33;
	v41 =	vld.idx.msk [tilespmem:v3+s22+$0x0], $0xffff;
	v42 =	vsub.f32 @p1 $1.500000000e+00, v42  }
0x277: {  	v49 =	vld.idx.msk [tilespmem:v3+s20+$0x0], $0xffff;
	v46 =	vmul.f32 @p2 $1.172120030e-02, v43;
	v1 =	vsel @p3 vm5, v51, v1;
	v34 =	vadd.f32 @p2 $-1.164328680e-01, v34  }
0x278: {  	v3 =	vld.idx.msk [tilespmem:v3+s21+$0x0], $0xffff;
	v1 =	vadd.f32 @p3 v1, v45;
	v45 =	vshrl.u32 @p0 v24, $0x1;
	v17 =	vmul.f32 @p1 v42, v17  }
0x279: {  	v42 =	vsub.f32 @p2 $5.265332010e-02, v46;
	v45 =	vsub.s32 @p0 $0x5F3759DF, v45;
	v32 =	vmul.f32 @p2 v34, v31  }
0x27a: {  	vm3 =	vgt.f32 @p1 v30, $0.0e+00;
	v54 =	vmul.f32 @p0 v45, v52;
	v17 =	vmul.f32 @p1 v17, v30  }
0x27b: {  	v33 =	vsel @p3 vm6, v47, v33;
	v30 =	vmul.f32 @p2 v42, v43;
	v57 =	vmul.f32 v41, v11  }
0x27c: {  	v47 =	vsub.f32 @p3 $3.141592740e+00, v33;
	v58 =	vmul.f32 v41, v10;
	v59 =	vmul.f32 v49, v11  }
0x27d: {  	v2 =	vpsel p2, v2, v0;
	v60 =	vmul.f32 v3, v9;
	v61 =	vmul.f32 v3, v10  }
0x27e: {  	v33 =	vsel @p3 vm7, v47, v33;
	v62 =	vmul.f32 v49, v9;
	v14 =	vmul.f32 v41, v14  }
0x27f: {  	v33 =	vadd.f32 @p3 v33, v44;
	v12 =	vmul.f32 v49, v12;
	v13 =	vmul.f32 v3, v13  }
0x280: {  	v1 =	vpsel p3, v1, v8;
	v3 =	vmul.f32 v3, v11;
	v10 =	vmul.f32 v49, v10  }
0x281: {  	v9 =	vmul.f32 v41, v9;
	v32 =	vadd.f32 @p2 $1.935434640e-01, v32;
	v30 =	vadd.f32 @p2 $-1.164328680e-01, v30  }
0x282: {  	v46 =	vmul.f32 @p0 v45, v54;
	v42 =	vsub.f32 v57, v60;
	v44 =	vsub.f32 v61, v59  }
0x283: {  	v17 =	vnsel @p1 vm3, $0x0, v17;
	v34 =	vsub.f32 v62, v58;
	v12 =	vadd.f32 v13, v12  }
0x284: {  	vm3 =	vmmov @p2 vm4;
	vm4 =	vmmov @p2 vm2;
	v3 =	vadd.f32 v3, v10  }
0x285: {  	v47 =	vmul.f32 @p1 v17, v48;
	v53 =	vmax.f32 @p1 v17, v48;
	v55 =	vmin.f32 @p1 v17, v48  }
0x286: {  	v32 =	vmul.f32 @p2 v32, v31;
	vm5 =	vgt.f32 @p1 v17, v48;
	(erf) = vrcp.f32 @p1 v53  }
0x287: {  	vm2 =	vmmov @p2 vm3;
	v42 =	vmul.f32 v42, v42;
	v30 =	vmul.f32 @p2 v30, v43  }
0x288: {  	vm3 =	vmmov @p2 vm4;
	v44 =	vmul.f32 v44, v44;
	v63 =	vmul.f32 v34, v34  }
0x289: {  	v34 =	vsub.f32 @p0 $1.500000000e+00, v46;
	v12 =	vadd.f32 v14, v12;
	vm0 =	vmmov @p1 vm5  }
0x28a: {  	v20 =	vpsel p1, v53, v20;
	v23 =	vpsel p1, v55, v23;
	v9 =	vadd.f32 v9, v3  }
0x28b: {  	v51 =	vmax.f32 @p1 v47, v50;
	v46 =	vmin.f32 @p1 v47, v50;
	vm6 =	vgt.f32 @p1 v47, v50  }
0x28c: {  	v17 =	vadd.f32 @p2 $-3.326234820e-01, v32;
	v32 =	vpsel p2, v43, v0;
	vm0 =	vmmov @p1 vm0  }
0x28d: {  	vm4 =	vgt.f32 @p1 v20, $0.0e+00;
	v30 =	vadd.f32 @p2 $1.935434640e-01, v30;
	(erf) = vrcp.f32 @p1 v51  }
0x28e: {  	v11 =	vadd.f32 v63, v42;
	vm1 =	vmmov @p1 vm6;
	v25 =	vpsel p1, v51, v25  }
0x28f: {  	v26 =	vpsel p1, v46, v26;
	v14 =	vmul.f32 @p2 v30, v43;
	v30 =	vmul.f32 @p0 v45, v34  }
0x290: {  	v17 =	vpsel p2, v17, v0;
	vm1 =	vmmov @p1 vm1;
	v11 =	vadd.f32 v11, v44  }
0x291: {  	vm1 =	vmmov @p1 vm1;
	v13 =	vadd.f32 @p2 $-3.326234820e-01, v14;
	v14 =	vmul.f32 @p0 v30, v52  }
0x292: {  	v45 =	vand.u32 $0x7FFFFFFF, v9;
	v27 =	vpsel p0, v30, v27;
	v41 =	vmul.f32 $5.000000000e-01, v11  }
0x293: {  	vm14 =	vgt.f32 v11, $0.0e+00;
	v30 =	vmovc @p2 v36;
	v14 =	vpsel p0, v14, v29;
	v29 =	vpsel p2, v31, v0;
	v31 =	vmovc @p0 v38  }
0x294: {  	v13 =	vpsel p2, v13, v0;
	v36 =	vmovc @p2 v39;
	v30 =	vpsel p2, v30, v0;
	v18 =	vpsel p0, v31, v18  }
0x295: {  	v34 =	vpop @p1 (erf);
	v31 =	vpsel p2, v36, v0;
	v13 =	vmul.f32 @p2 v13, v32;
	v14 =	vmul.f32 @p0 v14, v27  }
0x296: {  	v17 =	vmul.f32 @p2 v17, v29;
	v28 =	vpsel p1, v34, v28;
	v34 =	vpsel p2, v40, v0  }
0x297: {  	v0 =	vpsel p0, v0, v19;
	v19 =	vpsel p0, v24, v21;
	v21 =	vpsel p3, v33, v8  }
0x298: {  	v40 =	vshrl.u32 v11, $0x1;
	v10 =	vmul.f32 @p1 v28, v23;
	v13 =	vadd.f32 @p2 $9.999772310e-01, v13  }
0x299: {  	v14 =	vsub.f32 @p0 $1.500000000e+00, v14;
	v17 =	vadd.f32 @p2 $9.999772310e-01, v17;
	v42 =	vsub.s32 $0x5F3759DF, v40  }
0x29a: {  	v23 =	vmul.f32 v42, v41;
	v3 =	vnsel @p1 vm4, $0x0, v10;
	v10 =	vmul.f32 v9, v12  }
0x29b: {  	vm5 =	vlt.f32 @p2 v31, $0.0e+00;
	v13 =	vmul.f32 @p2 v13, v34;
	v14 =	vmul.f32 @p0 v14, v27  }
0x29c: {  	v15 =	vpsel p1, v15, v0;
	v12 =	vpop @p1 (erf);
	v2 =	vmul.f32 @p2 v17, v2;
	v20 =	vmul.f32 @p1 v3, v3  }
0x29d: {  	vm4 =	vgt.f32 @p1 v25, $0.0e+00;
	v12 =	vmul.f32 @p1 v12, v26;
	v23 =	vmul.f32 v42, v23  }
0x29e: {  	v3 =	vpsel p1, v3, v0;
	v22 =	vmul.f32 @p0 v14, v22;
	v26 =	vsub.f32 @p2 $1.570796370e+00, v13  }
0x29f: {  	v28 =	vsub.f32 @p2 $1.570796370e+00, v2;
	v47 =	vand.u32 $0x7FFFFFFF, v10;
	v25 =	vmul.f32 @p1 $1.172120030e-02, v20  }
0x2a0: {  	v12 =	vnsel @p1 vm4, $0x0, v12;
	v23 =	vsub.f32 $1.500000000e+00, v23;
	v22 =	vmul.f32 @p0 v22, v14  }
0x2a1: {  	vm4 =	vlt.f32 @p2 v30, $0.0e+00;
	v27 =	vmul.f32 @p1 v12, v12;
	v13 =	vsel @p2 vm3, v26, v13  }
0x2a2: {  	v2 =	vsel @p2 vm2, v28, v2;
	v17 =	vmul.f32 v42, v23;
	v22 =	vsub.f32 @p0 $1.500000000e+00, v22  }
0x2a3: {  	vm2 =	vgt.f32 @p0 v19, $0.0e+00;
	v25 =	vsub.f32 @p1 $5.265332010e-02, v25;
	v29 =	vmul.f32 @p1 $1.172120030e-02, v27  }
0x2a4: {  	v28 =	vand.u32 @p0 $0x7FFFFFFF, v18;
	v43 =	vmul.f32 v17, v41;
	v14 =	vmul.f32 @p0 v22, v14  }
0x2a5: {  	vm3 =	vmmov @p1 vm0;
	v12 =	vpsel p1, v12, v0;
	v25 =	vmul.f32 @p1 v25, v20  }
0x2a6: {  	v26 =	vsub.f32 @p1 $5.265332010e-02, v29;
	v14 =	vmul.f32 @p0 v14, v19;
	v19 =	vmul.f32 v43, v17  }
0x2a7: {  	v18 =	vpsel p0, v18, v0;
	v22 =	vsub.f32 @p2 $3.141592740e+00, v2;
	v29 =	vsub.f32 @p2 $3.141592740e+00, v13  }
0x2a8: {  	v23 =	vand.u32 @p0 $0x7FFFFFFF, v0;
	v25 =	vadd.f32 @p1 $-1.164328680e-01, v25;
	v19 =	vsub.f32 $1.500000000e+00, v19  }
0x2a9: {  	vm3 =	vmmov @p1 vm3;
	v26 =	vmul.f32 @p1 v26, v27;
	v2 =	vsel @p2 vm5, v22, v2  }
0x2aa: {  	v13 =	vsel @p2 vm4, v29, v13;
	v25 =	vmul.f32 @p1 v25, v20;
	v17 =	vmul.f32 v19, v17  }
0x2ab: {  	v2 =	vadd.f32 @p2 v2, v21;
	v1 =	vadd.f32 @p2 v13, v1;
	v14 =	vnsel @p0 vm2, $0x0, v14  }
0x2ac: {  	v22 =	vadd.f32 @p1 $-1.164328680e-01, v26;
	v26 =	vmax.f32 @p0 v14, v23;
	v24 =	vmul.f32 v17, v41  }
0x2ad: {  	v21 =	vmul.f32 @p0 v14, v23;
	v13 =	vadd.f32 @p1 $1.935434640e-01, v25;
	(erf) = vrcp.f32 @p0 v26  }
0x2ae: {  	vm2 =	vgt.f32 @p0 v14, v23;
	v2 =	vpsel p2, v2, v8;
	v44 =	vmul.f32 v24, v17  }
0x2af: {  	v1 =	vpsel p2, v1, v8;
	v22 =	vmul.f32 @p1 v22, v27;
	v25 =	vmax.f32 @p0 v21, v28  }
0x2b0: {  	v29 =	vmin.f32 @p0 v21, v28;
	vm4 =	vgt.f32 @p0 v21, v28;
	v21 =	vsub.f32 $1.500000000e+00, v44  }
0x2b1: {  	v19 =	vmin.f32 @p0 v14, v23;
	vm0 =	vmmov @p0 vm2;
	(erf) = vrcp.f32 @p0 v25  }
0x2b2: {  	v13 =	vmul.f32 @p1 v13, v20;
	v19 =	vpsel p0, v19, v0;
	v17 =	vmul.f32 v21, v17  }
0x2b3: {  	v20 =	vpsel p1, v20, v0;
	vm0 =	vmmov @p0 vm0;
	v22 =	vadd.f32 @p1 $1.935434640e-01, v22  }
0x2b4: {  	vm0 =	vmmov @p0 vm0;
	v13 =	vadd.f32 @p1 $-3.326234820e-01, v13;
	v17 =	vmul.f32 v17, v11  }
0x2b5: {  	vm2 =	vmmov @p0 vm4;
	vm0 =	vmmov @p0 vm0;
	v22 =	vmul.f32 @p1 v22, v27  }
0x2b6: {  	v24 =	vpsel p0, v26, v0;
	v13 =	vpsel p1, v13, v0;
	v23 =	vpop @p0 (erf);
	v17 =	vnsel vm14, $0x0, v17  }
0x2b7: {  	vm4 =	vgt.f32 @p0 v24, $0.0e+00;
	v23 =	vpsel p0, v23, v0;
	v46 =	vmul.f32 v17, v45  }
0x2b8: {  	v14 =	vadd.f32 @p1 $-3.326234820e-01, v22;
	v22 =	vpsel p1, v27, v0;
	v48 =	vmax.f32 v17, v45  }
0x2b9: {  	v13 =	vmul.f32 @p1 v13, v20;
	(erf) = vrcp.f32 v48;
	v49 =	vmax.f32 v46, v47  }
0x2ba: {  	v14 =	vpsel p1, v14, v0;
	v19 =	vmul.f32 @p0 v23, v19;
	v23 =	vpop @p0 (erf);
	(erf) = vrcp.f32 v49  }
0x2bb: {  	v21 =	vpsel p0, v25, v0;
	v25 =	vpsel p0, v29, v0;
	v13 =	vadd.f32 @p1 $9.999772310e-01, v13  }
0x2bc: {  	v14 =	vmul.f32 @p1 v14, v22;
	v11 =	vpsel p1, v16, v0;
	v19 =	vnsel @p0 vm4, $0x0, v19  }
0x2bd: {  	v0 =	vpsel p0, v0, v0;
	v23 =	vmul.f32 @p0 v23, v25;
	v20 =	vmul.f32 @p0 v19, v19  }
0x2be: {  	v3 =	vmul.f32 @p1 v13, v3;
	v14 =	vadd.f32 @p1 $9.999772310e-01, v14;
	vm4 =	vgt.f32 @p0 v21, $0.0e+00  }
0x2bf: {  	vm5 =	vlt.f32 @p1 v11, $0.0e+00;
	v21 =	vnsel @p0 vm4, $0x0, v23;
	v23 =	vmul.f32 @p0 $1.172120030e-02, v20  }
0x2c0: {  	v12 =	vmul.f32 @p1 v14, v12;
	v51 =	vmin.f32 v17, v45;
	v22 =	vmul.f32 @p0 v21, v21  }
0x2c1: {  	vm15 =	vgt.f32 v48, $0.0e+00;
	v52 =	vmin.f32 v46, v47;
	v13 =	vsub.f32 @p0 $5.265332010e-02, v23  }
0x2c2: {  	vm4 =	vmmov @p1 vm1;
	vm1 =	vmmov @p0 vm2;
	v14 =	vmul.f32 @p0 $1.172120030e-02, v22;
	v50 =	vpop (erf)  }
0x2c3: {  	vm2 =	vlt.f32 @p1 v15, $0.0e+00;
	v23 =	vsub.f32 @p1 $1.570796370e+00, v12;
	v11 =	vmul.f32 @p0 v13, v20;
	v53 =	vpop (erf)  }
0x2c4: {  	v14 =	vsub.f32 @p0 $5.265332010e-02, v14;
	v13 =	vmul.f32 v50, v51;
	v54 =	vmul.f32 v53, v52  }
0x2c5: {  	v15 =	vsub.f32 @p1 $1.570796370e+00, v3;
	vm9 =	vgt.f32 v49, $0.0e+00;
	v12 =	vsel @p1 vm4, v23, v12  }
0x2c6: {  	v14 =	vmul.f32 @p0 v14, v22;
	v13 =	vnsel vm15, $0x0, v13;
	v23 =	vnsel vm9, $0x0, v54  }
0x2c7: {  	v18 =	vpsel p0, v18, v0;
	v55 =	vmul.f32 v13, v13;
	v56 =	vmul.f32 v23, v23  }
0x2c8: {  	vm10 =	vgt.f32 v17, v45;
	v3 =	vsel @p1 vm3, v15, v3;
	v11 =	vadd.f32 @p0 $-1.164328680e-01, v11  }
0x2c9: {  	v14 =	vadd.f32 @p0 $-1.164328680e-01, v14;
	v57 =	vmul.f32 $1.172120030e-02, v55;
	v58 =	vmul.f32 $1.172120030e-02, v56  }
0x2ca: {  	v25 =	vsub.f32 @p1 $3.141592740e+00, v3;
	v28 =	vsub.f32 @p1 $3.141592740e+00, v12;
	v11 =	vmul.f32 @p0 v11, v20  }
0x2cb: {  	v14 =	vmul.f32 @p0 v14, v22;
	v59 =	vsub.f32 $5.265332010e-02, v57;
	v60 =	vsub.f32 $5.265332010e-02, v58  }
0x2cc: {  	v3 =	vsel @p1 vm5, v25, v3;
	v12 =	vsel @p1 vm2, v28, v12;
	v11 =	vadd.f32 @p0 $1.935434640e-01, v11  }
0x2cd: {  	v14 =	vadd.f32 @p0 $1.935434640e-01, v14;
	v61 =	vmul.f32 v59, v55;
	v62 =	vmul.f32 v60, v56  }
0x2ce: {  	v2 =	vadd.f32 @p1 v3, v2;
	v1 =	vadd.f32 @p1 v12, v1;
	v3 =	vmul.f32 @p0 v11, v20  }
0x2cf: {  	v11 =	vmul.f32 @p0 v14, v22;
	v12 =	vadd.f32 $-1.164328680e-01, v61;
	v14 =	vadd.f32 $-1.164328680e-01, v62  }
0x2d0: {  	vm11 =	vgt.f32 v46, v47;
	v17 =	vpsel p0, v20, v0;
	v3 =	vadd.f32 @p0 $-3.326234820e-01, v3  }
0x2d1: {  	v11 =	vadd.f32 @p0 $-3.326234820e-01, v11;
	v12 =	vmul.f32 v12, v55;
	v14 =	vmul.f32 v14, v56  }
0x2d2: {  	vm12 =	vmmov vm11;
	v16 =	vpsel p0, v22, v0;
	v3 =	vpsel p0, v3, v0  }
0x2d3: {  	v11 =	vpsel p0, v11, v0;
	v12 =	vadd.f32 $1.935434640e-01, v12;
	v14 =	vadd.f32 $1.935434640e-01, v14  }
0x2d4: {  	vm1 =	vmmov @p0 vm1;
	v3 =	vmul.f32 @p0 v3, v17;
	v11 =	vmul.f32 @p0 v11, v16  }
0x2d5: {  	vm3 =	vmmov vm10;
	v12 =	vmul.f32 v12, v55;
	v14 =	vmul.f32 v14, v56  }
0x2d6: {  	v20 =	vpsel p0, v21, v0;
	v3 =	vadd.f32 @p0 $9.999772310e-01, v3;
	v11 =	vadd.f32 @p0 $9.999772310e-01, v11  }
0x2d7: {  	v17 =	vpsel p0, v19, v0;
	v12 =	vadd.f32 $-3.326234820e-01, v12;
	v14 =	vadd.f32 $-3.326234820e-01, v14  }
0x2d8: {  	vm1 =	vmmov @p0 vm1;
	v3 =	vmul.f32 @p0 v3, v17;
	v11 =	vmul.f32 @p0 v11, v20  }
0x2d9: {  	vm13 =	vmmov vm3;
	v12 =	vmul.f32 v12, v55;
	v14 =	vmul.f32 v14, v56  }
0x2da: {  	vm2 =	vlt.f32 @p0 v18, $0.0e+00;
	v16 =	vsub.f32 @p0 $1.570796370e+00, v3;
	v15 =	vsub.f32 @p0 $1.570796370e+00, v11  }
0x2db: {  	v0 =	vpsel p0, v0, v0;
	v12 =	vadd.f32 $9.999772310e-01, v12;
	v14 =	vadd.f32 $9.999772310e-01, v14  }
0x2dc: {  	v3 =	vsel @p0 vm0, v16, v3;
	vm0 =	vlt.f32 @p0 v0, $0.0e+00;
	v0 =	vsel @p0 vm1, v15, v11  }
0x2dd: {  	v11 =	vsub.f32 @p0 $3.141592740e+00, v3;
	v12 =	vmul.f32 v12, v13;
	v14 =	vmul.f32 v14, v23  }
0x2de: {  	v2 =	vpsel p1, v2, v8;
	v1 =	vpsel p1, v1, v8;
	v15 =	vsub.f32 @p0 $3.141592740e+00, v0  }
0x2df: {  	v3 =	vsel @p0 vm0, v11, v3;
	v13 =	vsub.f32 $1.570796370e+00, v12;
	v11 =	vsub.f32 $1.570796370e+00, v14  }
0x2e0: {  	vm1 =	vmmov vm12;
	v0 =	vsel @p0 vm2, v15, v0;
	v2 =	vadd.f32 @p0 v3, v2  }
.Ltmp15:
0x2e1: {  	v0 =	vadd.f32 @p0 v0, v1;
	v3 =	vsel vm13, v13, v12;
	v1 =	vsel vm1, v11, v14;
	(pc) =	sbr.rel .LBB2_28-.Ltmp15, $4  }
0x2e2: {  	v11 =	vsub.f32 $3.141592740e+00, v3;
	v63 =	vsub.f32 $3.141592740e+00, v1  }
0x2e3: {  	vm14 =	vlt.f32 v10, $0.0e+00;
	vm15 =	vlt.f32 v9, $0.0e+00;
	v2 =	vpsel p0, v2, v8  }
0x2e4: {  	v0 =	vpsel p0, v0, v8;
	v3 =	vsel vm15, v11, v3;
	v1 =	vsel vm14, v63, v1  }
0x2e5: {  	v8 =	vadd.f32 v3, v2;
	v3 =	vadd.f32 v1, v0  }
.LBB2_17:
.Ltmp16:
0x2e6: {  	(pc) =	sbr.rel .LBB2_27-.Ltmp16, $2  }
0x2e7: {  	_ =	sdelay $0x2  }
0x2e8: {  	s23 =	simm.s32 $0x0;
	v44 =	vimm.f32 $0.0e+00;
	v45 =	vimm.f32 $0.0e+00  }
.LBB2_19:
.Ltmp17:
0x2e9: {  	(pc) =	sbr.rel .LBB2_27-.Ltmp17, $2  }
0x2ea: {  	_ =	sdelay $0x2  }
0x2eb: {  	v44 =	vimm.f32 $0.0e+00;
	v45 =	vimm.f32 $0.0e+00  }
.LBB2_21:
.Ltmp18:
0x2ec: {  	(pc) =	sbr.rel .LBB2_27-.Ltmp18, $2  }
0x2ed: {  	_ =	sdelay $0x2  }
0x2ee: {  	v35 =	vmovc v15;
	v37 =	vmov v16;
	s23 =	simm.s32 $0x2;
	v44 =	vimm.f32 $0.0e+00;
	v45 =	vimm.f32 $0.0e+00  }
.LBB2_23:
.Ltmp19:
0x2ef: {  	(pc) =	sbr.rel .LBB2_27-.Ltmp19, $4  }
0x2f0: {  	vm4 =	vmmov vm0;
	vm5 =	vmmov vm1  }
0x2f1: {  	v50 =	vmovc v20;
	v49 =	vmovc v23;
	v57 =	vmov v28;
	v51 =	vmov v27;
	v54 =	vmov v25  }
0x2f2: {  	v53 =	vmovc v26;
	v42 =	vmovc v22;
	v36 =	vmov v15;
	v35 =	vmov v18;
	v39 =	vmov v16  }
0x2f3: {  	s23 =	simm.s32 $0x3;
	v37 =	vmovc v19;
	v30 =	vmovc v21;
	v44 =	vimm.f32 $0.0e+00;
	v45 =	vimm.f32 $0.0e+00;
	v56 =	vmov v29  }
.LBB2_25:
.Ltmp20:
0x2f4: {  	(pc) =	sbr.rel .LBB2_27-.Ltmp20, $3  }
0x2f5: {  	_ =	sdelay $0x1  }
0x2f6: {  	v43 =	vmov v15  }
0x2f7: {  	v36 =	vmovc v18;
	v46 =	vmovc v16;
	v39 =	vmov v19;
	v44 =	vimm.f32 $0.0e+00;
	v45 =	vimm.f32 $0.0e+00  }
.LBB2_29:
0x2f8: {  	s17 =	simm.s32 $0x0;
	s18 =	simm.s32 $0x14300  }
.LBB2_30:
0x2f9: {  	s19 =	sshra.s32 s17, $0x2  }
0x2fa: {  	v0 =	vld [tilespmem:s19+$0x13E00]  }
0x2fb: {  	v1 =	vld [tilespmem:s19+$0x13F80]  }
0x2fc: {  	v7 =	vld [tilespmem:s19+$0x14100];
	_ =	sdelay $0x3  }
0x2fd: {  	v2 =	vbroadcast v0, $0x0;
	v3 =	vbroadcast v1, $0x0  }
0x2fe: {  	v8 =	vbroadcast v7, $0x0;
	v9 =	vbroadcast v0, $0x1  }
0x2ff: {  	v10 =	vbroadcast v1, $0x1;
	v11 =	vbroadcast v7, $0x1  }
0x300: {  	v12 =	vbroadcast v0, $0x2;
	v13 =	vbroadcast v1, $0x2  }
0x301: {  	v14 =	vbroadcast v7, $0x2;
	v15 =	vbroadcast v0, $0x3  }
0x302: {  	v16 =	vbroadcast v1, $0x3;
	v17 =	vbroadcast v7, $0x3  }
0x303: {  	v18 =	vbroadcast v0, $0x4;
	v19 =	vbroadcast v1, $0x4  }
0x304: {  	v20 =	vbroadcast v7, $0x4;
	v21 =	vbroadcast v0, $0x5  }
0x305: {  	v22 =	vbroadcast v1, $0x5;
	v23 =	vbroadcast v7, $0x5  }
0x306: {  	v24 =	vbroadcast v0, $0x6;
	v25 =	vbroadcast v1, $0x6  }
0x307: {  	v26 =	vbroadcast v7, $0x6;
	v27 =	vbroadcast v0, $0x7  }
0x308: {  	v47 =	vbroadcast v1, $0x7;
	v49 =	vbroadcast v7, $0x7  }
0x309: {  	v50 =	vbroadcast v0, $0x8;
	v52 =	vbroadcast v1, $0x8  }
0x30a: {  	v54 =	vbroadcast v7, $0x8;
	v56 =	vbroadcast v0, $0x9  }
0x30b: {  	v58 =	vbroadcast v1, $0x9;
	v60 =	vbroadcast v7, $0x9  }
0x30c: {  	v62 =	vbroadcast v0, $0xA;
	v30 =	vbroadcast v1, $0xA  }
0x30d: {  	v32 =	vbroadcast v7, $0xA;
	v34 =	vbroadcast v0, $0xB  }
0x30e: {  	v36 =	vbroadcast v1, $0xB;
	v38 =	vbroadcast v7, $0xB  }
0x30f: {  	v40 =	vbroadcast v0, $0xC;
	v42 =	vbroadcast v1, $0xC  }
0x310: {  	v45 =	vbroadcast v7, $0xC;
	v2 =	vmul.f32 v2, v4  }
0x311: {  	v3 =	vmul.f32 v3, v6;
	v8 =	vmul.f32 v8, v5  }
0x312: {  	v9 =	vmul.f32 v9, v4;
	v10 =	vmul.f32 v10, v6  }
0x313: {  	v11 =	vmul.f32 v11, v5;
	v12 =	vmul.f32 v12, v4  }
0x314: {  	v13 =	vmul.f32 v13, v6;
	v14 =	vmul.f32 v14, v5  }
0x315: {  	v15 =	vmul.f32 v15, v4;
	v16 =	vmul.f32 v16, v6  }
0x316: {  	v17 =	vmul.f32 v17, v5;
	v18 =	vmul.f32 v18, v4  }
0x317: {  	v19 =	vmul.f32 v19, v6;
	v20 =	vmul.f32 v20, v5  }
0x318: {  	v21 =	vmul.f32 v21, v4;
	v22 =	vmul.f32 v22, v6  }
0x319: {  	v23 =	vmul.f32 v23, v5;
	v24 =	vmul.f32 v24, v4  }
0x31a: {  	v25 =	vmul.f32 v25, v6;
	v48 =	vmul.f32 v27, v4  }
0x31b: {  	v51 =	vmul.f32 v49, v5;
	v53 =	vmul.f32 v50, v4  }
0x31c: {  	v55 =	vmul.f32 v52, v6;
	v57 =	vmul.f32 v54, v5  }
0x31d: {  	v59 =	vmul.f32 v56, v4;
	v61 =	vmul.f32 v58, v6  }
0x31e: {  	v63 =	vmul.f32 v60, v5;
	v31 =	vmul.f32 v62, v4  }
0x31f: {  	v33 =	vmul.f32 v30, v6;
	v35 =	vmul.f32 v32, v5  }
0x320: {  	v37 =	vmul.f32 v34, v4;
	v39 =	vmul.f32 v36, v6  }
0x321: {  	v41 =	vmul.f32 v38, v5;
	v2 =	vadd.f32 v3, v2;
	v9 =	vadd.f32 v10, v9  }
0x322: {  	v44 =	vmul.f32 v40, v4;
	v12 =	vadd.f32 v13, v12;
	v15 =	vadd.f32 v16, v15  }
0x323: {  	v49 =	vmul.f32 v45, v5;
	v18 =	vadd.f32 v19, v18;
	v21 =	vadd.f32 v22, v21  }
0x324: {  	v50 =	vbroadcast v1, $0xD;
	v24 =	vadd.f32 v25, v24;
	v43 =	vadd.f32 v55, v53  }
0x325: {  	v52 =	vbroadcast v7, $0xD;
	v46 =	vadd.f32 v61, v59;
	v2 =	vadd.f32 v8, v2  }
0x326: {  	v54 =	vbroadcast v0, $0xE;
	v53 =	vadd.f32 v33, v31;
	v9 =	vadd.f32 v11, v9  }
0x327: {  	v3 =	vmul.f32 v26, v5;
	v10 =	vadd.f32 v39, v37;
	v12 =	vadd.f32 v14, v12;
	[tilespmem:s18+$0xFFFFFF80] =	vst v2  }
0x328: {  	v55 =	vbroadcast v1, $0xE;
	v56 =	vmul.f32 v54, v4;
	v15 =	vadd.f32 v17, v15;
	[tilespmem:s18+$0xFFFFFF90] =	vst v9  }
0x329: {  	v1 =	vbroadcast v1, $0xF;
	v59 =	vbroadcast v7, $0xE;
	v18 =	vadd.f32 v20, v18;
	[tilespmem:s18+$0xFFFFFFA0] =	vst v12  }
0x32a: {  	v7 =	vbroadcast v7, $0xF;
	v8 =	vmul.f32 v47, v6;
	v21 =	vadd.f32 v23, v21;
	[tilespmem:s18+$0xFFFFFFB0] =	vst v15  }
0x32b: {  	v3 =	vadd.f32 v3, v24;
	v47 =	vmul.f32 v42, v6;
	v14 =	vmul.f32 v50, v6;
	[tilespmem:s18+$0xFFFFFFC0] =	vst v18  }
0x32c: {  	v1 =	vmul.f32 v1, v6;
	v8 =	vadd.f32 v8, v48;
	v2 =	vadd.f32 v57, v43;
	[tilespmem:s18+$0xFFFFFFD0] =	vst v21  }
0x32d: {  	v48 =	vbroadcast v0, $0xD;
	v9 =	vadd.f32 v63, v46;
	[tilespmem:s18+$0xFFFFFFE0] =	vst v3;
	v3 =	vadd.f32 v35, v53  }
0x32e: {  	v0 =	vbroadcast v0, $0xF;
	v57 =	vmul.f32 v55, v6;
	v58 =	vadd.f32 v47, v44;
	[tilespmem:s18+$0x0] =	vst v2  }
0x32f: {  	v61 =	vmul.f32 v59, v5;
	v8 =	vadd.f32 v51, v8;
	v51 =	vmul.f32 v48, v4;
	[tilespmem:s18+$0x10] =	vst v9  }
0x330: {  	v0 =	vmul.f32 v0, v4;
	[tilespmem:s18+$0x20] =	vst v3;
	v2 =	vadd.f32 v49, v58;
	v3 =	vadd.f32 v57, v56  }
0x331: {  	p0 =	sne.s32 s17, $0x5C0;
	v16 =	vmul.f32 v52, v5;
	[tilespmem:s18+$0xFFFFFFF0] =	vst v8;
	v8 =	vadd.f32 v41, v10;
	v60 =	vadd.f32 v14, v51  }
.Ltmp21:
0x332: {  	v62 =	vmul.f32 v7, v5;
	v0 =	vadd.f32 v1, v0;
	[tilespmem:s18+$0x40] =	vst v2;
	v63 =	vadd.f32 v61, v3;
	(pc) =	sbr.rel @p0 .LBB2_30-.Ltmp21, $4  }
0x333: {  	[tilespmem:s18+$0x30] =	vst v8;
	v8 =	vadd.f32 v16, v60  }
0x334: {  	v0 =	vadd.f32 v62, v0;
	[tilespmem:s18+$0x60] =	vst v63  }
0x335: {  	[tilespmem:s18+$0x50] =	vst v8  }
0x336: {  	s17 =	sadd.s32 $0x40, s17;
	[tilespmem:s18+$0x70] =	vst v0;
	s18 =	sadd.s32 $0x100, s18  }
0x337: {  	s4 =	sadd.s32 $0x1, s4  }
0x338: {  	p0 =	sne.s32 s4, s16  }
.Ltmp22:
0x339: {  	_ = 	snop;
	(pc) =	sbr.rel @p0 .LBB2_1-.Ltmp22, $4  }
0x33a: {  	[hbm4b:s15+s5] =	stream.linear.scatter [tilespmem:s0], [sflag:$0x2], $0x1800, $0x38;
	[tilespmem:$0x16380] =	vst v63  }
0x33b: {  	_ =	swait.ge [sflag:s1], $0x1800  }
0x33c: {  	[sflag:s1] =	ssyncset.done $0x0  }
0x33d: {  	[sflag:s1] =	ssyncadd.s32 $0xFFFFE800  }
0x33e: {  	_ =	sfence.sel $0x180000  }
0x33f: {  	[bflag:$0x0] =	sbarrier.arrive $0xFFFF  }
0x340: {  	_ =	strace $0x90000047  }
0x341: {  	s0 =	stileid.u32;
	[bflag:$0x2] =	sbarrier.arrive $0xFFFF  }
0x342: {  	p0 =	sne.s32 s0, $0x0;
	s0 =	rddreg [dreg:$0x3]  }
0x343: {  	s0 =	sadd.s32 @!p0 $0x100000, s0  }
0x344: {  	[sflag:s0] =	ssyncadd.tile.s32 @!p0 $0x1;
	_ =	shalt  }
.Lfunc_end2:
_tile_overlayer_lowered:
.L_overlay_start_2:
0x345: {  	(tag) =	ssettag $0x2  }
0x346: {  	s0 =	rddreg [dreg:$0x0];
	s2 =	stileid.u32  }
0x347: {  	s1 =	rddreg [dreg:$0x1];
	p0 =	sne.s32 s2, $0x0  }
0x348: {  	s3 =	rddreg [dreg:$0x2];
	[bflag:$0x3] =	sbarrier.arrive $0xFFFF;
	s2 =	simm.s32 @!p0 $0x1C02  }
0x349: {  	[timem:s3], [sflag:s2] =	dma.local @!p0 [hbm:s0], s1  }
0x34a: {  	s0 =	simm.s32 @!p0 $0x2  }
0x34b: {  	_ =	swait.ge @!p0 [sflag:s0], s1  }
0x34c: {  	s1 =	ssub.s32 @!p0 $0x0, s1;
	[sflag:s0] =	ssyncset.done @!p0 $0x0  }
0x34d: {  	[sflag:s0] =	ssyncadd.s32 @!p0 s1  }
0x34e: {  	[bflag:$0x3] =	sbarrier.arrive $0xFFFF  }
0x34f: {  	_ =	shalt  }

</sc_bundles>
